<compile_context>
chip_gen: v7x
topology: tpu7x:2x2x1
jax: 0.10.2.dev20260603
libtpu: 0.0.44.dev20260713+nightly
codegen_flags: <defaults>
</compile_context>

<pallas_src>
import functools

import jax
import jax.numpy as jnp
from jax import lax
from jax.experimental import pallas as pl
from jax.experimental.pallas import tpu as pltpu
from jax.experimental.pallas import tpu_sc as plsc

N = 10000
D_IN = 128
HID = 128
NCLS = 64
E = 320000
TE = 320000

NC = 2
NS = 16
NW = NC * NS
CHUNK = 128
ECH = 80
KBUF = 4
E_PAD = NW * ECH * CHUNK
N_PAD = 10112
ROWS_PER_TILE = N_PAD // NS
E_PER_TILE = E_PAD // NW
TE_PAD = E_PAD
TE_PER_TILE = TE_PAD // NW

_MESH = plsc.VectorSubcoreMesh(
    core_axis_name="c", subcore_axis_name="s", num_cores=NC, num_subcores=NS)

_SC_PARAMS = pltpu.CompilerParams(needs_layout_passes=False,
                                  use_tc_tiling_on_sc=False)



@functools.partial(
    pl.kernel,
    out_type=jax.ShapeDtypeStruct((NW * N_PAD,), jnp.float32),
    mesh=_MESH,
    compiler_params=_SC_PARAMS,
    scratch_types=[
        pltpu.VMEM((E_PER_TILE,), jnp.int32),
        pltpu.VMEM((N_PAD,), jnp.float32),
    ],
)
def _deg_kernel(dst_hbm, out_hbm, idx_v, cnt_v):
    c = lax.axis_index("c")
    s = lax.axis_index("s")
    w = c * NS + s
    pltpu.sync_copy(dst_hbm.at[pl.ds(w * E_PER_TILE, E_PER_TILE)], idx_v)
    zero16 = jnp.zeros((16,), jnp.float32)

    def zbody(i, _):
        cnt_v[pl.ds(i * 16, 16)] = zero16
        return 0

    lax.fori_loop(0, N_PAD // 16, zbody, 0)
    one16 = jnp.ones((16,), jnp.float32)

    def body(i, _):
        idx = idx_v[pl.ds(i * 16, 16)]
        plsc.addupdate_scatter(cnt_v, [idx], one16)
        return 0

    lax.fori_loop(0, E_PER_TILE // 16, body, 0)
    pltpu.sync_copy(cnt_v, out_hbm.at[pl.ds(w * N_PAD, N_PAD)])



def _make_gather_scatter(D, nbuf):
    scratch = ([pltpu.VMEM((ECH, CHUNK), jnp.int32),
                pltpu.VMEM((ECH, CHUNK), jnp.int32)]
               + [pltpu.VMEM((CHUNK, D), jnp.float32) for _ in range(nbuf)]
               + [pltpu.VMEM_SHARED((N_PAD, D), jnp.float32)]
               + [pltpu.SemaphoreType.DMA for _ in range(2 * nbuf)])

    @functools.partial(
        pl.kernel,
        out_type=jax.ShapeDtypeStruct((NC, N_PAD, D), jnp.float32),
        mesh=_MESH,
        compiler_params=_SC_PARAMS,
        scratch_types=scratch,
    )
    def k(src_hbm, dst_hbm, h_hbm, zeros_hbm, out_hbm, src_v, dst_v, *rest):
        rows = rest[:nbuf]
        acc = rest[nbuf]
        sems = rest[nbuf + 1:]
        c = lax.axis_index("c")
        s = lax.axis_index("s")
        pltpu.sync_copy(src_hbm.at[c, s], src_v)
        pltpu.sync_copy(dst_hbm.at[c, s], dst_v)
        row0 = s * ROWS_PER_TILE
        pltpu.sync_copy(zeros_hbm.at[pl.ds(row0, ROWS_PER_TILE)],
                        acc.at[pl.ds(row0, ROWS_PER_TILE)])
        plsc.subcore_barrier()

        def body(p, _):
            jb = p * nbuf
            gs = [pltpu.async_copy(h_hbm.at[src_v.at[jb + b]], rows[b],
                                   sems[b]) for b in range(nbuf)]
            ss = []
            for b in range(nbuf):
                gs[b].wait()
                ss.append(pltpu.async_copy(rows[b], acc.at[dst_v.at[jb + b]],
                                           sems[nbuf + b], add=True))
            for cp in ss:
                cp.wait()
            return 0

        lax.fori_loop(0, ECH // nbuf, body, 0)
        plsc.subcore_barrier()
        pltpu.sync_copy(acc.at[pl.ds(row0, ROWS_PER_TILE)],
                        out_hbm.at[c, pl.ds(row0, ROWS_PER_TILE)])

    return k


_gs_hid = _make_gather_scatter(HID, 1)
_gs_cls = _make_gather_scatter(NCLS, 2)



def _make_dist(D):
    scratch = ([pltpu.VMEM((ECH, CHUNK), jnp.int32),
                pltpu.VMEM((ECH, CHUNK), jnp.int32)]
               + [pltpu.VMEM((CHUNK, D), jnp.float32) for _ in range(KBUF)]
               + [pltpu.SemaphoreType.DMA for _ in range(3 * KBUF)])

    @functools.partial(
        pl.kernel,
        out_type=jax.ShapeDtypeStruct((TE_PAD, D), jnp.float32),
        mesh=_MESH,
        compiler_params=_SC_PARAMS,
        scratch_types=scratch,
    )
    def k(pos_hbm, neg_hbm, t0_hbm, t1_hbm, out_hbm, t0_v, t1_v, *rest):
        rows = rest[:KBUF]
        semg = rest[KBUF:2 * KBUF]
        sema = rest[2 * KBUF:3 * KBUF]
        semw = rest[3 * KBUF:4 * KBUF]
        c = lax.axis_index("c")
        s = lax.axis_index("s")
        w = c * NS + s
        base = w * E_PER_TILE

        pltpu.sync_copy(t0_hbm.at[c, s], t0_v)
        pltpu.sync_copy(t1_hbm.at[c, s], t1_v)

        def body(p, _):
            jb = p * KBUF
            cg = [pltpu.async_copy(pos_hbm.at[t0_v.at[jb + b]], rows[b],
                                   semg[b]) for b in range(KBUF)]
            ca = []
            for b in range(KBUF):
                cg[b].wait()
                ca.append(pltpu.async_copy(neg_hbm.at[t1_v.at[jb + b]],
                                           rows[b], sema[b], add=True))
            cw = []
            for b in range(KBUF):
                ca[b].wait()
                cw.append(pltpu.async_copy(
                    rows[b],
                    out_hbm.at[pl.ds(base + (jb + b) * CHUNK, CHUNK)],
                    semw[b]))
            for cp in cw:
                cp.wait()
            return 0

        lax.fori_loop(0, ECH // KBUF, body, 0)

    return k


_dist_hid = _make_dist(HID)
_dist_cls = _make_dist(NCLS)



def _tc1_body(x_ref, w1_ref, cnt_ref, hp_ref, xneg_ref, dinv_ref):
    cs = jnp.sum(cnt_ref[...], axis=0)
    deg = cs[:N] + 1.0
    y = lax.rsqrt(deg)
    dinv = y * (1.5 - 0.5 * deg * y * y)
    dinv_ref[...] = dinv
    xx = x_ref[...]
    xneg_ref[...] = -xx
    h = jnp.dot(xx.astype(jnp.bfloat16), w1_ref[...].astype(jnp.bfloat16),
                preferred_element_type=jnp.float32)
    hp_ref[...] = h * dinv[:, None]


def _tc3_body(p_ref, hp_ref, dinv_ref, b1_ref, w2_ref,
              h1_ref, h1neg_ref, h2p_ref):
    agg = p_ref[0, :N, :] + p_ref[1, :N, :] + hp_ref[...]
    dinv = dinv_ref[...]
    h1 = jnp.maximum(agg * dinv[:, None] + b1_ref[...][None, :], 0.0)
    h1_ref[...] = h1
    h1neg_ref[...] = -h1
    h2r = jnp.dot(h1.astype(jnp.bfloat16), w2_ref[...].astype(jnp.bfloat16),
                  preferred_element_type=jnp.float32)
    h2p_ref[...] = h2r * dinv[:, None]


def _tc4_body(p_ref, h2p_ref, dinv_ref, b2_ref, h2_ref, h2neg_ref):
    agg = p_ref[0, :N, :] + p_ref[1, :N, :] + h2p_ref[...]
    h2 = agg * dinv_ref[...][:, None] + b2_ref[...][None, :]
    h2_ref[...] = h2
    h2neg_ref[...] = -h2


_tc1 = pl.pallas_call(
    _tc1_body,
    out_shape=(jax.ShapeDtypeStruct((N, HID), jnp.float32),
               jax.ShapeDtypeStruct((N, D_IN), jnp.float32),
               jax.ShapeDtypeStruct((N,), jnp.float32)),
)

_tc3 = pl.pallas_call(
    _tc3_body,
    out_shape=(jax.ShapeDtypeStruct((N, HID), jnp.float32),
               jax.ShapeDtypeStruct((N, HID), jnp.float32),
               jax.ShapeDtypeStruct((N, NCLS), jnp.float32)),
)

_tc4 = pl.pallas_call(
    _tc4_body,
    out_shape=(jax.ShapeDtypeStruct((N, NCLS), jnp.float32),
               jax.ShapeDtypeStruct((N, NCLS), jnp.float32)),
)

EB = 4096
NB = TE_PAD // EB


def _tc5_body(d1_ref, d2_ref, d3_ref, s1w_ref, s2w_ref, s3w_ref, s3b_ref,
              o3_ref, sum_ref):
    b = pl.program_id(0)
    d1 = d1_ref[...].astype(jnp.bfloat16)
    d2 = d2_ref[...].astype(jnp.bfloat16)
    d3 = d3_ref[...].astype(jnp.bfloat16)
    w1 = s1w_ref[...].astype(jnp.bfloat16)[:, None]
    w2 = s2w_ref[...].astype(jnp.bfloat16)[:, None]
    w3 = s3w_ref[...].astype(jnp.bfloat16)[:, None]
    e1 = jnp.dot(d1, w1, preferred_element_type=jnp.float32)[:, 0]
    e2 = jnp.dot(d2, w2, preferred_element_type=jnp.float32)[:, 0]
    e3 = jnp.dot(d3, w3, preferred_element_type=jnp.float32)[:, 0]
    o3_ref[...] = jnp.maximum(e3 + s3b_ref[...], 0.0)
    gid = b * EB + lax.broadcasted_iota(jnp.int32, (EB,), 0)
    part = jnp.sum(jnp.where(gid < TE, e1 + e2 + e3, 0.0))

    @pl.when(b == 0)
    def _():
        sum_ref[...] = jnp.zeros_like(sum_ref)

    sum_ref[...] += jnp.full((8, 128), part, jnp.float32)


_tc5 = pl.pallas_call(
    _tc5_body,
    grid=(NB,),
    in_specs=[
        pl.BlockSpec((EB, HID), lambda b: (b, 0)),
        pl.BlockSpec((EB, HID), lambda b: (b, 0)),
        pl.BlockSpec((EB, NCLS), lambda b: (b, 0)),
        pl.BlockSpec((D_IN,), lambda b: (0,)),
        pl.BlockSpec((HID,), lambda b: (0,)),
        pl.BlockSpec((NCLS,), lambda b: (0,)),
        pl.BlockSpec((1,), lambda b: (0,)),
    ],
    out_specs=(pl.BlockSpec((EB,), lambda b: (b,)),
               pl.BlockSpec((8, 128), lambda b: (0, 0))),
    out_shape=(jax.ShapeDtypeStruct((TE_PAD,), jnp.float32),
               jax.ShapeDtypeStruct((8, 128), jnp.float32)),
)



def kernel(x, masked_nodes, pos_edge_index, neg_edge_index, edge_index,
           W1, b1, W2, b2, s1w, s1b, s2w, s2b, s3w, s3b):
    src = edge_index[0].astype(jnp.int32)
    dst = edge_index[1].astype(jnp.int32)
    pad_ar = jnp.arange(E_PAD - E, dtype=jnp.int32)
    pad_src = pad_ar % N
    pad_dst = N + pad_ar % (N_PAD - N)
    src_p = jnp.concatenate([src, pad_src]).reshape(NC, NS, ECH, CHUNK)
    dst_flat = jnp.concatenate([dst, pad_dst])
    dst_p = dst_flat.reshape(NC, NS, ECH, CHUNK)
    pad_t = jnp.arange(TE_PAD - TE, dtype=jnp.int32) % N
    t0 = jnp.concatenate(
        [pos_edge_index[0], neg_edge_index[0], pad_t]).astype(jnp.int32)
    t1 = jnp.concatenate(
        [pos_edge_index[1], neg_edge_index[1], pad_t]).astype(jnp.int32)
    t0_p = t0.reshape(NC, NS, ECH, CHUNK)
    t1_p = t1.reshape(NC, NS, ECH, CHUNK)

    cnt = _deg_kernel(dst_flat).reshape(NW, N_PAD)
    hp, xneg, dinv = _tc1(x, W1, cnt)
    dist1 = _dist_hid(x, xneg, t0_p, t1_p)
    parts1 = _gs_hid(src_p, dst_p, hp, jnp.zeros((N_PAD, HID), jnp.float32))
    h1, h1neg, h2p = _tc3(parts1, hp, dinv, b1, W2)
    dist2 = _dist_hid(h1, h1neg, t0_p, t1_p)
    parts2 = _gs_cls(src_p, dst_p, h2p, jnp.zeros((N_PAD, NCLS), jnp.float32))
    h2, h2neg = _tc4(parts2, h2p, dinv, b2)
    dist3 = _dist_cls(h2, h2neg, t0_p, t1_p)
    o3_pad, sums = _tc5(dist1, dist2, dist3, s1w, s2w, s3w, s3b)
    score_loss = sums[0, 0] / TE
    return (o3_pad[:TE], score_loss)

# --- scband reference (transcript-rebuilt; emitter-appended) ---
"""Pipeline reference for scband-net-53712861003992 (READ-ONLY COPY).

The authoritative reference and input builder live on the scoring server;
editing this copy changes nothing except your own understanding.
"""

import jax, jax.numpy as jnp
import numpy as np

N = 10000
D_IN = 128
HID = 128
NCLS = 64
E = 320000
EP = 160000


def _gcn(x, src, dst, W, b, n):
    loop = jnp.arange(n)
    s = jnp.concatenate([src, loop])
    d = jnp.concatenate([dst, loop])
    deg = jnp.zeros((n,), x.dtype).at[d].add(1.0)
    dinv = jnp.where(deg > 0, jax.lax.rsqrt(deg), 0.0)
    norm = dinv[s] * dinv[d]
    h = x @ W
    msg = jnp.take(h, s, axis=0) * norm[:, None]
    out = jax.ops.segment_sum(msg, d, num_segments=n)
    return out + b


def setup_inputs(seed: int = 0):
    key = jax.random.key(seed)
    ks = jax.random.split(key, 12)
    x = jax.random.normal(ks[0], (N, D_IN), dtype=jnp.float32)
    masked_nodes = jnp.zeros((N,), dtype=bool)
    pos_edge_index = jax.random.randint(ks[1], (2, EP), 0, N)
    neg_edge_index = jax.random.randint(ks[2], (2, EP), 0, N)
    edge_index = jax.random.randint(ks[3], (2, E), 0, N)
    sc1 = 1.0 / np.sqrt(D_IN)
    sc2 = 1.0 / np.sqrt(HID)
    sc3 = 1.0 / np.sqrt(NCLS)
    W1 = jax.random.uniform(ks[4], (D_IN, HID), minval=-sc1, maxval=sc1, dtype=jnp.float32)
    b1 = jnp.zeros((HID,), dtype=jnp.float32)
    W2 = jax.random.uniform(ks[5], (HID, NCLS), minval=-sc2, maxval=sc2, dtype=jnp.float32)
    b2 = jnp.zeros((NCLS,), dtype=jnp.float32)
    s1w = jax.random.uniform(ks[6], (D_IN,), minval=-sc1, maxval=sc1, dtype=jnp.float32)
    s1b = jax.random.uniform(ks[7], (1,), minval=-sc1, maxval=sc1, dtype=jnp.float32)
    s2w = jax.random.uniform(ks[8], (HID,), minval=-sc2, maxval=sc2, dtype=jnp.float32)
    s2b = jax.random.uniform(ks[9], (1,), minval=-sc2, maxval=sc2, dtype=jnp.float32)
    s3w = jax.random.uniform(ks[10], (NCLS,), minval=-sc3, maxval=sc3, dtype=jnp.float32)
    s3b = jax.random.uniform(ks[11], (1,), minval=-sc3, maxval=sc3, dtype=jnp.float32)
    return {"x": x, "masked_nodes": masked_nodes, "pos_edge_index": pos_edge_index,
            "neg_edge_index": neg_edge_index, "edge_index": edge_index,
            "W1": W1, "b1": b1, "W2": W2, "b2": b2,
            "s1w": s1w, "s1b": s1b, "s2w": s2w, "s2b": s2b, "s3w": s3w, "s3b": s3b}


def reference(x, masked_nodes, pos_edge_index, neg_edge_index, edge_index,
              W1, b1, W2, b2, s1w, s1b, s2w, s2b, s3w, s3b):
    n = x.shape[0]
    tei = jnp.concatenate([pos_edge_index, neg_edge_index], axis=-1)
    x_j = jnp.take(x, tei[0], axis=0)
    x_i = jnp.take(x, tei[1], axis=0)
    dist1 = x_j - x_i
    o1 = jax.nn.relu(dist1 @ s1w + s1b[0])
    h1 = jax.nn.relu(_gcn(x, edge_index[0], edge_index[1], W1, b1, n))
    dist2 = jnp.take(h1, tei[0], axis=0) - jnp.take(h1, tei[1], axis=0)
    o2 = jax.nn.relu(dist2 @ s2w + s2b[0])
    h2 = _gcn(h1, edge_index[0], edge_index[1], W2, b2, n)
    dist3 = jnp.take(h2, tei[0], axis=0) - jnp.take(h2, tei[1], axis=0)
    o3 = jax.nn.relu(dist3 @ s3w + s3b[0])
    score_loss = (dist1 @ s1w).mean() + (dist2 @ s2w).mean() + (dist3 @ s3w).mean()
    return (o3, score_loss)

if __name__ == "__main__":
    import jax
    _d = setup_inputs()
    print(jax.jit(kernel)(*tuple(_d.values())))

</pallas_src>

<mosaic_0001>
#map = affine_map<(d0, d1) -> (0)>
module attributes {stable_mosaic.version = 14 : i64} {
  func.func @_deg_kernel(%arg0: i32, %arg1: i32, %arg2: memref<327680xi32, #tpu.memory_space<hbm>>, %arg3: memref<323584xf32, #tpu.memory_space<hbm>>, %arg4: memref<10240xi32, #tpu.memory_space<vmem>>, %arg5: memref<10112xf32, #tpu.memory_space<vmem>>) attributes {dimension_semantics = [#tpu.dimension_semantics<core_parallel>, #tpu.dimension_semantics<subcore_parallel>], iteration_bounds = array<i64: 2, 16>, scalar_prefetch = 0 : i64, scratch_operands = 2 : i64, tpu.core_type = #tpu.core_type<sc_vector_subcore>, window_params = [{transform_indices = #map}, {transform_indices = #map}]} {
    %mul3A = arith.constant 16 : i32
    %mul3A_0 = arith.muli %arg0, %mul3A : i32
    %add3A = arith.addi %mul3A_0, %arg1 : i32
    %mul3A_1 = arith.constant 10240 : i32
    %mul3A_2 = arith.muli %add3A, %mul3A_1 : i32
    "tpu.region"() ({
      %run_scoped3A = tpu.sem_alloc : memref<!tpu.dma_semaphore, #tpu.memory_space<semaphore_mem>>
      %dma_start3A = tpu.memref_slice %arg2[%mul3A_2] : memref<327680xi32, #tpu.memory_space<hbm>> -> memref<10240xi32, #tpu.memory_space<hbm>>
      %dma_start3A_21 = tpu.memref_slice %arg2[%mul3A_2] : memref<327680xi32, #tpu.memory_space<hbm>> -> memref<10240xi32, #tpu.memory_space<hbm>>
      tpu.enqueue_dma source(%dma_start3A_21 : memref<10240xi32, #tpu.memory_space<hbm>>) target(%arg4 : memref<10240xi32, #tpu.memory_space<vmem>>) target_semaphore(%run_scoped3A : memref<!tpu.dma_semaphore, #tpu.memory_space<semaphore_mem>>)
      %dma_wait3A = tpu.memref_slice %arg2[%mul3A_2] : memref<327680xi32, #tpu.memory_space<hbm>> -> memref<10240xi32, #tpu.memory_space<hbm>>
      %dma_wait3A_22 = tpu.memref_slice %arg2[%mul3A_2] : memref<327680xi32, #tpu.memory_space<hbm>> -> memref<10240xi32, #tpu.memory_space<hbm>>
      tpu.wait_dma2 semaphore(%run_scoped3A : memref<!tpu.dma_semaphore, #tpu.memory_space<semaphore_mem>>) src(%dma_wait3A_22 : memref<10240xi32, #tpu.memory_space<hbm>>) dst(%arg4 : memref<10240xi32, #tpu.memory_space<vmem>>)
      tpu.yield
    }) : () -> ()
    %broadcast_in_dim3A = arith.constant 0.000000e+00 : f32
    %broadcast_in_dim3A_3 = vector.broadcast %broadcast_in_dim3A : f32 to vector<16xf32>
    %scan3A = arith.constant 0 : i32
    %scan3A_4 = arith.constant 0 : i32
    %scan3A_5 = arith.constant 632 : i32
    %scan3A_6 = arith.addi %scan3A_4, %scan3A_5 : i32
    %scan3A_7 = arith.constant 1 : i32
    %scan3A_8 = scf.for %scan3A_21 = %scan3A_4 to %scan3A_6 step %scan3A_7 iter_args(%scan3A_22 = %scan3A) -> (i32)  : i32 {
      %mul3A_23 = arith.constant 16 : i32
      %mul3A_24 = arith.muli %scan3A_21, %mul3A_23 : i32
      %swap3A = arith.index_cast %mul3A_24 : i32 to index
      %swap3A_25 = tpu.vector_load %arg5[%swap3A] {strides = array<i32>} : memref<10112xf32, #tpu.memory_space<vmem>>, vector<16xf32>,
      tpu.vector_store %arg5[%swap3A], %broadcast_in_dim3A_3 {strides = array<i32>} : memref<10112xf32, #tpu.memory_space<vmem>>, vector<16xf32>,
      %scan3A_26 = arith.constant 0 : i32
      scf.yield %scan3A_26 : i32
    }
    %scan3A_9 = arith.constant 632 : i32
    %broadcast_in_dim3A_10 = arith.constant 1.000000e+00 : f32
    %broadcast_in_dim3A_11 = vector.broadcast %broadcast_in_dim3A_10 : f32 to vector<16xf32>
    %scan3A_12 = arith.constant 0 : i32
    %scan3A_13 = arith.constant 0 : i32
    %scan3A_14 = arith.constant 640 : i32
    %scan3A_15 = arith.addi %scan3A_13, %scan3A_14 : i32
    %scan3A_16 = arith.constant 1 : i32
    %scan3A_17 = scf.for %scan3A_21 = %scan3A_13 to %scan3A_15 step %scan3A_16 iter_args(%scan3A_22 = %scan3A_12) -> (i32)  : i32 {
      %mul3A_23 = arith.constant 16 : i32
      %mul3A_24 = arith.muli %scan3A_21, %mul3A_23 : i32
      %get3A = arith.index_cast %mul3A_24 : i32 to index
      %get3A_25 = tpu.vector_load %arg4[%get3A] {strides = array<i32>} : memref<10240xi32, #tpu.memory_space<vmem>>, vector<16xi32>,
      tpu.vector_store_idx %arg5[%get3A_25], %broadcast_in_dim3A_11 {add = true} : memref<10112xf32, #tpu.memory_space<vmem>>[vector<16xi32>], vector<16xf32>,
      %scan3A_26 = arith.constant 0 : i32
      scf.yield %scan3A_26 : i32
    }
    %scan3A_18 = arith.constant 640 : i32
    %mul3A_19 = arith.constant 10112 : i32
    %mul3A_20 = arith.muli %add3A, %mul3A_19 : i32
    "tpu.region"() ({
      %run_scoped3A = tpu.sem_alloc : memref<!tpu.dma_semaphore, #tpu.memory_space<semaphore_mem>>
      %dma_start3A = tpu.memref_slice %arg3[%mul3A_20] : memref<323584xf32, #tpu.memory_space<hbm>> -> memref<10112xf32, #tpu.memory_space<hbm>>
      %dma_start3A_21 = tpu.memref_slice %arg3[%mul3A_20] : memref<323584xf32, #tpu.memory_space<hbm>> -> memref<10112xf32, #tpu.memory_space<hbm>>
      tpu.enqueue_dma source(%arg5 : memref<10112xf32, #tpu.memory_space<vmem>>) target(%dma_start3A_21 : memref<10112xf32, #tpu.memory_space<hbm>>) target_semaphore(%run_scoped3A : memref<!tpu.dma_semaphore, #tpu.memory_space<semaphore_mem>>)
      %dma_wait3A = tpu.memref_slice %arg3[%mul3A_20] : memref<323584xf32, #tpu.memory_space<hbm>> -> memref<10112xf32, #tpu.memory_space<hbm>>
      %dma_wait3A_22 = tpu.memref_slice %arg3[%mul3A_20] : memref<323584xf32, #tpu.memory_space<hbm>> -> memref<10112xf32, #tpu.memory_space<hbm>>
      tpu.wait_dma2 semaphore(%run_scoped3A : memref<!tpu.dma_semaphore, #tpu.memory_space<semaphore_mem>>) src(%arg5 : memref<10112xf32, #tpu.memory_space<vmem>>) dst(%dma_wait3A_22 : memref<10112xf32, #tpu.memory_space<hbm>>)
      tpu.yield
    }) : () -> ()
    return
  }
}

#map = affine_map<(d0, d1) -> (0, 0)>
#map1 = affine_map<(d0, d1) -> (0, 0, 0, 0)>
module attributes {stable_mosaic.version = 14 : i64} {
  func.func @k(%arg0: i32, %arg1: i32, %arg2: memref<10000x64xf32, #tpu.memory_space<hbm>>, %arg3: memref<10000x64xf32, #tpu.memory_space<hbm>>, %arg4: memref<2x16x80x128xi32, #tpu.memory_space<hbm>>, %arg5: memref<2x16x80x128xi32, #tpu.memory_space<hbm>>, %arg6: memref<327680x64xf32, #tpu.memory_space<hbm>>, %arg7: memref<80x128xi32, #tpu.memory_space<vmem>>, %arg8: memref<80x128xi32, #tpu.memory_space<vmem>>, %arg9: memref<128x64xf32, #tpu.memory_space<vmem>>, %arg10: memref<128x64xf32, #tpu.memory_space<vmem>>, %arg11: memref<128x64xf32, #tpu.memory_space<vmem>>, %arg12: memref<128x64xf32, #tpu.memory_space<vmem>>, %arg13: memref<!tpu.dma_semaphore, #tpu.memory_space<semaphore_mem>>, %arg14: memref<!tpu.dma_semaphore, #tpu.memory_space<semaphore_mem>>, %arg15: memref<!tpu.dma_semaphore, #tpu.memory_space<semaphore_mem>>, %arg16: memref<!tpu.dma_semaphore, #tpu.memory_space<semaphore_mem>>, %arg17: memref<!tpu.dma_semaphore, #tpu.memory_space<semaphore_mem>>, %arg18: memref<!tpu.dma_semaphore, #tpu.memory_space<semaphore_mem>>, %arg19: memref<!tpu.dma_semaphore, #tpu.memory_space<semaphore_mem>>, %arg20: memref<!tpu.dma_semaphore, #tpu.memory_space<semaphore_mem>>, %arg21: memref<!tpu.dma_semaphore, #tpu.memory_space<semaphore_mem>>, %arg22: memref<!tpu.dma_semaphore, #tpu.memory_space<semaphore_mem>>, %arg23: memref<!tpu.dma_semaphore, #tpu.memory_space<semaphore_mem>>, %arg24: memref<!tpu.dma_semaphore, #tpu.memory_space<semaphore_mem>>) attributes {dimension_semantics = [#tpu.dimension_semantics<core_parallel>, #tpu.dimension_semantics<subcore_parallel>], iteration_bounds = array<i64: 2, 16>, scalar_prefetch = 0 : i64, scratch_operands = 18 : i64, tpu.core_type = #tpu.core_type<sc_vector_subcore>, window_params = [{transform_indices = #map}, {transform_indices = #map}, {transform_indices = #map1}, {transform_indices = #map1}, {transform_indices = #map}]} {
    %mul3A = arith.constant 16 : i32
    %mul3A_0 = arith.muli %arg0, %mul3A : i32
    %add3A = arith.addi %mul3A_0, %arg1 : i32
    %mul3A_1 = arith.constant 10240 : i32
    %mul3A_2 = arith.muli %add3A, %mul3A_1 : i32
    "tpu.region"() ({
      %run_scoped3A = tpu.sem_alloc : memref<!tpu.dma_semaphore, #tpu.memory_space<semaphore_mem>>
      %dma_start3A = arith.constant 0 : i32
      %dma_start3A_9 = arith.constant 0 : i32
      %dma_start3A_10 = tpu.memref_slice %arg4[%arg0, %arg1, %dma_start3A, %dma_start3A_9] : memref<2x16x80x128xi32, #tpu.memory_space<hbm>> -> memref<1x1x80x128xi32, #tpu.memory_space<hbm>>
      %dma_start3A_11 = tpu.memref_squeeze %dma_start3A_10 : memref<1x1x80x128xi32, #tpu.memory_space<hbm>> -> memref<80x128xi32, #tpu.memory_space<hbm>>
      %dma_start3A_12 = arith.constant 0 : i32
      %dma_start3A_13 = arith.constant 0 : i32
      %dma_start3A_14 = tpu.memref_slice %arg4[%arg0, %arg1, %dma_start3A_12, %dma_start3A_13] : memref<2x16x80x128xi32, #tpu.memory_space<hbm>> -> memref<1x1x80x128xi32, #tpu.memory_space<hbm>>
      %dma_start3A_15 = tpu.memref_squeeze %dma_start3A_14 : memref<1x1x80x128xi32, #tpu.memory_space<hbm>> -> memref<80x128xi32, #tpu.memory_space<hbm>>
      tpu.enqueue_dma source(%dma_start3A_15 : memref<80x128xi32, #tpu.memory_space<hbm>>) target(%arg7 : memref<80x128xi32, #tpu.memory_space<vmem>>) target_semaphore(%run_scoped3A : memref<!tpu.dma_semaphore, #tpu.memory_space<semaphore_mem>>)
      %dma_wait3A = arith.constant 0 : i32
      %dma_wait3A_16 = arith.constant 0 : i32
      %dma_wait3A_17 = tpu.memref_slice %arg4[%arg0, %arg1, %dma_wait3A, %dma_wait3A_16] : memref<2x16x80x128xi32, #tpu.memory_space<hbm>> -> memref<1x1x80x128xi32, #tpu.memory_space<hbm>>
      %dma_wait3A_18 = tpu.memref_squeeze %dma_wait3A_17 : memref<1x1x80x128xi32, #tpu.memory_space<hbm>> -> memref<80x128xi32, #tpu.memory_space<hbm>>
      %dma_wait3A_19 = arith.constant 0 : i32
      %dma_wait3A_20 = arith.constant 0 : i32
      %dma_wait3A_21 = tpu.memref_slice %arg4[%arg0, %arg1, %dma_wait3A_19, %dma_wait3A_20] : memref<2x16x80x128xi32, #tpu.memory_space<hbm>> -> memref<1x1x80x128xi32, #tpu.memory_space<hbm>>
      %dma_wait3A_22 = tpu.memref_squeeze %dma_wait3A_21 : memref<1x1x80x128xi32, #tpu.memory_space<hbm>> -> memref<80x128xi32, #tpu.memory_space<hbm>>
      tpu.wait_dma2 semaphore(%run_scoped3A : memref<!tpu.dma_semaphore, #tpu.memory_space<semaphore_mem>>) src(%dma_wait3A_22 : memref<80x128xi32, #tpu.memory_space<hbm>>) dst(%arg7 : memref<80x128xi32, #tpu.memory_space<vmem>>)
      tpu.yield
    }) : () -> ()
    "tpu.region"() ({
      %run_scoped3A = tpu.sem_alloc : memref<!tpu.dma_semaphore, #tpu.memory_space<semaphore_mem>>
      %dma_start3A = arith.constant 0 : i32
      %dma_start3A_9 = arith.constant 0 : i32
      %dma_start3A_10 = tpu.memref_slice %arg5[%arg0, %arg1, %dma_start3A, %dma_start3A_9] : memref<2x16x80x128xi32, #tpu.memory_space<hbm>> -> memref<1x1x80x128xi32, #tpu.memory_space<hbm>>
      %dma_start3A_11 = tpu.memref_squeeze %dma_start3A_10 : memref<1x1x80x128xi32, #tpu.memory_space<hbm>> -> memref<80x128xi32, #tpu.memory_space<hbm>>
      %dma_start3A_12 = arith.constant 0 : i32
      %dma_start3A_13 = arith.constant 0 : i32
      %dma_start3A_14 = tpu.memref_slice %arg5[%arg0, %arg1, %dma_start3A_12, %dma_start3A_13] : memref<2x16x80x128xi32, #tpu.memory_space<hbm>> -> memref<1x1x80x128xi32, #tpu.memory_space<hbm>>
      %dma_start3A_15 = tpu.memref_squeeze %dma_start3A_14 : memref<1x1x80x128xi32, #tpu.memory_space<hbm>> -> memref<80x128xi32, #tpu.memory_space<hbm>>
      tpu.enqueue_dma source(%dma_start3A_15 : memref<80x128xi32, #tpu.memory_space<hbm>>) target(%arg8 : memref<80x128xi32, #tpu.memory_space<vmem>>) target_semaphore(%run_scoped3A : memref<!tpu.dma_semaphore, #tpu.memory_space<semaphore_mem>>)
      %dma_wait3A = arith.constant 0 : i32
      %dma_wait3A_16 = arith.constant 0 : i32
      %dma_wait3A_17 = tpu.memref_slice %arg5[%arg0, %arg1, %dma_wait3A, %dma_wait3A_16] : memref<2x16x80x128xi32, #tpu.memory_space<hbm>> -> memref<1x1x80x128xi32, #tpu.memory_space<hbm>>
      %dma_wait3A_18 = tpu.memref_squeeze %dma_wait3A_17 : memref<1x1x80x128xi32, #tpu.memory_space<hbm>> -> memref<80x128xi32, #tpu.memory_space<hbm>>
      %dma_wait3A_19 = arith.constant 0 : i32
      %dma_wait3A_20 = arith.constant 0 : i32
      %dma_wait3A_21 = tpu.memref_slice %arg5[%arg0, %arg1, %dma_wait3A_19, %dma_wait3A_20] : memref<2x16x80x128xi32, #tpu.memory_space<hbm>> -> memref<1x1x80x128xi32, #tpu.memory_space<hbm>>
      %dma_wait3A_22 = tpu.memref_squeeze %dma_wait3A_21 : memref<1x1x80x128xi32, #tpu.memory_space<hbm>> -> memref<80x128xi32, #tpu.memory_space<hbm>>
      tpu.wait_dma2 semaphore(%run_scoped3A : memref<!tpu.dma_semaphore, #tpu.memory_space<semaphore_mem>>) src(%dma_wait3A_22 : memref<80x128xi32, #tpu.memory_space<hbm>>) dst(%arg8 : memref<80x128xi32, #tpu.memory_space<vmem>>)
      tpu.yield
    }) : () -> ()
    %scan3A = arith.constant 0 : i32
    %scan3A_3 = arith.constant 0 : i32
    %scan3A_4 = arith.constant 20 : i32
    %scan3A_5 = arith.addi %scan3A_3, %scan3A_4 : i32
    %scan3A_6 = arith.constant 1 : i32
    %scan3A_7 = scf.for %scan3A_9 = %scan3A_3 to %scan3A_5 step %scan3A_6 iter_args(%scan3A_10 = %scan3A) -> (i32)  : i32 {
      %mul3A_11 = arith.constant 4 : i32
      %mul3A_12 = arith.muli %scan3A_9, %mul3A_11 : i32
      %add3A_13 = arith.constant 0 : i32
      %add3A_14 = arith.addi %mul3A_12, %add3A_13 : i32
      %dma_start3A = arith.constant 0 : i32
      %dma_start3A_15 = tpu.memref_slice %arg7[%add3A_14, %dma_start3A] : memref<80x128xi32, #tpu.memory_space<vmem>> -> memref<1x128xi32, #tpu.memory_space<vmem>>
      %dma_start3A_16 = tpu.memref_squeeze %dma_start3A_15 : memref<1x128xi32, #tpu.memory_space<vmem>> -> memref<128xi32, #tpu.memory_space<vmem>>
      %dma_start3A_17 = arith.constant 0 : i32
      %dma_start3A_18 = arith.constant 0 : i32
      %dma_start3A_19 = tpu.memref_slice %arg2[%dma_start3A_17, %dma_start3A_18] : memref<10000x64xf32, #tpu.memory_space<hbm>> -> memref<10000x64xf32, #tpu.memory_space<hbm>>
      tpu.enqueue_indirect_dma source(%dma_start3A_19 : memref<10000x64xf32, #tpu.memory_space<hbm>>) target(%arg9 : memref<128x64xf32, #tpu.memory_space<vmem>>) offsets(%dma_start3A_16 : memref<128xi32, #tpu.memory_space<vmem>>) semaphore(%arg13 : memref<!tpu.dma_semaphore, #tpu.memory_space<semaphore_mem>>)
      %add3A_20 = arith.constant 1 : i32
      %add3A_21 = arith.addi %mul3A_12, %add3A_20 : i32
      %dma_start3A_22 = arith.constant 0 : i32
      %dma_start3A_23 = tpu.memref_slice %arg7[%add3A_21, %dma_start3A_22] : memref<80x128xi32, #tpu.memory_space<vmem>> -> memref<1x128xi32, #tpu.memory_space<vmem>>
      %dma_start3A_24 = tpu.memref_squeeze %dma_start3A_23 : memref<1x128xi32, #tpu.memory_space<vmem>> -> memref<128xi32, #tpu.memory_space<vmem>>
      %dma_start3A_25 = arith.constant 0 : i32
      %dma_start3A_26 = arith.constant 0 : i32
      %dma_start3A_27 = tpu.memref_slice %arg2[%dma_start3A_25, %dma_start3A_26] : memref<10000x64xf32, #tpu.memory_space<hbm>> -> memref<10000x64xf32, #tpu.memory_space<hbm>>
      tpu.enqueue_indirect_dma source(%dma_start3A_27 : memref<10000x64xf32, #tpu.memory_space<hbm>>) target(%arg10 : memref<128x64xf32, #tpu.memory_space<vmem>>) offsets(%dma_start3A_24 : memref<128xi32, #tpu.memory_space<vmem>>) semaphore(%arg14 : memref<!tpu.dma_semaphore, #tpu.memory_space<semaphore_mem>>)
      %add3A_28 = arith.constant 2 : i32
      %add3A_29 = arith.addi %mul3A_12, %add3A_28 : i32
      %dma_start3A_30 = arith.constant 0 : i32
      %dma_start3A_31 = tpu.memref_slice %arg7[%add3A_29, %dma_start3A_30] : memref<80x128xi32, #tpu.memory_space<vmem>> -> memref<1x128xi32, #tpu.memory_space<vmem>>
      %dma_start3A_32 = tpu.memref_squeeze %dma_start3A_31 : memref<1x128xi32, #tpu.memory_space<vmem>> -> memref<128xi32, #tpu.memory_space<vmem>>
      %dma_start3A_33 = arith.constant 0 : i32
      %dma_start3A_34 = arith.constant 0 : i32
      %dma_start3A_35 = tpu.memref_slice %arg2[%dma_start3A_33, %dma_start3A_34] : memref<10000x64xf32, #tpu.memory_space<hbm>> -> memref<10000x64xf32, #tpu.memory_space<hbm>>
      tpu.enqueue_indirect_dma source(%dma_start3A_35 : memref<10000x64xf32, #tpu.memory_space<hbm>>) target(%arg11 : memref<128x64xf32, #tpu.memory_space<vmem>>) offsets(%dma_start3A_32 : memref<128xi32, #tpu.memory_space<vmem>>) semaphore(%arg15 : memref<!tpu.dma_semaphore, #tpu.memory_space<semaphore_mem>>)
      %add3A_36 = arith.constant 3 : i32
      %add3A_37 = arith.addi %mul3A_12, %add3A_36 : i32
      %dma_start3A_38 = arith.constant 0 : i32
      %dma_start3A_39 = tpu.memref_slice %arg7[%add3A_37, %dma_start3A_38] : memref<80x128xi32, #tpu.memory_space<vmem>> -> memref<1x128xi32, #tpu.memory_space<vmem>>
      %dma_start3A_40 = tpu.memref_squeeze %dma_start3A_39 : memref<1x128xi32, #tpu.memory_space<vmem>> -> memref<128xi32, #tpu.memory_space<vmem>>
      %dma_start3A_41 = arith.constant 0 : i32
      %dma_start3A_42 = arith.constant 0 : i32
      %dma_start3A_43 = tpu.memref_slice %arg2[%dma_start3A_41, %dma_start3A_42] : memref<10000x64xf32, #tpu.memory_space<hbm>> -> memref<10000x64xf32, #tpu.memory_space<hbm>>
      tpu.enqueue_indirect_dma source(%dma_start3A_43 : memref<10000x64xf32, #tpu.memory_space<hbm>>) target(%arg12 : memref<128x64xf32, #tpu.memory_space<vmem>>) offsets(%dma_start3A_40 : memref<128xi32, #tpu.memory_space<vmem>>) semaphore(%arg16 : memref<!tpu.dma_semaphore, #tpu.memory_space<semaphore_mem>>)
      %dma_wait3A = arith.constant 0 : i32
      %dma_wait3A_44 = tpu.memref_slice %arg7[%add3A_14, %dma_wait3A] : memref<80x128xi32, #tpu.memory_space<vmem>> -> memref<1x128xi32, #tpu.memory_space<vmem>>
      %dma_wait3A_45 = tpu.memref_squeeze %dma_wait3A_44 : memref<1x128xi32, #tpu.memory_space<vmem>> -> memref<128xi32, #tpu.memory_space<vmem>>
      %dma_wait3A_46 = arith.constant 0 : i32
      %dma_wait3A_47 = arith.constant 0 : i32
      %dma_wait3A_48 = tpu.memref_slice %arg2[%dma_wait3A_46, %dma_wait3A_47] : memref<10000x64xf32, #tpu.memory_space<hbm>> -> memref<10000x64xf32, #tpu.memory_space<hbm>>
      tpu.wait_indirect_dma semaphore(%arg13 : memref<!tpu.dma_semaphore, #tpu.memory_space<semaphore_mem>>) src(%dma_wait3A_48 : memref<10000x64xf32, #tpu.memory_space<hbm>>) dst(%arg9 : memref<128x64xf32, #tpu.memory_space<vmem>>)
      %add3A_49 = arith.constant 0 : i32
      %add3A_50 = arith.addi %mul3A_12, %add3A_49 : i32
      %dma_start3A_51 = arith.constant 0 : i32
      %dma_start3A_52 = tpu.memref_slice %arg8[%add3A_50, %dma_start3A_51] : memref<80x128xi32, #tpu.memory_space<vmem>> -> memref<1x128xi32, #tpu.memory_space<vmem>>
      %dma_start3A_53 = tpu.memref_squeeze %dma_start3A_52 : memref<1x128xi32, #tpu.memory_space<vmem>> -> memref<128xi32, #tpu.memory_space<vmem>>
      %dma_start3A_54 = arith.constant 0 : i32
      %dma_start3A_55 = arith.constant 0 : i32
      %dma_start3A_56 = tpu.memref_slice %arg3[%dma_start3A_54, %dma_start3A_55] : memref<10000x64xf32, #tpu.memory_space<hbm>> -> memref<10000x64xf32, #tpu.memory_space<hbm>>
      tpu.enqueue_indirect_dma source(%dma_start3A_56 : memref<10000x64xf32, #tpu.memory_space<hbm>>) target(%arg9 : memref<128x64xf32, #tpu.memory_space<vmem>>) offsets(%dma_start3A_53 : memref<128xi32, #tpu.memory_space<vmem>>) semaphore(%arg17 : memref<!tpu.dma_semaphore, #tpu.memory_space<semaphore_mem>>) {add = true}
      %dma_wait3A_57 = arith.constant 0 : i32
      %dma_wait3A_58 = tpu.memref_slice %arg7[%add3A_21, %dma_wait3A_57] : memref<80x128xi32, #tpu.memory_space<vmem>> -> memref<1x128xi32, #tpu.memory_space<vmem>>
      %dma_wait3A_59 = tpu.memref_squeeze %dma_wait3A_58 : memref<1x128xi32, #tpu.memory_space<vmem>> -> memref<128xi32, #tpu.memory_space<vmem>>
      %dma_wait3A_60 = arith.constant 0 : i32
      %dma_wait3A_61 = arith.constant 0 : i32
      %dma_wait3A_62 = tpu.memref_slice %arg2[%dma_wait3A_60, %dma_wait3A_61] : memref<10000x64xf32, #tpu.memory_space<hbm>> -> memref<10000x64xf32, #tpu.memory_space<hbm>>
      tpu.wait_indirect_dma semaphore(%arg14 : memref<!tpu.dma_semaphore, #tpu.memory_space<semaphore_mem>>) src(%dma_wait3A_62 : memref<10000x64xf32, #tpu.memory_space<hbm>>) dst(%arg10 : memref<128x64xf32, #tpu.memory_space<vmem>>)
      %add3A_63 = arith.constant 1 : i32
      %add3A_64 = arith.addi %mul3A_12, %add3A_63 : i32
      %dma_start3A_65 = arith.constant 0 : i32
      %dma_start3A_66 = tpu.memref_slice %arg8[%add3A_64, %dma_start3A_65] : memref<80x128xi32, #tpu.memory_space<vmem>> -> memref<1x128xi32, #tpu.memory_space<vmem>>
      %dma_start3A_67 = tpu.memref_squeeze %dma_start3A_66 : memref<1x128xi32, #tpu.memory_space<vmem>> -> memref<128xi32, #tpu.memory_space<vmem>>
      %dma_start3A_68 = arith.constant 0 : i32
      %dma_start3A_69 = arith.constant 0 : i32
      %dma_start3A_70 = tpu.memref_slice %arg3[%dma_start3A_68, %dma_start3A_69] : memref<10000x64xf32, #tpu.memory_space<hbm>> -> memref<10000x64xf32, #tpu.memory_space<hbm>>
      tpu.enqueue_indirect_dma source(%dma_start3A_70 : memref<10000x64xf32, #tpu.memory_space<hbm>>) target(%arg10 : memref<128x64xf32, #tpu.memory_space<vmem>>) offsets(%dma_start3A_67 : memref<128xi32, #tpu.memory_space<vmem>>) semaphore(%arg18 : memref<!tpu.dma_semaphore, #tpu.memory_space<semaphore_mem>>) {add = true}
      %dma_wait3A_71 = arith.constant 0 : i32
      %dma_wait3A_72 = tpu.memref_slice %arg7[%add3A_29, %dma_wait3A_71] : memref<80x128xi32, #tpu.memory_space<vmem>> -> memref<1x128xi32, #tpu.memory_space<vmem>>
      %dma_wait3A_73 = tpu.memref_squeeze %dma_wait3A_72 : memref<1x128xi32, #tpu.memory_space<vmem>> -> memref<128xi32, #tpu.memory_space<vmem>>
      %dma_wait3A_74 = arith.constant 0 : i32
      %dma_wait3A_75 = arith.constant 0 : i32
      %dma_wait3A_76 = tpu.memref_slice %arg2[%dma_wait3A_74, %dma_wait3A_75] : memref<10000x64xf32, #tpu.memory_space<hbm>> -> memref<10000x64xf32, #tpu.memory_space<hbm>>
      tpu.wait_indirect_dma semaphore(%arg15 : memref<!tpu.dma_semaphore, #tpu.memory_space<semaphore_mem>>) src(%dma_wait3A_76 : memref<10000x64xf32, #tpu.memory_space<hbm>>) dst(%arg11 : memref<128x64xf32, #tpu.memory_space<vmem>>)
      %add3A_77 = arith.constant 2 : i32
      %add3A_78 = arith.addi %mul3A_12, %add3A_77 : i32
      %dma_start3A_79 = arith.constant 0 : i32
      %dma_start3A_80 = tpu.memref_slice %arg8[%add3A_78, %dma_start3A_79] : memref<80x128xi32, #tpu.memory_space<vmem>> -> memref<1x128xi32, #tpu.memory_space<vmem>>
      %dma_start3A_81 = tpu.memref_squeeze %dma_start3A_80 : memref<1x128xi32, #tpu.memory_space<vmem>> -> memref<128xi32, #tpu.memory_space<vmem>>
      %dma_start3A_82 = arith.constant 0 : i32
      %dma_start3A_83 = arith.constant 0 : i32
      %dma_start3A_84 = tpu.memref_slice %arg3[%dma_start3A_82, %dma_start3A_83] : memref<10000x64xf32, #tpu.memory_space<hbm>> -> memref<10000x64xf32, #tpu.memory_space<hbm>>
      tpu.enqueue_indirect_dma source(%dma_start3A_84 : memref<10000x64xf32, #tpu.memory_space<hbm>>) target(%arg11 : memref<128x64xf32, #tpu.memory_space<vmem>>) offsets(%dma_start3A_81 : memref<128xi32, #tpu.memory_space<vmem>>) semaphore(%arg19 : memref<!tpu.dma_semaphore, #tpu.memory_space<semaphore_mem>>) {add = true}
      %dma_wait3A_85 = arith.constant 0 : i32
      %dma_wait3A_86 = tpu.memref_slice %arg7[%add3A_37, %dma_wait3A_85] : memref<80x128xi32, #tpu.memory_space<vmem>> -> memref<1x128xi32, #tpu.memory_space<vmem>>
      %dma_wait3A_87 = tpu.memref_squeeze %dma_wait3A_86 : memref<1x128xi32, #tpu.memory_space<vmem>> -> memref<128xi32, #tpu.memory_space<vmem>>
      %dma_wait3A_88 = arith.constant 0 : i32
      %dma_wait3A_89 = arith.constant 0 : i32
      %dma_wait3A_90 = tpu.memref_slice %arg2[%dma_wait3A_88, %dma_wait3A_89] : memref<10000x64xf32, #tpu.memory_space<hbm>> -> memref<10000x64xf32, #tpu.memory_space<hbm>>
      tpu.wait_indirect_dma semaphore(%arg16 : memref<!tpu.dma_semaphore, #tpu.memory_space<semaphore_mem>>) src(%dma_wait3A_90 : memref<10000x64xf32, #tpu.memory_space<hbm>>) dst(%arg12 : memref<128x64xf32, #tpu.memory_space<vmem>>)
      %add3A_91 = arith.constant 3 : i32
      %add3A_92 = arith.addi %mul3A_12, %add3A_91 : i32
      %dma_start3A_93 = arith.constant 0 : i32
      %dma_start3A_94 = tpu.memref_slice %arg8[%add3A_92, %dma_start3A_93] : memref<80x128xi32, #tpu.memory_space<vmem>> -> memref<1x128xi32, #tpu.memory_space<vmem>>
      %dma_start3A_95 = tpu.memref_squeeze %dma_start3A_94 : memref<1x128xi32, #tpu.memory_space<vmem>> -> memref<128xi32, #tpu.memory_space<vmem>>
      %dma_start3A_96 = arith.constant 0 : i32
      %dma_start3A_97 = arith.constant 0 : i32
      %dma_start3A_98 = tpu.memref_slice %arg3[%dma_start3A_96, %dma_start3A_97] : memref<10000x64xf32, #tpu.memory_space<hbm>> -> memref<10000x64xf32, #tpu.memory_space<hbm>>
      tpu.enqueue_indirect_dma source(%dma_start3A_98 : memref<10000x64xf32, #tpu.memory_space<hbm>>) target(%arg12 : memref<128x64xf32, #tpu.memory_space<vmem>>) offsets(%dma_start3A_95 : memref<128xi32, #tpu.memory_space<vmem>>) semaphore(%arg20 : memref<!tpu.dma_semaphore, #tpu.memory_space<semaphore_mem>>) {add = true}
      %dma_wait3A_99 = arith.constant 0 : i32
      %dma_wait3A_100 = tpu.memref_slice %arg8[%add3A_50, %dma_wait3A_99] : memref<80x128xi32, #tpu.memory_space<vmem>> -> memref<1x128xi32, #tpu.memory_space<vmem>>
      %dma_wait3A_101 = tpu.memref_squeeze %dma_wait3A_100 : memref<1x128xi32, #tpu.memory_space<vmem>> -> memref<128xi32, #tpu.memory_space<vmem>>
      %dma_wait3A_102 = arith.constant 0 : i32
      %dma_wait3A_103 = arith.constant 0 : i32
      %dma_wait3A_104 = tpu.memref_slice %arg3[%dma_wait3A_102, %dma_wait3A_103] : memref<10000x64xf32, #tpu.memory_space<hbm>> -> memref<10000x64xf32, #tpu.memory_space<hbm>>
      tpu.wait_indirect_dma semaphore(%arg17 : memref<!tpu.dma_semaphore, #tpu.memory_space<semaphore_mem>>) src(%dma_wait3A_104 : memref<10000x64xf32, #tpu.memory_space<hbm>>) dst(%arg9 : memref<128x64xf32, #tpu.memory_space<vmem>>)
      %add3A_105 = arith.constant 0 : i32
      %add3A_106 = arith.addi %mul3A_12, %add3A_105 : i32
      %mul3A_107 = arith.constant 128 : i32
      %mul3A_108 = arith.muli %add3A_106, %mul3A_107 : i32
      %add3A_109 = arith.addi %mul3A_2, %mul3A_108 : i32
      %dma_start3A_110 = arith.constant 0 : i32
      %dma_start3A_111 = tpu.memref_slice %arg6[%add3A_109, %dma_start3A_110] : memref<327680x64xf32, #tpu.memory_space<hbm>> -> memref<128x64xf32, #tpu.memory_space<hbm>>
      %dma_start3A_112 = arith.constant 0 : i32
      %dma_start3A_113 = tpu.memref_slice %arg6[%add3A_109, %dma_start3A_112] : memref<327680x64xf32, #tpu.memory_space<hbm>> -> memref<128x64xf32, #tpu.memory_space<hbm>>
      tpu.enqueue_dma source(%arg9 : memref<128x64xf32, #tpu.memory_space<vmem>>) target(%dma_start3A_113 : memref<128x64xf32, #tpu.memory_space<hbm>>) target_semaphore(%arg21 : memref<!tpu.dma_semaphore, #tpu.memory_space<semaphore_mem>>)
      %dma_wait3A_114 = arith.constant 0 : i32
      %dma_wait3A_115 = tpu.memref_slice %arg8[%add3A_64, %dma_wait3A_114] : memref<80x128xi32, #tpu.memory_space<vmem>> -> memref<1x128xi32, #tpu.memory_space<vmem>>
      %dma_wait3A_116 = tpu.memref_squeeze %dma_wait3A_115 : memref<1x128xi32, #tpu.memory_space<vmem>> -> memref<128xi32, #tpu.memory_space<vmem>>
      %dma_wait3A_117 = arith.constant 0 : i32
      %dma_wait3A_118 = arith.constant 0 : i32
      %dma_wait3A_119 = tpu.memref_slice %arg3[%dma_wait3A_117, %dma_wait3A_118] : memref<10000x64xf32, #tpu.memory_space<hbm>> -> memref<10000x64xf32, #tpu.memory_space<hbm>>
      tpu.wait_indirect_dma semaphore(%arg18 : memref<!tpu.dma_semaphore, #tpu.memory_space<semaphore_mem>>) src(%dma_wait3A_119 : memref<10000x64xf32, #tpu.memory_space<hbm>>) dst(%arg10 : memref<128x64xf32, #tpu.memory_space<vmem>>)
      %add3A_120 = arith.constant 1 : i32
      %add3A_121 = arith.addi %mul3A_12, %add3A_120 : i32
      %mul3A_122 = arith.constant 128 : i32
      %mul3A_123 = arith.muli %add3A_121, %mul3A_122 : i32
      %add3A_124 = arith.addi %mul3A_2, %mul3A_123 : i32
      %dma_start3A_125 = arith.constant 0 : i32
      %dma_start3A_126 = tpu.memref_slice %arg6[%add3A_124, %dma_start3A_125] : memref<327680x64xf32, #tpu.memory_space<hbm>> -> memref<128x64xf32, #tpu.memory_space<hbm>>
      %dma_start3A_127 = arith.constant 0 : i32
      %dma_start3A_128 = tpu.memref_slice %arg6[%add3A_124, %dma_start3A_127] : memref<327680x64xf32, #tpu.memory_space<hbm>> -> memref<128x64xf32, #tpu.memory_space<hbm>>
      tpu.enqueue_dma source(%arg10 : memref<128x64xf32, #tpu.memory_space<vmem>>) target(%dma_start3A_128 : memref<128x64xf32, #tpu.memory_space<hbm>>) target_semaphore(%arg22 : memref<!tpu.dma_semaphore, #tpu.memory_space<semaphore_mem>>)
      %dma_wait3A_129 = arith.constant 0 : i32
      %dma_wait3A_130 = tpu.memref_slice %arg8[%add3A_78, %dma_wait3A_129] : memref<80x128xi32, #tpu.memory_space<vmem>> -> memref<1x128xi32, #tpu.memory_space<vmem>>
      %dma_wait3A_131 = tpu.memref_squeeze %dma_wait3A_130 : memref<1x128xi32, #tpu.memory_space<vmem>> -> memref<128xi32, #tpu.memory_space<vmem>>
      %dma_wait3A_132 = arith.constant 0 : i32
      %dma_wait3A_133 = arith.constant 0 : i32
      %dma_wait3A_134 = tpu.memref_slice %arg3[%dma_wait3A_132, %dma_wait3A_133] : memref<10000x64xf32, #tpu.memory_space<hbm>> -> memref<10000x64xf32, #tpu.memory_space<hbm>>
      tpu.wait_indirect_dma semaphore(%arg19 : memref<!tpu.dma_semaphore, #tpu.memory_space<semaphore_mem>>) src(%dma_wait3A_134 : memref<10000x64xf32, #tpu.memory_space<hbm>>) dst(%arg11 : memref<128x64xf32, #tpu.memory_space<vmem>>)
      %add3A_135 = arith.constant 2 : i32
      %add3A_136 = arith.addi %mul3A_12, %add3A_135 : i32
      %mul3A_137 = arith.constant 128 : i32
      %mul3A_138 = arith.muli %add3A_136, %mul3A_137 : i32
      %add3A_139 = arith.addi %mul3A_2, %mul3A_138 : i32
      %dma_start3A_140 = arith.constant 0 : i32
      %dma_start3A_141 = tpu.memref_slice %arg6[%add3A_139, %dma_start3A_140] : memref<327680x64xf32, #tpu.memory_space<hbm>> -> memref<128x64xf32, #tpu.memory_space<hbm>>
      %dma_start3A_142 = arith.constant 0 : i32
      %dma_start3A_143 = tpu.memref_slice %arg6[%add3A_139, %dma_start3A_142] : memref<327680x64xf32, #tpu.memory_space<hbm>> -> memref<128x64xf32, #tpu.memory_space<hbm>>
      tpu.enqueue_dma source(%arg11 : memref<128x64xf32, #tpu.memory_space<vmem>>) target(%dma_start3A_143 : memref<128x64xf32, #tpu.memory_space<hbm>>) target_semaphore(%arg23 : memref<!tpu.dma_semaphore, #tpu.memory_space<semaphore_mem>>)
      %dma_wait3A_144 = arith.constant 0 : i32
      %dma_wait3A_145 = tpu.memref_slice %arg8[%add3A_92, %dma_wait3A_144] : memref<80x128xi32, #tpu.memory_space<vmem>> -> memref<1x128xi32, #tpu.memory_space<vmem>>
      %dma_wait3A_146 = tpu.memref_squeeze %dma_wait3A_145 : memref<1x128xi32, #tpu.memory_space<vmem>> -> memref<128xi32, #tpu.memory_space<vmem>>
      %dma_wait3A_147 = arith.constant 0 : i32
      %dma_wait3A_148 = arith.constant 0 : i32
      %dma_wait3A_149 = tpu.memref_slice %arg3[%dma_wait3A_147, %dma_wait3A_148] : memref<10000x64xf32, #tpu.memory_space<hbm>> -> memref<10000x64xf32, #tpu.memory_space<hbm>>
      tpu.wait_indirect_dma semaphore(%arg20 : memref<!tpu.dma_semaphore, #tpu.memory_space<semaphore_mem>>) src(%dma_wait3A_149 : memref<10000x64xf32, #tpu.memory_space<hbm>>) dst(%arg12 : memref<128x64xf32, #tpu.memory_space<vmem>>)
      %add3A_150 = arith.constant 3 : i32
      %add3A_151 = arith.addi %mul3A_12, %add3A_150 : i32
      %mul3A_152 = arith.constant 128 : i32
      %mul3A_153 = arith.muli %add3A_151, %mul3A_152 : i32
      %add3A_154 = arith.addi %mul3A_2, %mul3A_153 : i32
      %dma_start3A_155 = arith.constant 0 : i32
      %dma_start3A_156 = tpu.memref_slice %arg6[%add3A_154, %dma_start3A_155] : memref<327680x64xf32, #tpu.memory_space<hbm>> -> memref<128x64xf32, #tpu.memory_space<hbm>>
      %dma_start3A_157 = arith.constant 0 : i32
      %dma_start3A_158 = tpu.memref_slice %arg6[%add3A_154, %dma_start3A_157] : memref<327680x64xf32, #tpu.memory_space<hbm>> -> memref<128x64xf32, #tpu.memory_space<hbm>>
      tpu.enqueue_dma source(%arg12 : memref<128x64xf32, #tpu.memory_space<vmem>>) target(%dma_start3A_158 : memref<128x64xf32, #tpu.memory_space<hbm>>) target_semaphore(%arg24 : memref<!tpu.dma_semaphore, #tpu.memory_space<semaphore_mem>>)
      %dma_wait3A_159 = arith.constant 0 : i32
      %dma_wait3A_160 = tpu.memref_slice %arg6[%add3A_109, %dma_wait3A_159] : memref<327680x64xf32, #tpu.memory_space<hbm>> -> memref<128x64xf32, #tpu.memory_space<hbm>>
      %dma_wait3A_161 = arith.constant 0 : i32
      %dma_wait3A_162 = tpu.memref_slice %arg6[%add3A_109, %dma_wait3A_161] : memref<327680x64xf32, #tpu.memory_space<hbm>> -> memref<128x64xf32, #tpu.memory_space<hbm>>
      tpu.wait_dma2 semaphore(%arg21 : memref<!tpu.dma_semaphore, #tpu.memory_space<semaphore_mem>>) src(%arg9 : memref<128x64xf32, #tpu.memory_space<vmem>>) dst(%dma_wait3A_162 : memref<128x64xf32, #tpu.memory_space<hbm>>)
      %dma_wait3A_163 = arith.constant 0 : i32
      %dma_wait3A_164 = tpu.memref_slice %arg6[%add3A_124, %dma_wait3A_163] : memref<327680x64xf32, #tpu.memory_space<hbm>> -> memref<128x64xf32, #tpu.memory_space<hbm>>
      %dma_wait3A_165 = arith.constant 0 : i32
      %dma_wait3A_166 = tpu.memref_slice %arg6[%add3A_124, %dma_wait3A_165] : memref<327680x64xf32, #tpu.memory_space<hbm>> -> memref<128x64xf32, #tpu.memory_space<hbm>>
      tpu.wait_dma2 semaphore(%arg22 : memref<!tpu.dma_semaphore, #tpu.memory_space<semaphore_mem>>) src(%arg10 : memref<128x64xf32, #tpu.memory_space<vmem>>) dst(%dma_wait3A_166 : memref<128x64xf32, #tpu.memory_space<hbm>>)
      %dma_wait3A_167 = arith.constant 0 : i32
      %dma_wait3A_168 = tpu.memref_slice %arg6[%add3A_139, %dma_wait3A_167] : memref<327680x64xf32, #tpu.memory_space<hbm>> -> memref<128x64xf32, #tpu.memory_space<hbm>>
      %dma_wait3A_169 = arith.constant 0 : i32
      %dma_wait3A_170 = tpu.memref_slice %arg6[%add3A_139, %dma_wait3A_169] : memref<327680x64xf32, #tpu.memory_space<hbm>> -> memref<128x64xf32, #tpu.memory_space<hbm>>
      tpu.wait_dma2 semaphore(%arg23 : memref<!tpu.dma_semaphore, #tpu.memory_space<semaphore_mem>>) src(%arg11 : memref<128x64xf32, #tpu.memory_space<vmem>>) dst(%dma_wait3A_170 : memref<128x64xf32, #tpu.memory_space<hbm>>)
      %dma_wait3A_171 = arith.constant 0 : i32
      %dma_wait3A_172 = tpu.memref_slice %arg6[%add3A_154, %dma_wait3A_171] : memref<327680x64xf32, #tpu.memory_space<hbm>> -> memref<128x64xf32, #tpu.memory_space<hbm>>
      %dma_wait3A_173 = arith.constant 0 : i32
      %dma_wait3A_174 = tpu.memref_slice %arg6[%add3A_154, %dma_wait3A_173] : memref<327680x64xf32, #tpu.memory_space<hbm>> -> memref<128x64xf32, #tpu.memory_space<hbm>>
      tpu.wait_dma2 semaphore(%arg24 : memref<!tpu.dma_semaphore, #tpu.memory_space<semaphore_mem>>) src(%arg12 : memref<128x64xf32, #tpu.memory_space<vmem>>) dst(%dma_wait3A_174 : memref<128x64xf32, #tpu.memory_space<hbm>>)
      %scan3A_175 = arith.constant 0 : i32
      scf.yield %scan3A_175 : i32
    }
    %scan3A_8 = arith.constant 20 : i32
    return
  }
}

#map = affine_map<(d0, d1) -> (0, 0, 0, 0)>
#map1 = affine_map<(d0, d1) -> (0, 0)>
#map2 = affine_map<(d0, d1) -> (0, 0, 0)>
module attributes {stable_mosaic.version = 14 : i64} {
  func.func @k(%arg0: i32, %arg1: i32, %arg2: memref<2x16x80x128xi32, #tpu.memory_space<hbm>>, %arg3: memref<2x16x80x128xi32, #tpu.memory_space<hbm>>, %arg4: memref<10000x128xf32, #tpu.memory_space<hbm>>, %arg5: memref<10112x128xf32, #tpu.memory_space<hbm>>, %arg6: memref<2x10112x128xf32, #tpu.memory_space<hbm>>, %arg7: memref<80x128xi32, #tpu.memory_space<vmem>>, %arg8: memref<80x128xi32, #tpu.memory_space<vmem>>, %arg9: memref<128x128xf32, #tpu.memory_space<vmem>>, %arg10: memref<10112x128xf32, #tpu.memory_space<vmem_shared>>, %arg11: memref<!tpu.dma_semaphore, #tpu.memory_space<semaphore_mem>>, %arg12: memref<!tpu.dma_semaphore, #tpu.memory_space<semaphore_mem>>) attributes {dimension_semantics = [#tpu.dimension_semantics<core_parallel>, #tpu.dimension_semantics<subcore_parallel>], iteration_bounds = array<i64: 2, 16>, scalar_prefetch = 0 : i64, scratch_operands = 6 : i64, tpu.core_type = #tpu.core_type<sc_vector_subcore>, window_params = [{transform_indices = #map}, {transform_indices = #map}, {transform_indices = #map1}, {transform_indices = #map1}, {transform_indices = #map2}]} {
    "tpu.region"() ({
      %run_scoped3A = tpu.sem_alloc : memref<!tpu.dma_semaphore, #tpu.memory_space<semaphore_mem>>
      %dma_start3A = arith.constant 0 : i32
      %dma_start3A_8 = arith.constant 0 : i32
      %dma_start3A_9 = tpu.memref_slice %arg2[%arg0, %arg1, %dma_start3A, %dma_start3A_8] : memref<2x16x80x128xi32, #tpu.memory_space<hbm>> -> memref<1x1x80x128xi32, #tpu.memory_space<hbm>>
      %dma_start3A_10 = tpu.memref_squeeze %dma_start3A_9 : memref<1x1x80x128xi32, #tpu.memory_space<hbm>> -> memref<80x128xi32, #tpu.memory_space<hbm>>
      %dma_start3A_11 = arith.constant 0 : i32
      %dma_start3A_12 = arith.constant 0 : i32
      %dma_start3A_13 = tpu.memref_slice %arg2[%arg0, %arg1, %dma_start3A_11, %dma_start3A_12] : memref<2x16x80x128xi32, #tpu.memory_space<hbm>> -> memref<1x1x80x128xi32, #tpu.memory_space<hbm>>
      %dma_start3A_14 = tpu.memref_squeeze %dma_start3A_13 : memref<1x1x80x128xi32, #tpu.memory_space<hbm>> -> memref<80x128xi32, #tpu.memory_space<hbm>>
      tpu.enqueue_dma source(%dma_start3A_14 : memref<80x128xi32, #tpu.memory_space<hbm>>) target(%arg7 : memref<80x128xi32, #tpu.memory_space<vmem>>) target_semaphore(%run_scoped3A : memref<!tpu.dma_semaphore, #tpu.memory_space<semaphore_mem>>)
      %dma_wait3A = arith.constant 0 : i32
      %dma_wait3A_15 = arith.constant 0 : i32
      %dma_wait3A_16 = tpu.memref_slice %arg2[%arg0, %arg1, %dma_wait3A, %dma_wait3A_15] : memref<2x16x80x128xi32, #tpu.memory_space<hbm>> -> memref<1x1x80x128xi32, #tpu.memory_space<hbm>>
      %dma_wait3A_17 = tpu.memref_squeeze %dma_wait3A_16 : memref<1x1x80x128xi32, #tpu.memory_space<hbm>> -> memref<80x128xi32, #tpu.memory_space<hbm>>
      %dma_wait3A_18 = arith.constant 0 : i32
      %dma_wait3A_19 = arith.constant 0 : i32
      %dma_wait3A_20 = tpu.memref_slice %arg2[%arg0, %arg1, %dma_wait3A_18, %dma_wait3A_19] : memref<2x16x80x128xi32, #tpu.memory_space<hbm>> -> memref<1x1x80x128xi32, #tpu.memory_space<hbm>>
      %dma_wait3A_21 = tpu.memref_squeeze %dma_wait3A_20 : memref<1x1x80x128xi32, #tpu.memory_space<hbm>> -> memref<80x128xi32, #tpu.memory_space<hbm>>
      tpu.wait_dma2 semaphore(%run_scoped3A : memref<!tpu.dma_semaphore, #tpu.memory_space<semaphore_mem>>) src(%dma_wait3A_21 : memref<80x128xi32, #tpu.memory_space<hbm>>) dst(%arg7 : memref<80x128xi32, #tpu.memory_space<vmem>>)
      tpu.yield
    }) : () -> ()
    "tpu.region"() ({
      %run_scoped3A = tpu.sem_alloc : memref<!tpu.dma_semaphore, #tpu.memory_space<semaphore_mem>>
      %dma_start3A = arith.constant 0 : i32
      %dma_start3A_8 = arith.constant 0 : i32
      %dma_start3A_9 = tpu.memref_slice %arg3[%arg0, %arg1, %dma_start3A, %dma_start3A_8] : memref<2x16x80x128xi32, #tpu.memory_space<hbm>> -> memref<1x1x80x128xi32, #tpu.memory_space<hbm>>
      %dma_start3A_10 = tpu.memref_squeeze %dma_start3A_9 : memref<1x1x80x128xi32, #tpu.memory_space<hbm>> -> memref<80x128xi32, #tpu.memory_space<hbm>>
      %dma_start3A_11 = arith.constant 0 : i32
      %dma_start3A_12 = arith.constant 0 : i32
      %dma_start3A_13 = tpu.memref_slice %arg3[%arg0, %arg1, %dma_start3A_11, %dma_start3A_12] : memref<2x16x80x128xi32, #tpu.memory_space<hbm>> -> memref<1x1x80x128xi32, #tpu.memory_space<hbm>>
      %dma_start3A_14 = tpu.memref_squeeze %dma_start3A_13 : memref<1x1x80x128xi32, #tpu.memory_space<hbm>> -> memref<80x128xi32, #tpu.memory_space<hbm>>
      tpu.enqueue_dma source(%dma_start3A_14 : memref<80x128xi32, #tpu.memory_space<hbm>>) target(%arg8 : memref<80x128xi32, #tpu.memory_space<vmem>>) target_semaphore(%run_scoped3A : memref<!tpu.dma_semaphore, #tpu.memory_space<semaphore_mem>>)
      %dma_wait3A = arith.constant 0 : i32
      %dma_wait3A_15 = arith.constant 0 : i32
      %dma_wait3A_16 = tpu.memref_slice %arg3[%arg0, %arg1, %dma_wait3A, %dma_wait3A_15] : memref<2x16x80x128xi32, #tpu.memory_space<hbm>> -> memref<1x1x80x128xi32, #tpu.memory_space<hbm>>
      %dma_wait3A_17 = tpu.memref_squeeze %dma_wait3A_16 : memref<1x1x80x128xi32, #tpu.memory_space<hbm>> -> memref<80x128xi32, #tpu.memory_space<hbm>>
      %dma_wait3A_18 = arith.constant 0 : i32
      %dma_wait3A_19 = arith.constant 0 : i32
      %dma_wait3A_20 = tpu.memref_slice %arg3[%arg0, %arg1, %dma_wait3A_18, %dma_wait3A_19] : memref<2x16x80x128xi32, #tpu.memory_space<hbm>> -> memref<1x1x80x128xi32, #tpu.memory_space<hbm>>
      %dma_wait3A_21 = tpu.memref_squeeze %dma_wait3A_20 : memref<1x1x80x128xi32, #tpu.memory_space<hbm>> -> memref<80x128xi32, #tpu.memory_space<hbm>>
      tpu.wait_dma2 semaphore(%run_scoped3A : memref<!tpu.dma_semaphore, #tpu.memory_space<semaphore_mem>>) src(%dma_wait3A_21 : memref<80x128xi32, #tpu.memory_space<hbm>>) dst(%arg8 : memref<80x128xi32, #tpu.memory_space<vmem>>)
      tpu.yield
    }) : () -> ()
    %mul3A = arith.constant 632 : i32
    %mul3A_0 = arith.muli %arg1, %mul3A : i32
    "tpu.region"() ({
      %run_scoped3A = tpu.sem_alloc : memref<!tpu.dma_semaphore, #tpu.memory_space<semaphore_mem>>
      %dma_start3A = arith.constant 0 : i32
      %dma_start3A_8 = tpu.memref_slice %arg10[%mul3A_0, %dma_start3A] : memref<10112x128xf32, #tpu.memory_space<vmem_shared>> -> memref<632x128xf32, #tpu.memory_space<vmem_shared>>
      %dma_start3A_9 = arith.constant 0 : i32
      %dma_start3A_10 = tpu.memref_slice %arg5[%mul3A_0, %dma_start3A_9] : memref<10112x128xf32, #tpu.memory_space<hbm>> -> memref<632x128xf32, #tpu.memory_space<hbm>>
      tpu.enqueue_dma source(%dma_start3A_10 : memref<632x128xf32, #tpu.memory_space<hbm>>) target(%dma_start3A_8 : memref<632x128xf32, #tpu.memory_space<vmem_shared>>) target_semaphore(%run_scoped3A : memref<!tpu.dma_semaphore, #tpu.memory_space<semaphore_mem>>)
      %dma_wait3A = arith.constant 0 : i32
      %dma_wait3A_11 = tpu.memref_slice %arg10[%mul3A_0, %dma_wait3A] : memref<10112x128xf32, #tpu.memory_space<vmem_shared>> -> memref<632x128xf32, #tpu.memory_space<vmem_shared>>
      %dma_wait3A_12 = arith.constant 0 : i32
      %dma_wait3A_13 = tpu.memref_slice %arg5[%mul3A_0, %dma_wait3A_12] : memref<10112x128xf32, #tpu.memory_space<hbm>> -> memref<632x128xf32, #tpu.memory_space<hbm>>
      tpu.wait_dma2 semaphore(%run_scoped3A : memref<!tpu.dma_semaphore, #tpu.memory_space<semaphore_mem>>) src(%dma_wait3A_13 : memref<632x128xf32, #tpu.memory_space<hbm>>) dst(%dma_wait3A_11 : memref<632x128xf32, #tpu.memory_space<vmem_shared>>)
      tpu.yield
    }) : () -> ()
    %barrier3A = arith.constant 0 : index
    tpu.barrier barrier_id(%barrier3A)
    %scan3A = arith.constant 0 : i32
    %scan3A_1 = arith.constant 0 : i32
    %scan3A_2 = arith.constant 80 : i32
    %scan3A_3 = arith.addi %scan3A_1, %scan3A_2 : i32
    %scan3A_4 = arith.constant 1 : i32
    %scan3A_5 = scf.for %scan3A_8 = %scan3A_1 to %scan3A_3 step %scan3A_4 iter_args(%scan3A_9 = %scan3A) -> (i32)  : i32 {
      %mul3A_10 = arith.constant 1 : i32
      %mul3A_11 = arith.muli %scan3A_8, %mul3A_10 : i32
      %add3A = arith.constant 0 : i32
      %add3A_12 = arith.addi %mul3A_11, %add3A : i32
      %dma_start3A = arith.constant 0 : i32
      %dma_start3A_13 = tpu.memref_slice %arg7[%add3A_12, %dma_start3A] : memref<80x128xi32, #tpu.memory_space<vmem>> -> memref<1x128xi32, #tpu.memory_space<vmem>>
      %dma_start3A_14 = tpu.memref_squeeze %dma_start3A_13 : memref<1x128xi32, #tpu.memory_space<vmem>> -> memref<128xi32, #tpu.memory_space<vmem>>
      %dma_start3A_15 = arith.constant 0 : i32
      %dma_start3A_16 = arith.constant 0 : i32
      %dma_start3A_17 = tpu.memref_slice %arg4[%dma_start3A_15, %dma_start3A_16] : memref<10000x128xf32, #tpu.memory_space<hbm>> -> memref<10000x128xf32, #tpu.memory_space<hbm>>
      tpu.enqueue_indirect_dma source(%dma_start3A_17 : memref<10000x128xf32, #tpu.memory_space<hbm>>) target(%arg9 : memref<128x128xf32, #tpu.memory_space<vmem>>) offsets(%dma_start3A_14 : memref<128xi32, #tpu.memory_space<vmem>>) semaphore(%arg11 : memref<!tpu.dma_semaphore, #tpu.memory_space<semaphore_mem>>)
      %dma_wait3A = arith.constant 0 : i32
      %dma_wait3A_18 = tpu.memref_slice %arg7[%add3A_12, %dma_wait3A] : memref<80x128xi32, #tpu.memory_space<vmem>> -> memref<1x128xi32, #tpu.memory_space<vmem>>
      %dma_wait3A_19 = tpu.memref_squeeze %dma_wait3A_18 : memref<1x128xi32, #tpu.memory_space<vmem>> -> memref<128xi32, #tpu.memory_space<vmem>>
      %dma_wait3A_20 = arith.constant 0 : i32
      %dma_wait3A_21 = arith.constant 0 : i32
      %dma_wait3A_22 = tpu.memref_slice %arg4[%dma_wait3A_20, %dma_wait3A_21] : memref<10000x128xf32, #tpu.memory_space<hbm>> -> memref<10000x128xf32, #tpu.memory_space<hbm>>
      tpu.wait_indirect_dma semaphore(%arg11 : memref<!tpu.dma_semaphore, #tpu.memory_space<semaphore_mem>>) src(%dma_wait3A_22 : memref<10000x128xf32, #tpu.memory_space<hbm>>) dst(%arg9 : memref<128x128xf32, #tpu.memory_space<vmem>>)
      %add3A_23 = arith.constant 0 : i32
      %add3A_24 = arith.addi %mul3A_11, %add3A_23 : i32
      %dma_start3A_25 = arith.constant 0 : i32
      %dma_start3A_26 = tpu.memref_slice %arg8[%add3A_24, %dma_start3A_25] : memref<80x128xi32, #tpu.memory_space<vmem>> -> memref<1x128xi32, #tpu.memory_space<vmem>>
      %dma_start3A_27 = tpu.memref_squeeze %dma_start3A_26 : memref<1x128xi32, #tpu.memory_space<vmem>> -> memref<128xi32, #tpu.memory_space<vmem>>
      %dma_start3A_28 = arith.constant 0 : i32
      %dma_start3A_29 = arith.constant 0 : i32
      %dma_start3A_30 = tpu.memref_slice %arg10[%dma_start3A_28, %dma_start3A_29] : memref<10112x128xf32, #tpu.memory_space<vmem_shared>> -> memref<10112x128xf32, #tpu.memory_space<vmem_shared>>
      tpu.enqueue_indirect_dma source(%arg9 : memref<128x128xf32, #tpu.memory_space<vmem>>) target(%dma_start3A_30 : memref<10112x128xf32, #tpu.memory_space<vmem_shared>>) offsets(%dma_start3A_27 : memref<128xi32, #tpu.memory_space<vmem>>) semaphore(%arg12 : memref<!tpu.dma_semaphore, #tpu.memory_space<semaphore_mem>>) {add = true}
      %dma_wait3A_31 = arith.constant 0 : i32
      %dma_wait3A_32 = tpu.memref_slice %arg8[%add3A_24, %dma_wait3A_31] : memref<80x128xi32, #tpu.memory_space<vmem>> -> memref<1x128xi32, #tpu.memory_space<vmem>>
      %dma_wait3A_33 = tpu.memref_squeeze %dma_wait3A_32 : memref<1x128xi32, #tpu.memory_space<vmem>> -> memref<128xi32, #tpu.memory_space<vmem>>
      %dma_wait3A_34 = arith.constant 0 : i32
      %dma_wait3A_35 = arith.constant 0 : i32
      %dma_wait3A_36 = tpu.memref_slice %arg10[%dma_wait3A_34, %dma_wait3A_35] : memref<10112x128xf32, #tpu.memory_space<vmem_shared>> -> memref<10112x128xf32, #tpu.memory_space<vmem_shared>>
      tpu.wait_indirect_dma semaphore(%arg12 : memref<!tpu.dma_semaphore, #tpu.memory_space<semaphore_mem>>) src(%arg9 : memref<128x128xf32, #tpu.memory_space<vmem>>) dst(%dma_wait3A_36 : memref<10112x128xf32, #tpu.memory_space<vmem_shared>>)
      %scan3A_37 = arith.constant 0 : i32
      scf.yield %scan3A_37 : i32
    }
    %scan3A_6 = arith.constant 80 : i32
    %barrier3A_7 = arith.constant 0 : index
    tpu.barrier barrier_id(%barrier3A_7)
    "tpu.region"() ({
      %run_scoped3A = tpu.sem_alloc : memref<!tpu.dma_semaphore, #tpu.memory_space<semaphore_mem>>
      %dma_start3A = arith.constant 0 : i32
      %dma_start3A_8 = tpu.memref_slice %arg6[%arg0, %mul3A_0, %dma_start3A] : memref<2x10112x128xf32, #tpu.memory_space<hbm>> -> memref<1x632x128xf32, #tpu.memory_space<hbm>>
      %dma_start3A_9 = tpu.memref_squeeze %dma_start3A_8 : memref<1x632x128xf32, #tpu.memory_space<hbm>> -> memref<632x128xf32, #tpu.memory_space<hbm>>
      %dma_start3A_10 = arith.constant 0 : i32
      %dma_start3A_11 = tpu.memref_slice %arg10[%mul3A_0, %dma_start3A_10] : memref<10112x128xf32, #tpu.memory_space<vmem_shared>> -> memref<632x128xf32, #tpu.memory_space<vmem_shared>>
      tpu.enqueue_dma source(%dma_start3A_11 : memref<632x128xf32, #tpu.memory_space<vmem_shared>>) target(%dma_start3A_9 : memref<632x128xf32, #tpu.memory_space<hbm>>) target_semaphore(%run_scoped3A : memref<!tpu.dma_semaphore, #tpu.memory_space<semaphore_mem>>)
      %dma_wait3A = arith.constant 0 : i32
      %dma_wait3A_12 = tpu.memref_slice %arg6[%arg0, %mul3A_0, %dma_wait3A] : memref<2x10112x128xf32, #tpu.memory_space<hbm>> -> memref<1x632x128xf32, #tpu.memory_space<hbm>>
      %dma_wait3A_13 = tpu.memref_squeeze %dma_wait3A_12 : memref<1x632x128xf32, #tpu.memory_space<hbm>> -> memref<632x128xf32, #tpu.memory_space<hbm>>
      %dma_wait3A_14 = arith.constant 0 : i32
      %dma_wait3A_15 = tpu.memref_slice %arg10[%mul3A_0, %dma_wait3A_14] : memref<10112x128xf32, #tpu.memory_space<vmem_shared>> -> memref<632x128xf32, #tpu.memory_space<vmem_shared>>
      tpu.wait_dma2 semaphore(%run_scoped3A : memref<!tpu.dma_semaphore, #tpu.memory_space<semaphore_mem>>) src(%dma_wait3A_15 : memref<632x128xf32, #tpu.memory_space<vmem_shared>>) dst(%dma_wait3A_13 : memref<632x128xf32, #tpu.memory_space<hbm>>)
      tpu.yield
    }) : () -> ()
    return
  }
}

#map = affine_map<(d0, d1) -> (0, 0, 0, 0)>
#map1 = affine_map<(d0, d1) -> (0, 0)>
#map2 = affine_map<(d0, d1) -> (0, 0, 0)>
module attributes {stable_mosaic.version = 14 : i64} {
  func.func @k(%arg0: i32, %arg1: i32, %arg2: memref<2x16x80x128xi32, #tpu.memory_space<hbm>>, %arg3: memref<2x16x80x128xi32, #tpu.memory_space<hbm>>, %arg4: memref<10000x64xf32, #tpu.memory_space<hbm>>, %arg5: memref<10112x64xf32, #tpu.memory_space<hbm>>, %arg6: memref<2x10112x64xf32, #tpu.memory_space<hbm>>, %arg7: memref<80x128xi32, #tpu.memory_space<vmem>>, %arg8: memref<80x128xi32, #tpu.memory_space<vmem>>, %arg9: memref<128x64xf32, #tpu.memory_space<vmem>>, %arg10: memref<128x64xf32, #tpu.memory_space<vmem>>, %arg11: memref<10112x64xf32, #tpu.memory_space<vmem_shared>>, %arg12: memref<!tpu.dma_semaphore, #tpu.memory_space<semaphore_mem>>, %arg13: memref<!tpu.dma_semaphore, #tpu.memory_space<semaphore_mem>>, %arg14: memref<!tpu.dma_semaphore, #tpu.memory_space<semaphore_mem>>, %arg15: memref<!tpu.dma_semaphore, #tpu.memory_space<semaphore_mem>>) attributes {dimension_semantics = [#tpu.dimension_semantics<core_parallel>, #tpu.dimension_semantics<subcore_parallel>], iteration_bounds = array<i64: 2, 16>, scalar_prefetch = 0 : i64, scratch_operands = 9 : i64, tpu.core_type = #tpu.core_type<sc_vector_subcore>, window_params = [{transform_indices = #map}, {transform_indices = #map}, {transform_indices = #map1}, {transform_indices = #map1}, {transform_indices = #map2}]} {
    "tpu.region"() ({
      %run_scoped3A = tpu.sem_alloc : memref<!tpu.dma_semaphore, #tpu.memory_space<semaphore_mem>>
      %dma_start3A = arith.constant 0 : i32
      %dma_start3A_8 = arith.constant 0 : i32
      %dma_start3A_9 = tpu.memref_slice %arg2[%arg0, %arg1, %dma_start3A, %dma_start3A_8] : memref<2x16x80x128xi32, #tpu.memory_space<hbm>> -> memref<1x1x80x128xi32, #tpu.memory_space<hbm>>
      %dma_start3A_10 = tpu.memref_squeeze %dma_start3A_9 : memref<1x1x80x128xi32, #tpu.memory_space<hbm>> -> memref<80x128xi32, #tpu.memory_space<hbm>>
      %dma_start3A_11 = arith.constant 0 : i32
      %dma_start3A_12 = arith.constant 0 : i32
      %dma_start3A_13 = tpu.memref_slice %arg2[%arg0, %arg1, %dma_start3A_11, %dma_start3A_12] : memref<2x16x80x128xi32, #tpu.memory_space<hbm>> -> memref<1x1x80x128xi32, #tpu.memory_space<hbm>>
      %dma_start3A_14 = tpu.memref_squeeze %dma_start3A_13 : memref<1x1x80x128xi32, #tpu.memory_space<hbm>> -> memref<80x128xi32, #tpu.memory_space<hbm>>
      tpu.enqueue_dma source(%dma_start3A_14 : memref<80x128xi32, #tpu.memory_space<hbm>>) target(%arg7 : memref<80x128xi32, #tpu.memory_space<vmem>>) target_semaphore(%run_scoped3A : memref<!tpu.dma_semaphore, #tpu.memory_space<semaphore_mem>>)
      %dma_wait3A = arith.constant 0 : i32
      %dma_wait3A_15 = arith.constant 0 : i32
      %dma_wait3A_16 = tpu.memref_slice %arg2[%arg0, %arg1, %dma_wait3A, %dma_wait3A_15] : memref<2x16x80x128xi32, #tpu.memory_space<hbm>> -> memref<1x1x80x128xi32, #tpu.memory_space<hbm>>
      %dma_wait3A_17 = tpu.memref_squeeze %dma_wait3A_16 : memref<1x1x80x128xi32, #tpu.memory_space<hbm>> -> memref<80x128xi32, #tpu.memory_space<hbm>>
      %dma_wait3A_18 = arith.constant 0 : i32
      %dma_wait3A_19 = arith.constant 0 : i32
      %dma_wait3A_20 = tpu.memref_slice %arg2[%arg0, %arg1, %dma_wait3A_18, %dma_wait3A_19] : memref<2x16x80x128xi32, #tpu.memory_space<hbm>> -> memref<1x1x80x128xi32, #tpu.memory_space<hbm>>
      %dma_wait3A_21 = tpu.memref_squeeze %dma_wait3A_20 : memref<1x1x80x128xi32, #tpu.memory_space<hbm>> -> memref<80x128xi32, #tpu.memory_space<hbm>>
      tpu.wait_dma2 semaphore(%run_scoped3A : memref<!tpu.dma_semaphore, #tpu.memory_space<semaphore_mem>>) src(%dma_wait3A_21 : memref<80x128xi32, #tpu.memory_space<hbm>>) dst(%arg7 : memref<80x128xi32, #tpu.memory_space<vmem>>)
      tpu.yield
    }) : () -> ()
    "tpu.region"() ({
      %run_scoped3A = tpu.sem_alloc : memref<!tpu.dma_semaphore, #tpu.memory_space<semaphore_mem>>
      %dma_start3A = arith.constant 0 : i32
      %dma_start3A_8 = arith.constant 0 : i32
      %dma_start3A_9 = tpu.memref_slice %arg3[%arg0, %arg1, %dma_start3A, %dma_start3A_8] : memref<2x16x80x128xi32, #tpu.memory_space<hbm>> -> memref<1x1x80x128xi32, #tpu.memory_space<hbm>>
      %dma_start3A_10 = tpu.memref_squeeze %dma_start3A_9 : memref<1x1x80x128xi32, #tpu.memory_space<hbm>> -> memref<80x128xi32, #tpu.memory_space<hbm>>
      %dma_start3A_11 = arith.constant 0 : i32
      %dma_start3A_12 = arith.constant 0 : i32
      %dma_start3A_13 = tpu.memref_slice %arg3[%arg0, %arg1, %dma_start3A_11, %dma_start3A_12] : memref<2x16x80x128xi32, #tpu.memory_space<hbm>> -> memref<1x1x80x128xi32, #tpu.memory_space<hbm>>
      %dma_start3A_14 = tpu.memref_squeeze %dma_start3A_13 : memref<1x1x80x128xi32, #tpu.memory_space<hbm>> -> memref<80x128xi32, #tpu.memory_space<hbm>>
      tpu.enqueue_dma source(%dma_start3A_14 : memref<80x128xi32, #tpu.memory_space<hbm>>) target(%arg8 : memref<80x128xi32, #tpu.memory_space<vmem>>) target_semaphore(%run_scoped3A : memref<!tpu.dma_semaphore, #tpu.memory_space<semaphore_mem>>)
      %dma_wait3A = arith.constant 0 : i32
      %dma_wait3A_15 = arith.constant 0 : i32
      %dma_wait3A_16 = tpu.memref_slice %arg3[%arg0, %arg1, %dma_wait3A, %dma_wait3A_15] : memref<2x16x80x128xi32, #tpu.memory_space<hbm>> -> memref<1x1x80x128xi32, #tpu.memory_space<hbm>>
      %dma_wait3A_17 = tpu.memref_squeeze %dma_wait3A_16 : memref<1x1x80x128xi32, #tpu.memory_space<hbm>> -> memref<80x128xi32, #tpu.memory_space<hbm>>
      %dma_wait3A_18 = arith.constant 0 : i32
      %dma_wait3A_19 = arith.constant 0 : i32
      %dma_wait3A_20 = tpu.memref_slice %arg3[%arg0, %arg1, %dma_wait3A_18, %dma_wait3A_19] : memref<2x16x80x128xi32, #tpu.memory_space<hbm>> -> memref<1x1x80x128xi32, #tpu.memory_space<hbm>>
      %dma_wait3A_21 = tpu.memref_squeeze %dma_wait3A_20 : memref<1x1x80x128xi32, #tpu.memory_space<hbm>> -> memref<80x128xi32, #tpu.memory_space<hbm>>
      tpu.wait_dma2 semaphore(%run_scoped3A : memref<!tpu.dma_semaphore, #tpu.memory_space<semaphore_mem>>) src(%dma_wait3A_21 : memref<80x128xi32, #tpu.memory_space<hbm>>) dst(%arg8 : memref<80x128xi32, #tpu.memory_space<vmem>>)
      tpu.yield
    }) : () -> ()
    %mul3A = arith.constant 632 : i32
    %mul3A_0 = arith.muli %arg1, %mul3A : i32
    "tpu.region"() ({
      %run_scoped3A = tpu.sem_alloc : memref<!tpu.dma_semaphore, #tpu.memory_space<semaphore_mem>>
      %dma_start3A = arith.constant 0 : i32
      %dma_start3A_8 = tpu.memref_slice %arg11[%mul3A_0, %dma_start3A] : memref<10112x64xf32, #tpu.memory_space<vmem_shared>> -> memref<632x64xf32, #tpu.memory_space<vmem_shared>>
      %dma_start3A_9 = arith.constant 0 : i32
      %dma_start3A_10 = tpu.memref_slice %arg5[%mul3A_0, %dma_start3A_9] : memref<10112x64xf32, #tpu.memory_space<hbm>> -> memref<632x64xf32, #tpu.memory_space<hbm>>
      tpu.enqueue_dma source(%dma_start3A_10 : memref<632x64xf32, #tpu.memory_space<hbm>>) target(%dma_start3A_8 : memref<632x64xf32, #tpu.memory_space<vmem_shared>>) target_semaphore(%run_scoped3A : memref<!tpu.dma_semaphore, #tpu.memory_space<semaphore_mem>>)
      %dma_wait3A = arith.constant 0 : i32
      %dma_wait3A_11 = tpu.memref_slice %arg11[%mul3A_0, %dma_wait3A] : memref<10112x64xf32, #tpu.memory_space<vmem_shared>> -> memref<632x64xf32, #tpu.memory_space<vmem_shared>>
      %dma_wait3A_12 = arith.constant 0 : i32
      %dma_wait3A_13 = tpu.memref_slice %arg5[%mul3A_0, %dma_wait3A_12] : memref<10112x64xf32, #tpu.memory_space<hbm>> -> memref<632x64xf32, #tpu.memory_space<hbm>>
      tpu.wait_dma2 semaphore(%run_scoped3A : memref<!tpu.dma_semaphore, #tpu.memory_space<semaphore_mem>>) src(%dma_wait3A_13 : memref<632x64xf32, #tpu.memory_space<hbm>>) dst(%dma_wait3A_11 : memref<632x64xf32, #tpu.memory_space<vmem_shared>>)
      tpu.yield
    }) : () -> ()
    %barrier3A = arith.constant 0 : index
    tpu.barrier barrier_id(%barrier3A)
    %scan3A = arith.constant 0 : i32
    %scan3A_1 = arith.constant 0 : i32
    %scan3A_2 = arith.constant 40 : i32
    %scan3A_3 = arith.addi %scan3A_1, %scan3A_2 : i32
    %scan3A_4 = arith.constant 1 : i32
    %scan3A_5 = scf.for %scan3A_8 = %scan3A_1 to %scan3A_3 step %scan3A_4 iter_args(%scan3A_9 = %scan3A) -> (i32)  : i32 {
      %mul3A_10 = arith.constant 2 : i32
      %mul3A_11 = arith.muli %scan3A_8, %mul3A_10 : i32
      %add3A = arith.constant 0 : i32
      %add3A_12 = arith.addi %mul3A_11, %add3A : i32
      %dma_start3A = arith.constant 0 : i32
      %dma_start3A_13 = tpu.memref_slice %arg7[%add3A_12, %dma_start3A] : memref<80x128xi32, #tpu.memory_space<vmem>> -> memref<1x128xi32, #tpu.memory_space<vmem>>
      %dma_start3A_14 = tpu.memref_squeeze %dma_start3A_13 : memref<1x128xi32, #tpu.memory_space<vmem>> -> memref<128xi32, #tpu.memory_space<vmem>>
      %dma_start3A_15 = arith.constant 0 : i32
      %dma_start3A_16 = arith.constant 0 : i32
      %dma_start3A_17 = tpu.memref_slice %arg4[%dma_start3A_15, %dma_start3A_16] : memref<10000x64xf32, #tpu.memory_space<hbm>> -> memref<10000x64xf32, #tpu.memory_space<hbm>>
      tpu.enqueue_indirect_dma source(%dma_start3A_17 : memref<10000x64xf32, #tpu.memory_space<hbm>>) target(%arg9 : memref<128x64xf32, #tpu.memory_space<vmem>>) offsets(%dma_start3A_14 : memref<128xi32, #tpu.memory_space<vmem>>) semaphore(%arg12 : memref<!tpu.dma_semaphore, #tpu.memory_space<semaphore_mem>>)
      %add3A_18 = arith.constant 1 : i32
      %add3A_19 = arith.addi %mul3A_11, %add3A_18 : i32
      %dma_start3A_20 = arith.constant 0 : i32
      %dma_start3A_21 = tpu.memref_slice %arg7[%add3A_19, %dma_start3A_20] : memref<80x128xi32, #tpu.memory_space<vmem>> -> memref<1x128xi32, #tpu.memory_space<vmem>>
      %dma_start3A_22 = tpu.memref_squeeze %dma_start3A_21 : memref<1x128xi32, #tpu.memory_space<vmem>> -> memref<128xi32, #tpu.memory_space<vmem>>
      %dma_start3A_23 = arith.constant 0 : i32
      %dma_start3A_24 = arith.constant 0 : i32
      %dma_start3A_25 = tpu.memref_slice %arg4[%dma_start3A_23, %dma_start3A_24] : memref<10000x64xf32, #tpu.memory_space<hbm>> -> memref<10000x64xf32, #tpu.memory_space<hbm>>
      tpu.enqueue_indirect_dma source(%dma_start3A_25 : memref<10000x64xf32, #tpu.memory_space<hbm>>) target(%arg10 : memref<128x64xf32, #tpu.memory_space<vmem>>) offsets(%dma_start3A_22 : memref<128xi32, #tpu.memory_space<vmem>>) semaphore(%arg13 : memref<!tpu.dma_semaphore, #tpu.memory_space<semaphore_mem>>)
      %dma_wait3A = arith.constant 0 : i32
      %dma_wait3A_26 = tpu.memref_slice %arg7[%add3A_12, %dma_wait3A] : memref<80x128xi32, #tpu.memory_space<vmem>> -> memref<1x128xi32, #tpu.memory_space<vmem>>
      %dma_wait3A_27 = tpu.memref_squeeze %dma_wait3A_26 : memref<1x128xi32, #tpu.memory_space<vmem>> -> memref<128xi32, #tpu.memory_space<vmem>>
      %dma_wait3A_28 = arith.constant 0 : i32
      %dma_wait3A_29 = arith.constant 0 : i32
      %dma_wait3A_30 = tpu.memref_slice %arg4[%dma_wait3A_28, %dma_wait3A_29] : memref<10000x64xf32, #tpu.memory_space<hbm>> -> memref<10000x64xf32, #tpu.memory_space<hbm>>
      tpu.wait_indirect_dma semaphore(%arg12 : memref<!tpu.dma_semaphore, #tpu.memory_space<semaphore_mem>>) src(%dma_wait3A_30 : memref<10000x64xf32, #tpu.memory_space<hbm>>) dst(%arg9 : memref<128x64xf32, #tpu.memory_space<vmem>>)
      %add3A_31 = arith.constant 0 : i32
      %add3A_32 = arith.addi %mul3A_11, %add3A_31 : i32
      %dma_start3A_33 = arith.constant 0 : i32
      %dma_start3A_34 = tpu.memref_slice %arg8[%add3A_32, %dma_start3A_33] : memref<80x128xi32, #tpu.memory_space<vmem>> -> memref<1x128xi32, #tpu.memory_space<vmem>>
      %dma_start3A_35 = tpu.memref_squeeze %dma_start3A_34 : memref<1x128xi32, #tpu.memory_space<vmem>> -> memref<128xi32, #tpu.memory_space<vmem>>
      %dma_start3A_36 = arith.constant 0 : i32
      %dma_start3A_37 = arith.constant 0 : i32
      %dma_start3A_38 = tpu.memref_slice %arg11[%dma_start3A_36, %dma_start3A_37] : memref<10112x64xf32, #tpu.memory_space<vmem_shared>> -> memref<10112x64xf32, #tpu.memory_space<vmem_shared>>
      tpu.enqueue_indirect_dma source(%arg9 : memref<128x64xf32, #tpu.memory_space<vmem>>) target(%dma_start3A_38 : memref<10112x64xf32, #tpu.memory_space<vmem_shared>>) offsets(%dma_start3A_35 : memref<128xi32, #tpu.memory_space<vmem>>) semaphore(%arg14 : memref<!tpu.dma_semaphore, #tpu.memory_space<semaphore_mem>>) {add = true}
      %dma_wait3A_39 = arith.constant 0 : i32
      %dma_wait3A_40 = tpu.memref_slice %arg7[%add3A_19, %dma_wait3A_39] : memref<80x128xi32, #tpu.memory_space<vmem>> -> memref<1x128xi32, #tpu.memory_space<vmem>>
      %dma_wait3A_41 = tpu.memref_squeeze %dma_wait3A_40 : memref<1x128xi32, #tpu.memory_space<vmem>> -> memref<128xi32, #tpu.memory_space<vmem>>
      %dma_wait3A_42 = arith.constant 0 : i32
      %dma_wait3A_43 = arith.constant 0 : i32
      %dma_wait3A_44 = tpu.memref_slice %arg4[%dma_wait3A_42, %dma_wait3A_43] : memref<10000x64xf32, #tpu.memory_space<hbm>> -> memref<10000x64xf32, #tpu.memory_space<hbm>>
      tpu.wait_indirect_dma semaphore(%arg13 : memref<!tpu.dma_semaphore, #tpu.memory_space<semaphore_mem>>) src(%dma_wait3A_44 : memref<10000x64xf32, #tpu.memory_space<hbm>>) dst(%arg10 : memref<128x64xf32, #tpu.memory_space<vmem>>)
      %add3A_45 = arith.constant 1 : i32
      %add3A_46 = arith.addi %mul3A_11, %add3A_45 : i32
      %dma_start3A_47 = arith.constant 0 : i32
      %dma_start3A_48 = tpu.memref_slice %arg8[%add3A_46, %dma_start3A_47] : memref<80x128xi32, #tpu.memory_space<vmem>> -> memref<1x128xi32, #tpu.memory_space<vmem>>
      %dma_start3A_49 = tpu.memref_squeeze %dma_start3A_48 : memref<1x128xi32, #tpu.memory_space<vmem>> -> memref<128xi32, #tpu.memory_space<vmem>>
      %dma_start3A_50 = arith.constant 0 : i32
      %dma_start3A_51 = arith.constant 0 : i32
      %dma_start3A_52 = tpu.memref_slice %arg11[%dma_start3A_50, %dma_start3A_51] : memref<10112x64xf32, #tpu.memory_space<vmem_shared>> -> memref<10112x64xf32, #tpu.memory_space<vmem_shared>>
      tpu.enqueue_indirect_dma source(%arg10 : memref<128x64xf32, #tpu.memory_space<vmem>>) target(%dma_start3A_52 : memref<10112x64xf32, #tpu.memory_space<vmem_shared>>) offsets(%dma_start3A_49 : memref<128xi32, #tpu.memory_space<vmem>>) semaphore(%arg15 : memref<!tpu.dma_semaphore, #tpu.memory_space<semaphore_mem>>) {add = true}
      %dma_wait3A_53 = arith.constant 0 : i32
      %dma_wait3A_54 = tpu.memref_slice %arg8[%add3A_32, %dma_wait3A_53] : memref<80x128xi32, #tpu.memory_space<vmem>> -> memref<1x128xi32, #tpu.memory_space<vmem>>
      %dma_wait3A_55 = tpu.memref_squeeze %dma_wait3A_54 : memref<1x128xi32, #tpu.memory_space<vmem>> -> memref<128xi32, #tpu.memory_space<vmem>>
      %dma_wait3A_56 = arith.constant 0 : i32
      %dma_wait3A_57 = arith.constant 0 : i32
      %dma_wait3A_58 = tpu.memref_slice %arg11[%dma_wait3A_56, %dma_wait3A_57] : memref<10112x64xf32, #tpu.memory_space<vmem_shared>> -> memref<10112x64xf32, #tpu.memory_space<vmem_shared>>
      tpu.wait_indirect_dma semaphore(%arg14 : memref<!tpu.dma_semaphore, #tpu.memory_space<semaphore_mem>>) src(%arg9 : memref<128x64xf32, #tpu.memory_space<vmem>>) dst(%dma_wait3A_58 : memref<10112x64xf32, #tpu.memory_space<vmem_shared>>)
      %dma_wait3A_59 = arith.constant 0 : i32
      %dma_wait3A_60 = tpu.memref_slice %arg8[%add3A_46, %dma_wait3A_59] : memref<80x128xi32, #tpu.memory_space<vmem>> -> memref<1x128xi32, #tpu.memory_space<vmem>>
      %dma_wait3A_61 = tpu.memref_squeeze %dma_wait3A_60 : memref<1x128xi32, #tpu.memory_space<vmem>> -> memref<128xi32, #tpu.memory_space<vmem>>
      %dma_wait3A_62 = arith.constant 0 : i32
      %dma_wait3A_63 = arith.constant 0 : i32
      %dma_wait3A_64 = tpu.memref_slice %arg11[%dma_wait3A_62, %dma_wait3A_63] : memref<10112x64xf32, #tpu.memory_space<vmem_shared>> -> memref<10112x64xf32, #tpu.memory_space<vmem_shared>>
      tpu.wait_indirect_dma semaphore(%arg15 : memref<!tpu.dma_semaphore, #tpu.memory_space<semaphore_mem>>) src(%arg10 : memref<128x64xf32, #tpu.memory_space<vmem>>) dst(%dma_wait3A_64 : memref<10112x64xf32, #tpu.memory_space<vmem_shared>>)
      %scan3A_65 = arith.constant 0 : i32
      scf.yield %scan3A_65 : i32
    }
    %scan3A_6 = arith.constant 40 : i32
    %barrier3A_7 = arith.constant 0 : index
    tpu.barrier barrier_id(%barrier3A_7)
    "tpu.region"() ({
      %run_scoped3A = tpu.sem_alloc : memref<!tpu.dma_semaphore, #tpu.memory_space<semaphore_mem>>
      %dma_start3A = arith.constant 0 : i32
      %dma_start3A_8 = tpu.memref_slice %arg6[%arg0, %mul3A_0, %dma_start3A] : memref<2x10112x64xf32, #tpu.memory_space<hbm>> -> memref<1x632x64xf32, #tpu.memory_space<hbm>>
      %dma_start3A_9 = tpu.memref_squeeze %dma_start3A_8 : memref<1x632x64xf32, #tpu.memory_space<hbm>> -> memref<632x64xf32, #tpu.memory_space<hbm>>
      %dma_start3A_10 = arith.constant 0 : i32
      %dma_start3A_11 = tpu.memref_slice %arg11[%mul3A_0, %dma_start3A_10] : memref<10112x64xf32, #tpu.memory_space<vmem_shared>> -> memref<632x64xf32, #tpu.memory_space<vmem_shared>>
      tpu.enqueue_dma source(%dma_start3A_11 : memref<632x64xf32, #tpu.memory_space<vmem_shared>>) target(%dma_start3A_9 : memref<632x64xf32, #tpu.memory_space<hbm>>) target_semaphore(%run_scoped3A : memref<!tpu.dma_semaphore, #tpu.memory_space<semaphore_mem>>)
      %dma_wait3A = arith.constant 0 : i32
      %dma_wait3A_12 = tpu.memref_slice %arg6[%arg0, %mul3A_0, %dma_wait3A] : memref<2x10112x64xf32, #tpu.memory_space<hbm>> -> memref<1x632x64xf32, #tpu.memory_space<hbm>>
      %dma_wait3A_13 = tpu.memref_squeeze %dma_wait3A_12 : memref<1x632x64xf32, #tpu.memory_space<hbm>> -> memref<632x64xf32, #tpu.memory_space<hbm>>
      %dma_wait3A_14 = arith.constant 0 : i32
      %dma_wait3A_15 = tpu.memref_slice %arg11[%mul3A_0, %dma_wait3A_14] : memref<10112x64xf32, #tpu.memory_space<vmem_shared>> -> memref<632x64xf32, #tpu.memory_space<vmem_shared>>
      tpu.wait_dma2 semaphore(%run_scoped3A : memref<!tpu.dma_semaphore, #tpu.memory_space<semaphore_mem>>) src(%dma_wait3A_15 : memref<632x64xf32, #tpu.memory_space<vmem_shared>>) dst(%dma_wait3A_13 : memref<632x64xf32, #tpu.memory_space<hbm>>)
      tpu.yield
    }) : () -> ()
    return
  }
}

#map = affine_map<(d0, d1) -> (0, 0)>
#map1 = affine_map<(d0, d1) -> (0, 0, 0, 0)>
module attributes {stable_mosaic.version = 14 : i64} {
  func.func @k(%arg0: i32, %arg1: i32, %arg2: memref<10000x128xf32, #tpu.memory_space<hbm>>, %arg3: memref<10000x128xf32, #tpu.memory_space<hbm>>, %arg4: memref<2x16x80x128xi32, #tpu.memory_space<hbm>>, %arg5: memref<2x16x80x128xi32, #tpu.memory_space<hbm>>, %arg6: memref<327680x128xf32, #tpu.memory_space<hbm>>, %arg7: memref<80x128xi32, #tpu.memory_space<vmem>>, %arg8: memref<80x128xi32, #tpu.memory_space<vmem>>, %arg9: memref<128x128xf32, #tpu.memory_space<vmem>>, %arg10: memref<128x128xf32, #tpu.memory_space<vmem>>, %arg11: memref<128x128xf32, #tpu.memory_space<vmem>>, %arg12: memref<128x128xf32, #tpu.memory_space<vmem>>, %arg13: memref<!tpu.dma_semaphore, #tpu.memory_space<semaphore_mem>>, %arg14: memref<!tpu.dma_semaphore, #tpu.memory_space<semaphore_mem>>, %arg15: memref<!tpu.dma_semaphore, #tpu.memory_space<semaphore_mem>>, %arg16: memref<!tpu.dma_semaphore, #tpu.memory_space<semaphore_mem>>, %arg17: memref<!tpu.dma_semaphore, #tpu.memory_space<semaphore_mem>>, %arg18: memref<!tpu.dma_semaphore, #tpu.memory_space<semaphore_mem>>, %arg19: memref<!tpu.dma_semaphore, #tpu.memory_space<semaphore_mem>>, %arg20: memref<!tpu.dma_semaphore, #tpu.memory_space<semaphore_mem>>, %arg21: memref<!tpu.dma_semaphore, #tpu.memory_space<semaphore_mem>>, %arg22: memref<!tpu.dma_semaphore, #tpu.memory_space<semaphore_mem>>, %arg23: memref<!tpu.dma_semaphore, #tpu.memory_space<semaphore_mem>>, %arg24: memref<!tpu.dma_semaphore, #tpu.memory_space<semaphore_mem>>) attributes {dimension_semantics = [#tpu.dimension_semantics<core_parallel>, #tpu.dimension_semantics<subcore_parallel>], iteration_bounds = array<i64: 2, 16>, scalar_prefetch = 0 : i64, scratch_operands = 18 : i64, tpu.core_type = #tpu.core_type<sc_vector_subcore>, window_params = [{transform_indices = #map}, {transform_indices = #map}, {transform_indices = #map1}, {transform_indices = #map1}, {transform_indices = #map}]} {
    %mul3A = arith.constant 16 : i32
    %mul3A_0 = arith.muli %arg0, %mul3A : i32
    %add3A = arith.addi %mul3A_0, %arg1 : i32
    %mul3A_1 = arith.constant 10240 : i32
    %mul3A_2 = arith.muli %add3A, %mul3A_1 : i32
    "tpu.region"() ({
      %run_scoped3A = tpu.sem_alloc : memref<!tpu.dma_semaphore, #tpu.memory_space<semaphore_mem>>
      %dma_start3A = arith.constant 0 : i32
      %dma_start3A_9 = arith.constant 0 : i32
      %dma_start3A_10 = tpu.memref_slice %arg4[%arg0, %arg1, %dma_start3A, %dma_start3A_9] : memref<2x16x80x128xi32, #tpu.memory_space<hbm>> -> memref<1x1x80x128xi32, #tpu.memory_space<hbm>>
      %dma_start3A_11 = tpu.memref_squeeze %dma_start3A_10 : memref<1x1x80x128xi32, #tpu.memory_space<hbm>> -> memref<80x128xi32, #tpu.memory_space<hbm>>
      %dma_start3A_12 = arith.constant 0 : i32
      %dma_start3A_13 = arith.constant 0 : i32
      %dma_start3A_14 = tpu.memref_slice %arg4[%arg0, %arg1, %dma_start3A_12, %dma_start3A_13] : memref<2x16x80x128xi32, #tpu.memory_space<hbm>> -> memref<1x1x80x128xi32, #tpu.memory_space<hbm>>
      %dma_start3A_15 = tpu.memref_squeeze %dma_start3A_14 : memref<1x1x80x128xi32, #tpu.memory_space<hbm>> -> memref<80x128xi32, #tpu.memory_space<hbm>>
      tpu.enqueue_dma source(%dma_start3A_15 : memref<80x128xi32, #tpu.memory_space<hbm>>) target(%arg7 : memref<80x128xi32, #tpu.memory_space<vmem>>) target_semaphore(%run_scoped3A : memref<!tpu.dma_semaphore, #tpu.memory_space<semaphore_mem>>)
      %dma_wait3A = arith.constant 0 : i32
      %dma_wait3A_16 = arith.constant 0 : i32
      %dma_wait3A_17 = tpu.memref_slice %arg4[%arg0, %arg1, %dma_wait3A, %dma_wait3A_16] : memref<2x16x80x128xi32, #tpu.memory_space<hbm>> -> memref<1x1x80x128xi32, #tpu.memory_space<hbm>>
      %dma_wait3A_18 = tpu.memref_squeeze %dma_wait3A_17 : memref<1x1x80x128xi32, #tpu.memory_space<hbm>> -> memref<80x128xi32, #tpu.memory_space<hbm>>
      %dma_wait3A_19 = arith.constant 0 : i32
      %dma_wait3A_20 = arith.constant 0 : i32
      %dma_wait3A_21 = tpu.memref_slice %arg4[%arg0, %arg1, %dma_wait3A_19, %dma_wait3A_20] : memref<2x16x80x128xi32, #tpu.memory_space<hbm>> -> memref<1x1x80x128xi32, #tpu.memory_space<hbm>>
      %dma_wait3A_22 = tpu.memref_squeeze %dma_wait3A_21 : memref<1x1x80x128xi32, #tpu.memory_space<hbm>> -> memref<80x128xi32, #tpu.memory_space<hbm>>
      tpu.wait_dma2 semaphore(%run_scoped3A : memref<!tpu.dma_semaphore, #tpu.memory_space<semaphore_mem>>) src(%dma_wait3A_22 : memref<80x128xi32, #tpu.memory_space<hbm>>) dst(%arg7 : memref<80x128xi32, #tpu.memory_space<vmem>>)
      tpu.yield
    }) : () -> ()
    "tpu.region"() ({
      %run_scoped3A = tpu.sem_alloc : memref<!tpu.dma_semaphore, #tpu.memory_space<semaphore_mem>>
      %dma_start3A = arith.constant 0 : i32
      %dma_start3A_9 = arith.constant 0 : i32
      %dma_start3A_10 = tpu.memref_slice %arg5[%arg0, %arg1, %dma_start3A, %dma_start3A_9] : memref<2x16x80x128xi32, #tpu.memory_space<hbm>> -> memref<1x1x80x128xi32, #tpu.memory_space<hbm>>
      %dma_start3A_11 = tpu.memref_squeeze %dma_start3A_10 : memref<1x1x80x128xi32, #tpu.memory_space<hbm>> -> memref<80x128xi32, #tpu.memory_space<hbm>>
      %dma_start3A_12 = arith.constant 0 : i32
      %dma_start3A_13 = arith.constant 0 : i32
      %dma_start3A_14 = tpu.memref_slice %arg5[%arg0, %arg1, %dma_start3A_12, %dma_start3A_13] : memref<2x16x80x128xi32, #tpu.memory_space<hbm>> -> memref<1x1x80x128xi32, #tpu.memory_space<hbm>>
      %dma_start3A_15 = tpu.memref_squeeze %dma_start3A_14 : memref<1x1x80x128xi32, #tpu.memory_space<hbm>> -> memref<80x128xi32, #tpu.memory_space<hbm>>
      tpu.enqueue_dma source(%dma_start3A_15 : memref<80x128xi32, #tpu.memory_space<hbm>>) target(%arg8 : memref<80x128xi32, #tpu.memory_space<vmem>>) target_semaphore(%run_scoped3A : memref<!tpu.dma_semaphore, #tpu.memory_space<semaphore_mem>>)
      %dma_wait3A = arith.constant 0 : i32
      %dma_wait3A_16 = arith.constant 0 : i32
      %dma_wait3A_17 = tpu.memref_slice %arg5[%arg0, %arg1, %dma_wait3A, %dma_wait3A_16] : memref<2x16x80x128xi32, #tpu.memory_space<hbm>> -> memref<1x1x80x128xi32, #tpu.memory_space<hbm>>
      %dma_wait3A_18 = tpu.memref_squeeze %dma_wait3A_17 : memref<1x1x80x128xi32, #tpu.memory_space<hbm>> -> memref<80x128xi32, #tpu.memory_space<hbm>>
      %dma_wait3A_19 = arith.constant 0 : i32
      %dma_wait3A_20 = arith.constant 0 : i32
      %dma_wait3A_21 = tpu.memref_slice %arg5[%arg0, %arg1, %dma_wait3A_19, %dma_wait3A_20] : memref<2x16x80x128xi32, #tpu.memory_space<hbm>> -> memref<1x1x80x128xi32, #tpu.memory_space<hbm>>
      %dma_wait3A_22 = tpu.memref_squeeze %dma_wait3A_21 : memref<1x1x80x128xi32, #tpu.memory_space<hbm>> -> memref<80x128xi32, #tpu.memory_space<hbm>>
      tpu.wait_dma2 semaphore(%run_scoped3A : memref<!tpu.dma_semaphore, #tpu.memory_space<semaphore_mem>>) src(%dma_wait3A_22 : memref<80x128xi32, #tpu.memory_space<hbm>>) dst(%arg8 : memref<80x128xi32, #tpu.memory_space<vmem>>)
      tpu.yield
    }) : () -> ()
    %scan3A = arith.constant 0 : i32
    %scan3A_3 = arith.constant 0 : i32
    %scan3A_4 = arith.constant 20 : i32
    %scan3A_5 = arith.addi %scan3A_3, %scan3A_4 : i32
    %scan3A_6 = arith.constant 1 : i32
    %scan3A_7 = scf.for %scan3A_9 = %scan3A_3 to %scan3A_5 step %scan3A_6 iter_args(%scan3A_10 = %scan3A) -> (i32)  : i32 {
      %mul3A_11 = arith.constant 4 : i32
      %mul3A_12 = arith.muli %scan3A_9, %mul3A_11 : i32
      %add3A_13 = arith.constant 0 : i32
      %add3A_14 = arith.addi %mul3A_12, %add3A_13 : i32
      %dma_start3A = arith.constant 0 : i32
      %dma_start3A_15 = tpu.memref_slice %arg7[%add3A_14, %dma_start3A] : memref<80x128xi32, #tpu.memory_space<vmem>> -> memref<1x128xi32, #tpu.memory_space<vmem>>
      %dma_start3A_16 = tpu.memref_squeeze %dma_start3A_15 : memref<1x128xi32, #tpu.memory_space<vmem>> -> memref<128xi32, #tpu.memory_space<vmem>>
      %dma_start3A_17 = arith.constant 0 : i32
      %dma_start3A_18 = arith.constant 0 : i32
      %dma_start3A_19 = tpu.memref_slice %arg2[%dma_start3A_17, %dma_start3A_18] : memref<10000x128xf32, #tpu.memory_space<hbm>> -> memref<10000x128xf32, #tpu.memory_space<hbm>>
      tpu.enqueue_indirect_dma source(%dma_start3A_19 : memref<10000x128xf32, #tpu.memory_space<hbm>>) target(%arg9 : memref<128x128xf32, #tpu.memory_space<vmem>>) offsets(%dma_start3A_16 : memref<128xi32, #tpu.memory_space<vmem>>) semaphore(%arg13 : memref<!tpu.dma_semaphore, #tpu.memory_space<semaphore_mem>>)
      %add3A_20 = arith.constant 1 : i32
      %add3A_21 = arith.addi %mul3A_12, %add3A_20 : i32
      %dma_start3A_22 = arith.constant 0 : i32
      %dma_start3A_23 = tpu.memref_slice %arg7[%add3A_21, %dma_start3A_22] : memref<80x128xi32, #tpu.memory_space<vmem>> -> memref<1x128xi32, #tpu.memory_space<vmem>>
      %dma_start3A_24 = tpu.memref_squeeze %dma_start3A_23 : memref<1x128xi32, #tpu.memory_space<vmem>> -> memref<128xi32, #tpu.memory_space<vmem>>
      %dma_start3A_25 = arith.constant 0 : i32
      %dma_start3A_26 = arith.constant 0 : i32
      %dma_start3A_27 = tpu.memref_slice %arg2[%dma_start3A_25, %dma_start3A_26] : memref<10000x128xf32, #tpu.memory_space<hbm>> -> memref<10000x128xf32, #tpu.memory_space<hbm>>
      tpu.enqueue_indirect_dma source(%dma_start3A_27 : memref<10000x128xf32, #tpu.memory_space<hbm>>) target(%arg10 : memref<128x128xf32, #tpu.memory_space<vmem>>) offsets(%dma_start3A_24 : memref<128xi32, #tpu.memory_space<vmem>>) semaphore(%arg14 : memref<!tpu.dma_semaphore, #tpu.memory_space<semaphore_mem>>)
      %add3A_28 = arith.constant 2 : i32
      %add3A_29 = arith.addi %mul3A_12, %add3A_28 : i32
      %dma_start3A_30 = arith.constant 0 : i32
      %dma_start3A_31 = tpu.memref_slice %arg7[%add3A_29, %dma_start3A_30] : memref<80x128xi32, #tpu.memory_space<vmem>> -> memref<1x128xi32, #tpu.memory_space<vmem>>
      %dma_start3A_32 = tpu.memref_squeeze %dma_start3A_31 : memref<1x128xi32, #tpu.memory_space<vmem>> -> memref<128xi32, #tpu.memory_space<vmem>>
      %dma_start3A_33 = arith.constant 0 : i32
      %dma_start3A_34 = arith.constant 0 : i32
      %dma_start3A_35 = tpu.memref_slice %arg2[%dma_start3A_33, %dma_start3A_34] : memref<10000x128xf32, #tpu.memory_space<hbm>> -> memref<10000x128xf32, #tpu.memory_space<hbm>>
      tpu.enqueue_indirect_dma source(%dma_start3A_35 : memref<10000x128xf32, #tpu.memory_space<hbm>>) target(%arg11 : memref<128x128xf32, #tpu.memory_space<vmem>>) offsets(%dma_start3A_32 : memref<128xi32, #tpu.memory_space<vmem>>) semaphore(%arg15 : memref<!tpu.dma_semaphore, #tpu.memory_space<semaphore_mem>>)
      %add3A_36 = arith.constant 3 : i32
      %add3A_37 = arith.addi %mul3A_12, %add3A_36 : i32
      %dma_start3A_38 = arith.constant 0 : i32
      %dma_start3A_39 = tpu.memref_slice %arg7[%add3A_37, %dma_start3A_38] : memref<80x128xi32, #tpu.memory_space<vmem>> -> memref<1x128xi32, #tpu.memory_space<vmem>>
      %dma_start3A_40 = tpu.memref_squeeze %dma_start3A_39 : memref<1x128xi32, #tpu.memory_space<vmem>> -> memref<128xi32, #tpu.memory_space<vmem>>
      %dma_start3A_41 = arith.constant 0 : i32
      %dma_start3A_42 = arith.constant 0 : i32
      %dma_start3A_43 = tpu.memref_slice %arg2[%dma_start3A_41, %dma_start3A_42] : memref<10000x128xf32, #tpu.memory_space<hbm>> -> memref<10000x128xf32, #tpu.memory_space<hbm>>
      tpu.enqueue_indirect_dma source(%dma_start3A_43 : memref<10000x128xf32, #tpu.memory_space<hbm>>) target(%arg12 : memref<128x128xf32, #tpu.memory_space<vmem>>) offsets(%dma_start3A_40 : memref<128xi32, #tpu.memory_space<vmem>>) semaphore(%arg16 : memref<!tpu.dma_semaphore, #tpu.memory_space<semaphore_mem>>)
      %dma_wait3A = arith.constant 0 : i32
      %dma_wait3A_44 = tpu.memref_slice %arg7[%add3A_14, %dma_wait3A] : memref<80x128xi32, #tpu.memory_space<vmem>> -> memref<1x128xi32, #tpu.memory_space<vmem>>
      %dma_wait3A_45 = tpu.memref_squeeze %dma_wait3A_44 : memref<1x128xi32, #tpu.memory_space<vmem>> -> memref<128xi32, #tpu.memory_space<vmem>>
      %dma_wait3A_46 = arith.constant 0 : i32
      %dma_wait3A_47 = arith.constant 0 : i32
      %dma_wait3A_48 = tpu.memref_slice %arg2[%dma_wait3A_46, %dma_wait3A_47] : memref<10000x128xf32, #tpu.memory_space<hbm>> -> memref<10000x128xf32, #tpu.memory_space<hbm>>
      tpu.wait_indirect_dma semaphore(%arg13 : memref<!tpu.dma_semaphore, #tpu.memory_space<semaphore_mem>>) src(%dma_wait3A_48 : memref<10000x128xf32, #tpu.memory_space<hbm>>) dst(%arg9 : memref<128x128xf32, #tpu.memory_space<vmem>>)
      %add3A_49 = arith.constant 0 : i32
      %add3A_50 = arith.addi %mul3A_12, %add3A_49 : i32
      %dma_start3A_51 = arith.constant 0 : i32
      %dma_start3A_52 = tpu.memref_slice %arg8[%add3A_50, %dma_start3A_51] : memref<80x128xi32, #tpu.memory_space<vmem>> -> memref<1x128xi32, #tpu.memory_space<vmem>>
      %dma_start3A_53 = tpu.memref_squeeze %dma_start3A_52 : memref<1x128xi32, #tpu.memory_space<vmem>> -> memref<128xi32, #tpu.memory_space<vmem>>
      %dma_start3A_54 = arith.constant 0 : i32
      %dma_start3A_55 = arith.constant 0 : i32
      %dma_start3A_56 = tpu.memref_slice %arg3[%dma_start3A_54, %dma_start3A_55] : memref<10000x128xf32, #tpu.memory_space<hbm>> -> memref<10000x128xf32, #tpu.memory_space<hbm>>
      tpu.enqueue_indirect_dma source(%dma_start3A_56 : memref<10000x128xf32, #tpu.memory_space<hbm>>) target(%arg9 : memref<128x128xf32, #tpu.memory_space<vmem>>) offsets(%dma_start3A_53 : memref<128xi32, #tpu.memory_space<vmem>>) semaphore(%arg17 : memref<!tpu.dma_semaphore, #tpu.memory_space<semaphore_mem>>) {add = true}
      %dma_wait3A_57 = arith.constant 0 : i32
      %dma_wait3A_58 = tpu.memref_slice %arg7[%add3A_21, %dma_wait3A_57] : memref<80x128xi32, #tpu.memory_space<vmem>> -> memref<1x128xi32, #tpu.memory_space<vmem>>
      %dma_wait3A_59 = tpu.memref_squeeze %dma_wait3A_58 : memref<1x128xi32, #tpu.memory_space<vmem>> -> memref<128xi32, #tpu.memory_space<vmem>>
      %dma_wait3A_60 = arith.constant 0 : i32
      %dma_wait3A_61 = arith.constant 0 : i32
      %dma_wait3A_62 = tpu.memref_slice %arg2[%dma_wait3A_60, %dma_wait3A_61] : memref<10000x128xf32, #tpu.memory_space<hbm>> -> memref<10000x128xf32, #tpu.memory_space<hbm>>
      tpu.wait_indirect_dma semaphore(%arg14 : memref<!tpu.dma_semaphore, #tpu.memory_space<semaphore_mem>>) src(%dma_wait3A_62 : memref<10000x128xf32, #tpu.memory_space<hbm>>) dst(%arg10 : memref<128x128xf32, #tpu.memory_space<vmem>>)
      %add3A_63 = arith.constant 1 : i32
      %add3A_64 = arith.addi %mul3A_12, %add3A_63 : i32
      %dma_start3A_65 = arith.constant 0 : i32
      %dma_start3A_66 = tpu.memref_slice %arg8[%add3A_64, %dma_start3A_65] : memref<80x128xi32, #tpu.memory_space<vmem>> -> memref<1x128xi32, #tpu.memory_space<vmem>>
      %dma_start3A_67 = tpu.memref_squeeze %dma_start3A_66 : memref<1x128xi32, #tpu.memory_space<vmem>> -> memref<128xi32, #tpu.memory_space<vmem>>
      %dma_start3A_68 = arith.constant 0 : i32
      %dma_start3A_69 = arith.constant 0 : i32
      %dma_start3A_70 = tpu.memref_slice %arg3[%dma_start3A_68, %dma_start3A_69] : memref<10000x128xf32, #tpu.memory_space<hbm>> -> memref<10000x128xf32, #tpu.memory_space<hbm>>
      tpu.enqueue_indirect_dma source(%dma_start3A_70 : memref<10000x128xf32, #tpu.memory_space<hbm>>) target(%arg10 : memref<128x128xf32, #tpu.memory_space<vmem>>) offsets(%dma_start3A_67 : memref<128xi32, #tpu.memory_space<vmem>>) semaphore(%arg18 : memref<!tpu.dma_semaphore, #tpu.memory_space<semaphore_mem>>) {add = true}
      %dma_wait3A_71 = arith.constant 0 : i32
      %dma_wait3A_72 = tpu.memref_slice %arg7[%add3A_29, %dma_wait3A_71] : memref<80x128xi32, #tpu.memory_space<vmem>> -> memref<1x128xi32, #tpu.memory_space<vmem>>
      %dma_wait3A_73 = tpu.memref_squeeze %dma_wait3A_72 : memref<1x128xi32, #tpu.memory_space<vmem>> -> memref<128xi32, #tpu.memory_space<vmem>>
      %dma_wait3A_74 = arith.constant 0 : i32
      %dma_wait3A_75 = arith.constant 0 : i32
      %dma_wait3A_76 = tpu.memref_slice %arg2[%dma_wait3A_74, %dma_wait3A_75] : memref<10000x128xf32, #tpu.memory_space<hbm>> -> memref<10000x128xf32, #tpu.memory_space<hbm>>
      tpu.wait_indirect_dma semaphore(%arg15 : memref<!tpu.dma_semaphore, #tpu.memory_space<semaphore_mem>>) src(%dma_wait3A_76 : memref<10000x128xf32, #tpu.memory_space<hbm>>) dst(%arg11 : memref<128x128xf32, #tpu.memory_space<vmem>>)
      %add3A_77 = arith.constant 2 : i32
      %add3A_78 = arith.addi %mul3A_12, %add3A_77 : i32
      %dma_start3A_79 = arith.constant 0 : i32
      %dma_start3A_80 = tpu.memref_slice %arg8[%add3A_78, %dma_start3A_79] : memref<80x128xi32, #tpu.memory_space<vmem>> -> memref<1x128xi32, #tpu.memory_space<vmem>>
      %dma_start3A_81 = tpu.memref_squeeze %dma_start3A_80 : memref<1x128xi32, #tpu.memory_space<vmem>> -> memref<128xi32, #tpu.memory_space<vmem>>
      %dma_start3A_82 = arith.constant 0 : i32
      %dma_start3A_83 = arith.constant 0 : i32
      %dma_start3A_84 = tpu.memref_slice %arg3[%dma_start3A_82, %dma_start3A_83] : memref<10000x128xf32, #tpu.memory_space<hbm>> -> memref<10000x128xf32, #tpu.memory_space<hbm>>
      tpu.enqueue_indirect_dma source(%dma_start3A_84 : memref<10000x128xf32, #tpu.memory_space<hbm>>) target(%arg11 : memref<128x128xf32, #tpu.memory_space<vmem>>) offsets(%dma_start3A_81 : memref<128xi32, #tpu.memory_space<vmem>>) semaphore(%arg19 : memref<!tpu.dma_semaphore, #tpu.memory_space<semaphore_mem>>) {add = true}
      %dma_wait3A_85 = arith.constant 0 : i32
      %dma_wait3A_86 = tpu.memref_slice %arg7[%add3A_37, %dma_wait3A_85] : memref<80x128xi32, #tpu.memory_space<vmem>> -> memref<1x128xi32, #tpu.memory_space<vmem>>
      %dma_wait3A_87 = tpu.memref_squeeze %dma_wait3A_86 : memref<1x128xi32, #tpu.memory_space<vmem>> -> memref<128xi32, #tpu.memory_space<vmem>>
      %dma_wait3A_88 = arith.constant 0 : i32
      %dma_wait3A_89 = arith.constant 0 : i32
      %dma_wait3A_90 = tpu.memref_slice %arg2[%dma_wait3A_88, %dma_wait3A_89] : memref<10000x128xf32, #tpu.memory_space<hbm>> -> memref<10000x128xf32, #tpu.memory_space<hbm>>
      tpu.wait_indirect_dma semaphore(%arg16 : memref<!tpu.dma_semaphore, #tpu.memory_space<semaphore_mem>>) src(%dma_wait3A_90 : memref<10000x128xf32, #tpu.memory_space<hbm>>) dst(%arg12 : memref<128x128xf32, #tpu.memory_space<vmem>>)
      %add3A_91 = arith.constant 3 : i32
      %add3A_92 = arith.addi %mul3A_12, %add3A_91 : i32
      %dma_start3A_93 = arith.constant 0 : i32
      %dma_start3A_94 = tpu.memref_slice %arg8[%add3A_92, %dma_start3A_93] : memref<80x128xi32, #tpu.memory_space<vmem>> -> memref<1x128xi32, #tpu.memory_space<vmem>>
      %dma_start3A_95 = tpu.memref_squeeze %dma_start3A_94 : memref<1x128xi32, #tpu.memory_space<vmem>> -> memref<128xi32, #tpu.memory_space<vmem>>
      %dma_start3A_96 = arith.constant 0 : i32
      %dma_start3A_97 = arith.constant 0 : i32
      %dma_start3A_98 = tpu.memref_slice %arg3[%dma_start3A_96, %dma_start3A_97] : memref<10000x128xf32, #tpu.memory_space<hbm>> -> memref<10000x128xf32, #tpu.memory_space<hbm>>
      tpu.enqueue_indirect_dma source(%dma_start3A_98 : memref<10000x128xf32, #tpu.memory_space<hbm>>) target(%arg12 : memref<128x128xf32, #tpu.memory_space<vmem>>) offsets(%dma_start3A_95 : memref<128xi32, #tpu.memory_space<vmem>>) semaphore(%arg20 : memref<!tpu.dma_semaphore, #tpu.memory_space<semaphore_mem>>) {add = true}
      %dma_wait3A_99 = arith.constant 0 : i32
      %dma_wait3A_100 = tpu.memref_slice %arg8[%add3A_50, %dma_wait3A_99] : memref<80x128xi32, #tpu.memory_space<vmem>> -> memref<1x128xi32, #tpu.memory_space<vmem>>
      %dma_wait3A_101 = tpu.memref_squeeze %dma_wait3A_100 : memref<1x128xi32, #tpu.memory_space<vmem>> -> memref<128xi32, #tpu.memory_space<vmem>>
      %dma_wait3A_102 = arith.constant 0 : i32
      %dma_wait3A_103 = arith.constant 0 : i32
      %dma_wait3A_104 = tpu.memref_slice %arg3[%dma_wait3A_102, %dma_wait3A_103] : memref<10000x128xf32, #tpu.memory_space<hbm>> -> memref<10000x128xf32, #tpu.memory_space<hbm>>
      tpu.wait_indirect_dma semaphore(%arg17 : memref<!tpu.dma_semaphore, #tpu.memory_space<semaphore_mem>>) src(%dma_wait3A_104 : memref<10000x128xf32, #tpu.memory_space<hbm>>) dst(%arg9 : memref<128x128xf32, #tpu.memory_space<vmem>>)
      %add3A_105 = arith.constant 0 : i32
      %add3A_106 = arith.addi %mul3A_12, %add3A_105 : i32
      %mul3A_107 = arith.constant 128 : i32
      %mul3A_108 = arith.muli %add3A_106, %mul3A_107 : i32
      %add3A_109 = arith.addi %mul3A_2, %mul3A_108 : i32
      %dma_start3A_110 = arith.constant 0 : i32
      %dma_start3A_111 = tpu.memref_slice %arg6[%add3A_109, %dma_start3A_110] : memref<327680x128xf32, #tpu.memory_space<hbm>> -> memref<128x128xf32, #tpu.memory_space<hbm>>
      %dma_start3A_112 = arith.constant 0 : i32
      %dma_start3A_113 = tpu.memref_slice %arg6[%add3A_109, %dma_start3A_112] : memref<327680x128xf32, #tpu.memory_space<hbm>> -> memref<128x128xf32, #tpu.memory_space<hbm>>
      tpu.enqueue_dma source(%arg9 : memref<128x128xf32, #tpu.memory_space<vmem>>) target(%dma_start3A_113 : memref<128x128xf32, #tpu.memory_space<hbm>>) target_semaphore(%arg21 : memref<!tpu.dma_semaphore, #tpu.memory_space<semaphore_mem>>)
      %dma_wait3A_114 = arith.constant 0 : i32
      %dma_wait3A_115 = tpu.memref_slice %arg8[%add3A_64, %dma_wait3A_114] : memref<80x128xi32, #tpu.memory_space<vmem>> -> memref<1x128xi32, #tpu.memory_space<vmem>>
      %dma_wait3A_116 = tpu.memref_squeeze %dma_wait3A_115 : memref<1x128xi32, #tpu.memory_space<vmem>> -> memref<128xi32, #tpu.memory_space<vmem>>
      %dma_wait3A_117 = arith.constant 0 : i32
      %dma_wait3A_118 = arith.constant 0 : i32
      %dma_wait3A_119 = tpu.memref_slice %arg3[%dma_wait3A_117, %dma_wait3A_118] : memref<10000x128xf32, #tpu.memory_space<hbm>> -> memref<10000x128xf32, #tpu.memory_space<hbm>>
      tpu.wait_indirect_dma semaphore(%arg18 : memref<!tpu.dma_semaphore, #tpu.memory_space<semaphore_mem>>) src(%dma_wait3A_119 : memref<10000x128xf32, #tpu.memory_space<hbm>>) dst(%arg10 : memref<128x128xf32, #tpu.memory_space<vmem>>)
      %add3A_120 = arith.constant 1 : i32
      %add3A_121 = arith.addi %mul3A_12, %add3A_120 : i32
      %mul3A_122 = arith.constant 128 : i32
      %mul3A_123 = arith.muli %add3A_121, %mul3A_122 : i32
      %add3A_124 = arith.addi %mul3A_2, %mul3A_123 : i32
      %dma_start3A_125 = arith.constant 0 : i32
      %dma_start3A_126 = tpu.memref_slice %arg6[%add3A_124, %dma_start3A_125] : memref<327680x128xf32, #tpu.memory_space<hbm>> -> memref<128x128xf32, #tpu.memory_space<hbm>>
      %dma_start3A_127 = arith.constant 0 : i32
      %dma_start3A_128 = tpu.memref_slice %arg6[%add3A_124, %dma_start3A_127] : memref<327680x128xf32, #tpu.memory_space<hbm>> -> memref<128x128xf32, #tpu.memory_space<hbm>>
      tpu.enqueue_dma source(%arg10 : memref<128x128xf32, #tpu.memory_space<vmem>>) target(%dma_start3A_128 : memref<128x128xf32, #tpu.memory_space<hbm>>) target_semaphore(%arg22 : memref<!tpu.dma_semaphore, #tpu.memory_space<semaphore_mem>>)
      %dma_wait3A_129 = arith.constant 0 : i32
      %dma_wait3A_130 = tpu.memref_slice %arg8[%add3A_78, %dma_wait3A_129] : memref<80x128xi32, #tpu.memory_space<vmem>> -> memref<1x128xi32, #tpu.memory_space<vmem>>
      %dma_wait3A_131 = tpu.memref_squeeze %dma_wait3A_130 : memref<1x128xi32, #tpu.memory_space<vmem>> -> memref<128xi32, #tpu.memory_space<vmem>>
      %dma_wait3A_132 = arith.constant 0 : i32
      %dma_wait3A_133 = arith.constant 0 : i32
      %dma_wait3A_134 = tpu.memref_slice %arg3[%dma_wait3A_132, %dma_wait3A_133] : memref<10000x128xf32, #tpu.memory_space<hbm>> -> memref<10000x128xf32, #tpu.memory_space<hbm>>
      tpu.wait_indirect_dma semaphore(%arg19 : memref<!tpu.dma_semaphore, #tpu.memory_space<semaphore_mem>>) src(%dma_wait3A_134 : memref<10000x128xf32, #tpu.memory_space<hbm>>) dst(%arg11 : memref<128x128xf32, #tpu.memory_space<vmem>>)
      %add3A_135 = arith.constant 2 : i32
      %add3A_136 = arith.addi %mul3A_12, %add3A_135 : i32
      %mul3A_137 = arith.constant 128 : i32
      %mul3A_138 = arith.muli %add3A_136, %mul3A_137 : i32
      %add3A_139 = arith.addi %mul3A_2, %mul3A_138 : i32
      %dma_start3A_140 = arith.constant 0 : i32
      %dma_start3A_141 = tpu.memref_slice %arg6[%add3A_139, %dma_start3A_140] : memref<327680x128xf32, #tpu.memory_space<hbm>> -> memref<128x128xf32, #tpu.memory_space<hbm>>
      %dma_start3A_142 = arith.constant 0 : i32
      %dma_start3A_143 = tpu.memref_slice %arg6[%add3A_139, %dma_start3A_142] : memref<327680x128xf32, #tpu.memory_space<hbm>> -> memref<128x128xf32, #tpu.memory_space<hbm>>
      tpu.enqueue_dma source(%arg11 : memref<128x128xf32, #tpu.memory_space<vmem>>) target(%dma_start3A_143 : memref<128x128xf32, #tpu.memory_space<hbm>>) target_semaphore(%arg23 : memref<!tpu.dma_semaphore, #tpu.memory_space<semaphore_mem>>)
      %dma_wait3A_144 = arith.constant 0 : i32
      %dma_wait3A_145 = tpu.memref_slice %arg8[%add3A_92, %dma_wait3A_144] : memref<80x128xi32, #tpu.memory_space<vmem>> -> memref<1x128xi32, #tpu.memory_space<vmem>>
      %dma_wait3A_146 = tpu.memref_squeeze %dma_wait3A_145 : memref<1x128xi32, #tpu.memory_space<vmem>> -> memref<128xi32, #tpu.memory_space<vmem>>
      %dma_wait3A_147 = arith.constant 0 : i32
      %dma_wait3A_148 = arith.constant 0 : i32
      %dma_wait3A_149 = tpu.memref_slice %arg3[%dma_wait3A_147, %dma_wait3A_148] : memref<10000x128xf32, #tpu.memory_space<hbm>> -> memref<10000x128xf32, #tpu.memory_space<hbm>>
      tpu.wait_indirect_dma semaphore(%arg20 : memref<!tpu.dma_semaphore, #tpu.memory_space<semaphore_mem>>) src(%dma_wait3A_149 : memref<10000x128xf32, #tpu.memory_space<hbm>>) dst(%arg12 : memref<128x128xf32, #tpu.memory_space<vmem>>)
      %add3A_150 = arith.constant 3 : i32
      %add3A_151 = arith.addi %mul3A_12, %add3A_150 : i32
      %mul3A_152 = arith.constant 128 : i32
      %mul3A_153 = arith.muli %add3A_151, %mul3A_152 : i32
      %add3A_154 = arith.addi %mul3A_2, %mul3A_153 : i32
      %dma_start3A_155 = arith.constant 0 : i32
      %dma_start3A_156 = tpu.memref_slice %arg6[%add3A_154, %dma_start3A_155] : memref<327680x128xf32, #tpu.memory_space<hbm>> -> memref<128x128xf32, #tpu.memory_space<hbm>>
      %dma_start3A_157 = arith.constant 0 : i32
      %dma_start3A_158 = tpu.memref_slice %arg6[%add3A_154, %dma_start3A_157] : memref<327680x128xf32, #tpu.memory_space<hbm>> -> memref<128x128xf32, #tpu.memory_space<hbm>>
      tpu.enqueue_dma source(%arg12 : memref<128x128xf32, #tpu.memory_space<vmem>>) target(%dma_start3A_158 : memref<128x128xf32, #tpu.memory_space<hbm>>) target_semaphore(%arg24 : memref<!tpu.dma_semaphore, #tpu.memory_space<semaphore_mem>>)
      %dma_wait3A_159 = arith.constant 0 : i32
      %dma_wait3A_160 = tpu.memref_slice %arg6[%add3A_109, %dma_wait3A_159] : memref<327680x128xf32, #tpu.memory_space<hbm>> -> memref<128x128xf32, #tpu.memory_space<hbm>>
      %dma_wait3A_161 = arith.constant 0 : i32
      %dma_wait3A_162 = tpu.memref_slice %arg6[%add3A_109, %dma_wait3A_161] : memref<327680x128xf32, #tpu.memory_space<hbm>> -> memref<128x128xf32, #tpu.memory_space<hbm>>
      tpu.wait_dma2 semaphore(%arg21 : memref<!tpu.dma_semaphore, #tpu.memory_space<semaphore_mem>>) src(%arg9 : memref<128x128xf32, #tpu.memory_space<vmem>>) dst(%dma_wait3A_162 : memref<128x128xf32, #tpu.memory_space<hbm>>)
      %dma_wait3A_163 = arith.constant 0 : i32
      %dma_wait3A_164 = tpu.memref_slice %arg6[%add3A_124, %dma_wait3A_163] : memref<327680x128xf32, #tpu.memory_space<hbm>> -> memref<128x128xf32, #tpu.memory_space<hbm>>
      %dma_wait3A_165 = arith.constant 0 : i32
      %dma_wait3A_166 = tpu.memref_slice %arg6[%add3A_124, %dma_wait3A_165] : memref<327680x128xf32, #tpu.memory_space<hbm>> -> memref<128x128xf32, #tpu.memory_space<hbm>>
      tpu.wait_dma2 semaphore(%arg22 : memref<!tpu.dma_semaphore, #tpu.memory_space<semaphore_mem>>) src(%arg10 : memref<128x128xf32, #tpu.memory_space<vmem>>) dst(%dma_wait3A_166 : memref<128x128xf32, #tpu.memory_space<hbm>>)
      %dma_wait3A_167 = arith.constant 0 : i32
      %dma_wait3A_168 = tpu.memref_slice %arg6[%add3A_139, %dma_wait3A_167] : memref<327680x128xf32, #tpu.memory_space<hbm>> -> memref<128x128xf32, #tpu.memory_space<hbm>>
      %dma_wait3A_169 = arith.constant 0 : i32
      %dma_wait3A_170 = tpu.memref_slice %arg6[%add3A_139, %dma_wait3A_169] : memref<327680x128xf32, #tpu.memory_space<hbm>> -> memref<128x128xf32, #tpu.memory_space<hbm>>
      tpu.wait_dma2 semaphore(%arg23 : memref<!tpu.dma_semaphore, #tpu.memory_space<semaphore_mem>>) src(%arg11 : memref<128x128xf32, #tpu.memory_space<vmem>>) dst(%dma_wait3A_170 : memref<128x128xf32, #tpu.memory_space<hbm>>)
      %dma_wait3A_171 = arith.constant 0 : i32
      %dma_wait3A_172 = tpu.memref_slice %arg6[%add3A_154, %dma_wait3A_171] : memref<327680x128xf32, #tpu.memory_space<hbm>> -> memref<128x128xf32, #tpu.memory_space<hbm>>
      %dma_wait3A_173 = arith.constant 0 : i32
      %dma_wait3A_174 = tpu.memref_slice %arg6[%add3A_154, %dma_wait3A_173] : memref<327680x128xf32, #tpu.memory_space<hbm>> -> memref<128x128xf32, #tpu.memory_space<hbm>>
      tpu.wait_dma2 semaphore(%arg24 : memref<!tpu.dma_semaphore, #tpu.memory_space<semaphore_mem>>) src(%arg12 : memref<128x128xf32, #tpu.memory_space<vmem>>) dst(%dma_wait3A_174 : memref<128x128xf32, #tpu.memory_space<hbm>>)
      %scan3A_175 = arith.constant 0 : i32
      scf.yield %scan3A_175 : i32
    }
    %scan3A_8 = arith.constant 20 : i32
    return
  }
}

#map = affine_map<(d0, d1) -> (0, 0)>
#map1 = affine_map<(d0, d1) -> (0, 0, 0, 0)>
module attributes {stable_mosaic.version = 14 : i64} {
  func.func @k(%arg0: i32, %arg1: i32, %arg2: memref<10000x128xf32, #tpu.memory_space<hbm>>, %arg3: memref<10000x128xf32, #tpu.memory_space<hbm>>, %arg4: memref<2x16x80x128xi32, #tpu.memory_space<hbm>>, %arg5: memref<2x16x80x128xi32, #tpu.memory_space<hbm>>, %arg6: memref<327680x128xf32, #tpu.memory_space<hbm>>, %arg7: memref<80x128xi32, #tpu.memory_space<vmem>>, %arg8: memref<80x128xi32, #tpu.memory_space<vmem>>, %arg9: memref<128x128xf32, #tpu.memory_space<vmem>>, %arg10: memref<128x128xf32, #tpu.memory_space<vmem>>, %arg11: memref<128x128xf32, #tpu.memory_space<vmem>>, %arg12: memref<128x128xf32, #tpu.memory_space<vmem>>, %arg13: memref<!tpu.dma_semaphore, #tpu.memory_space<semaphore_mem>>, %arg14: memref<!tpu.dma_semaphore, #tpu.memory_space<semaphore_mem>>, %arg15: memref<!tpu.dma_semaphore, #tpu.memory_space<semaphore_mem>>, %arg16: memref<!tpu.dma_semaphore, #tpu.memory_space<semaphore_mem>>, %arg17: memref<!tpu.dma_semaphore, #tpu.memory_space<semaphore_mem>>, %arg18: memref<!tpu.dma_semaphore, #tpu.memory_space<semaphore_mem>>, %arg19: memref<!tpu.dma_semaphore, #tpu.memory_space<semaphore_mem>>, %arg20: memref<!tpu.dma_semaphore, #tpu.memory_space<semaphore_mem>>, %arg21: memref<!tpu.dma_semaphore, #tpu.memory_space<semaphore_mem>>, %arg22: memref<!tpu.dma_semaphore, #tpu.memory_space<semaphore_mem>>, %arg23: memref<!tpu.dma_semaphore, #tpu.memory_space<semaphore_mem>>, %arg24: memref<!tpu.dma_semaphore, #tpu.memory_space<semaphore_mem>>) attributes {dimension_semantics = [#tpu.dimension_semantics<core_parallel>, #tpu.dimension_semantics<subcore_parallel>], iteration_bounds = array<i64: 2, 16>, scalar_prefetch = 0 : i64, scratch_operands = 18 : i64, tpu.core_type = #tpu.core_type<sc_vector_subcore>, window_params = [{transform_indices = #map}, {transform_indices = #map}, {transform_indices = #map1}, {transform_indices = #map1}, {transform_indices = #map}]} {
    %mul3A = arith.constant 16 : i32
    %mul3A_0 = arith.muli %arg0, %mul3A : i32
    %add3A = arith.addi %mul3A_0, %arg1 : i32
    %mul3A_1 = arith.constant 10240 : i32
    %mul3A_2 = arith.muli %add3A, %mul3A_1 : i32
    "tpu.region"() ({
      %run_scoped3A = tpu.sem_alloc : memref<!tpu.dma_semaphore, #tpu.memory_space<semaphore_mem>>
      %dma_start3A = arith.constant 0 : i32
      %dma_start3A_9 = arith.constant 0 : i32
      %dma_start3A_10 = tpu.memref_slice %arg4[%arg0, %arg1, %dma_start3A, %dma_start3A_9] : memref<2x16x80x128xi32, #tpu.memory_space<hbm>> -> memref<1x1x80x128xi32, #tpu.memory_space<hbm>>
      %dma_start3A_11 = tpu.memref_squeeze %dma_start3A_10 : memref<1x1x80x128xi32, #tpu.memory_space<hbm>> -> memref<80x128xi32, #tpu.memory_space<hbm>>
      %dma_start3A_12 = arith.constant 0 : i32
      %dma_start3A_13 = arith.constant 0 : i32
      %dma_start3A_14 = tpu.memref_slice %arg4[%arg0, %arg1, %dma_start3A_12, %dma_start3A_13] : memref<2x16x80x128xi32, #tpu.memory_space<hbm>> -> memref<1x1x80x128xi32, #tpu.memory_space<hbm>>
      %dma_start3A_15 = tpu.memref_squeeze %dma_start3A_14 : memref<1x1x80x128xi32, #tpu.memory_space<hbm>> -> memref<80x128xi32, #tpu.memory_space<hbm>>
      tpu.enqueue_dma source(%dma_start3A_15 : memref<80x128xi32, #tpu.memory_space<hbm>>) target(%arg7 : memref<80x128xi32, #tpu.memory_space<vmem>>) target_semaphore(%run_scoped3A : memref<!tpu.dma_semaphore, #tpu.memory_space<semaphore_mem>>)
      %dma_wait3A = arith.constant 0 : i32
      %dma_wait3A_16 = arith.constant 0 : i32
      %dma_wait3A_17 = tpu.memref_slice %arg4[%arg0, %arg1, %dma_wait3A, %dma_wait3A_16] : memref<2x16x80x128xi32, #tpu.memory_space<hbm>> -> memref<1x1x80x128xi32, #tpu.memory_space<hbm>>
      %dma_wait3A_18 = tpu.memref_squeeze %dma_wait3A_17 : memref<1x1x80x128xi32, #tpu.memory_space<hbm>> -> memref<80x128xi32, #tpu.memory_space<hbm>>
      %dma_wait3A_19 = arith.constant 0 : i32
      %dma_wait3A_20 = arith.constant 0 : i32
      %dma_wait3A_21 = tpu.memref_slice %arg4[%arg0, %arg1, %dma_wait3A_19, %dma_wait3A_20] : memref<2x16x80x128xi32, #tpu.memory_space<hbm>> -> memref<1x1x80x128xi32, #tpu.memory_space<hbm>>
      %dma_wait3A_22 = tpu.memref_squeeze %dma_wait3A_21 : memref<1x1x80x128xi32, #tpu.memory_space<hbm>> -> memref<80x128xi32, #tpu.memory_space<hbm>>
      tpu.wait_dma2 semaphore(%run_scoped3A : memref<!tpu.dma_semaphore, #tpu.memory_space<semaphore_mem>>) src(%dma_wait3A_22 : memref<80x128xi32, #tpu.memory_space<hbm>>) dst(%arg7 : memref<80x128xi32, #tpu.memory_space<vmem>>)
      tpu.yield
    }) : () -> ()
    "tpu.region"() ({
      %run_scoped3A = tpu.sem_alloc : memref<!tpu.dma_semaphore, #tpu.memory_space<semaphore_mem>>
      %dma_start3A = arith.constant 0 : i32
      %dma_start3A_9 = arith.constant 0 : i32
      %dma_start3A_10 = tpu.memref_slice %arg5[%arg0, %arg1, %dma_start3A, %dma_start3A_9] : memref<2x16x80x128xi32, #tpu.memory_space<hbm>> -> memref<1x1x80x128xi32, #tpu.memory_space<hbm>>
      %dma_start3A_11 = tpu.memref_squeeze %dma_start3A_10 : memref<1x1x80x128xi32, #tpu.memory_space<hbm>> -> memref<80x128xi32, #tpu.memory_space<hbm>>
      %dma_start3A_12 = arith.constant 0 : i32
      %dma_start3A_13 = arith.constant 0 : i32
      %dma_start3A_14 = tpu.memref_slice %arg5[%arg0, %arg1, %dma_start3A_12, %dma_start3A_13] : memref<2x16x80x128xi32, #tpu.memory_space<hbm>> -> memref<1x1x80x128xi32, #tpu.memory_space<hbm>>
      %dma_start3A_15 = tpu.memref_squeeze %dma_start3A_14 : memref<1x1x80x128xi32, #tpu.memory_space<hbm>> -> memref<80x128xi32, #tpu.memory_space<hbm>>
      tpu.enqueue_dma source(%dma_start3A_15 : memref<80x128xi32, #tpu.memory_space<hbm>>) target(%arg8 : memref<80x128xi32, #tpu.memory_space<vmem>>) target_semaphore(%run_scoped3A : memref<!tpu.dma_semaphore, #tpu.memory_space<semaphore_mem>>)
      %dma_wait3A = arith.constant 0 : i32
      %dma_wait3A_16 = arith.constant 0 : i32
      %dma_wait3A_17 = tpu.memref_slice %arg5[%arg0, %arg1, %dma_wait3A, %dma_wait3A_16] : memref<2x16x80x128xi32, #tpu.memory_space<hbm>> -> memref<1x1x80x128xi32, #tpu.memory_space<hbm>>
      %dma_wait3A_18 = tpu.memref_squeeze %dma_wait3A_17 : memref<1x1x80x128xi32, #tpu.memory_space<hbm>> -> memref<80x128xi32, #tpu.memory_space<hbm>>
      %dma_wait3A_19 = arith.constant 0 : i32
      %dma_wait3A_20 = arith.constant 0 : i32
      %dma_wait3A_21 = tpu.memref_slice %arg5[%arg0, %arg1, %dma_wait3A_19, %dma_wait3A_20] : memref<2x16x80x128xi32, #tpu.memory_space<hbm>> -> memref<1x1x80x128xi32, #tpu.memory_space<hbm>>
      %dma_wait3A_22 = tpu.memref_squeeze %dma_wait3A_21 : memref<1x1x80x128xi32, #tpu.memory_space<hbm>> -> memref<80x128xi32, #tpu.memory_space<hbm>>
      tpu.wait_dma2 semaphore(%run_scoped3A : memref<!tpu.dma_semaphore, #tpu.memory_space<semaphore_mem>>) src(%dma_wait3A_22 : memref<80x128xi32, #tpu.memory_space<hbm>>) dst(%arg8 : memref<80x128xi32, #tpu.memory_space<vmem>>)
      tpu.yield
    }) : () -> ()
    %scan3A = arith.constant 0 : i32
    %scan3A_3 = arith.constant 0 : i32
    %scan3A_4 = arith.constant 20 : i32
    %scan3A_5 = arith.addi %scan3A_3, %scan3A_4 : i32
    %scan3A_6 = arith.constant 1 : i32
    %scan3A_7 = scf.for %scan3A_9 = %scan3A_3 to %scan3A_5 step %scan3A_6 iter_args(%scan3A_10 = %scan3A) -> (i32)  : i32 {
      %mul3A_11 = arith.constant 4 : i32
      %mul3A_12 = arith.muli %scan3A_9, %mul3A_11 : i32
      %add3A_13 = arith.constant 0 : i32
      %add3A_14 = arith.addi %mul3A_12, %add3A_13 : i32
      %dma_start3A = arith.constant 0 : i32
      %dma_start3A_15 = tpu.memref_slice %arg7[%add3A_14, %dma_start3A] : memref<80x128xi32, #tpu.memory_space<vmem>> -> memref<1x128xi32, #tpu.memory_space<vmem>>
      %dma_start3A_16 = tpu.memref_squeeze %dma_start3A_15 : memref<1x128xi32, #tpu.memory_space<vmem>> -> memref<128xi32, #tpu.memory_space<vmem>>
      %dma_start3A_17 = arith.constant 0 : i32
      %dma_start3A_18 = arith.constant 0 : i32
      %dma_start3A_19 = tpu.memref_slice %arg2[%dma_start3A_17, %dma_start3A_18] : memref<10000x128xf32, #tpu.memory_space<hbm>> -> memref<10000x128xf32, #tpu.memory_space<hbm>>
      tpu.enqueue_indirect_dma source(%dma_start3A_19 : memref<10000x128xf32, #tpu.memory_space<hbm>>) target(%arg9 : memref<128x128xf32, #tpu.memory_space<vmem>>) offsets(%dma_start3A_16 : memref<128xi32, #tpu.memory_space<vmem>>) semaphore(%arg13 : memref<!tpu.dma_semaphore, #tpu.memory_space<semaphore_mem>>)
      %add3A_20 = arith.constant 1 : i32
      %add3A_21 = arith.addi %mul3A_12, %add3A_20 : i32
      %dma_start3A_22 = arith.constant 0 : i32
      %dma_start3A_23 = tpu.memref_slice %arg7[%add3A_21, %dma_start3A_22] : memref<80x128xi32, #tpu.memory_space<vmem>> -> memref<1x128xi32, #tpu.memory_space<vmem>>
      %dma_start3A_24 = tpu.memref_squeeze %dma_start3A_23 : memref<1x128xi32, #tpu.memory_space<vmem>> -> memref<128xi32, #tpu.memory_space<vmem>>
      %dma_start3A_25 = arith.constant 0 : i32
      %dma_start3A_26 = arith.constant 0 : i32
      %dma_start3A_27 = tpu.memref_slice %arg2[%dma_start3A_25, %dma_start3A_26] : memref<10000x128xf32, #tpu.memory_space<hbm>> -> memref<10000x128xf32, #tpu.memory_space<hbm>>
      tpu.enqueue_indirect_dma source(%dma_start3A_27 : memref<10000x128xf32, #tpu.memory_space<hbm>>) target(%arg10 : memref<128x128xf32, #tpu.memory_space<vmem>>) offsets(%dma_start3A_24 : memref<128xi32, #tpu.memory_space<vmem>>) semaphore(%arg14 : memref<!tpu.dma_semaphore, #tpu.memory_space<semaphore_mem>>)
      %add3A_28 = arith.constant 2 : i32
      %add3A_29 = arith.addi %mul3A_12, %add3A_28 : i32
      %dma_start3A_30 = arith.constant 0 : i32
      %dma_start3A_31 = tpu.memref_slice %arg7[%add3A_29, %dma_start3A_30] : memref<80x128xi32, #tpu.memory_space<vmem>> -> memref<1x128xi32, #tpu.memory_space<vmem>>
      %dma_start3A_32 = tpu.memref_squeeze %dma_start3A_31 : memref<1x128xi32, #tpu.memory_space<vmem>> -> memref<128xi32, #tpu.memory_space<vmem>>
      %dma_start3A_33 = arith.constant 0 : i32
      %dma_start3A_34 = arith.constant 0 : i32
      %dma_start3A_35 = tpu.memref_slice %arg2[%dma_start3A_33, %dma_start3A_34] : memref<10000x128xf32, #tpu.memory_space<hbm>> -> memref<10000x128xf32, #tpu.memory_space<hbm>>
      tpu.enqueue_indirect_dma source(%dma_start3A_35 : memref<10000x128xf32, #tpu.memory_space<hbm>>) target(%arg11 : memref<128x128xf32, #tpu.memory_space<vmem>>) offsets(%dma_start3A_32 : memref<128xi32, #tpu.memory_space<vmem>>) semaphore(%arg15 : memref<!tpu.dma_semaphore, #tpu.memory_space<semaphore_mem>>)
      %add3A_36 = arith.constant 3 : i32
      %add3A_37 = arith.addi %mul3A_12, %add3A_36 : i32
      %dma_start3A_38 = arith.constant 0 : i32
      %dma_start3A_39 = tpu.memref_slice %arg7[%add3A_37, %dma_start3A_38] : memref<80x128xi32, #tpu.memory_space<vmem>> -> memref<1x128xi32, #tpu.memory_space<vmem>>
      %dma_start3A_40 = tpu.memref_squeeze %dma_start3A_39 : memref<1x128xi32, #tpu.memory_space<vmem>> -> memref<128xi32, #tpu.memory_space<vmem>>
      %dma_start3A_41 = arith.constant 0 : i32
      %dma_start3A_42 = arith.constant 0 : i32
      %dma_start3A_43 = tpu.memref_slice %arg2[%dma_start3A_41, %dma_start3A_42] : memref<10000x128xf32, #tpu.memory_space<hbm>> -> memref<10000x128xf32, #tpu.memory_space<hbm>>
      tpu.enqueue_indirect_dma source(%dma_start3A_43 : memref<10000x128xf32, #tpu.memory_space<hbm>>) target(%arg12 : memref<128x128xf32, #tpu.memory_space<vmem>>) offsets(%dma_start3A_40 : memref<128xi32, #tpu.memory_space<vmem>>) semaphore(%arg16 : memref<!tpu.dma_semaphore, #tpu.memory_space<semaphore_mem>>)
      %dma_wait3A = arith.constant 0 : i32
      %dma_wait3A_44 = tpu.memref_slice %arg7[%add3A_14, %dma_wait3A] : memref<80x128xi32, #tpu.memory_space<vmem>> -> memref<1x128xi32, #tpu.memory_space<vmem>>
      %dma_wait3A_45 = tpu.memref_squeeze %dma_wait3A_44 : memref<1x128xi32, #tpu.memory_space<vmem>> -> memref<128xi32, #tpu.memory_space<vmem>>
      %dma_wait3A_46 = arith.constant 0 : i32
      %dma_wait3A_47 = arith.constant 0 : i32
      %dma_wait3A_48 = tpu.memref_slice %arg2[%dma_wait3A_46, %dma_wait3A_47] : memref<10000x128xf32, #tpu.memory_space<hbm>> -> memref<10000x128xf32, #tpu.memory_space<hbm>>
      tpu.wait_indirect_dma semaphore(%arg13 : memref<!tpu.dma_semaphore, #tpu.memory_space<semaphore_mem>>) src(%dma_wait3A_48 : memref<10000x128xf32, #tpu.memory_space<hbm>>) dst(%arg9 : memref<128x128xf32, #tpu.memory_space<vmem>>)
      %add3A_49 = arith.constant 0 : i32
      %add3A_50 = arith.addi %mul3A_12, %add3A_49 : i32
      %dma_start3A_51 = arith.constant 0 : i32
      %dma_start3A_52 = tpu.memref_slice %arg8[%add3A_50, %dma_start3A_51] : memref<80x128xi32, #tpu.memory_space<vmem>> -> memref<1x128xi32, #tpu.memory_space<vmem>>
      %dma_start3A_53 = tpu.memref_squeeze %dma_start3A_52 : memref<1x128xi32, #tpu.memory_space<vmem>> -> memref<128xi32, #tpu.memory_space<vmem>>
      %dma_start3A_54 = arith.constant 0 : i32
      %dma_start3A_55 = arith.constant 0 : i32
      %dma_start3A_56 = tpu.memref_slice %arg3[%dma_start3A_54, %dma_start3A_55] : memref<10000x128xf32, #tpu.memory_space<hbm>> -> memref<10000x128xf32, #tpu.memory_space<hbm>>
      tpu.enqueue_indirect_dma source(%dma_start3A_56 : memref<10000x128xf32, #tpu.memory_space<hbm>>) target(%arg9 : memref<128x128xf32, #tpu.memory_space<vmem>>) offsets(%dma_start3A_53 : memref<128xi32, #tpu.memory_space<vmem>>) semaphore(%arg17 : memref<!tpu.dma_semaphore, #tpu.memory_space<semaphore_mem>>) {add = true}
      %dma_wait3A_57 = arith.constant 0 : i32
      %dma_wait3A_58 = tpu.memref_slice %arg7[%add3A_21, %dma_wait3A_57] : memref<80x128xi32, #tpu.memory_space<vmem>> -> memref<1x128xi32, #tpu.memory_space<vmem>>
      %dma_wait3A_59 = tpu.memref_squeeze %dma_wait3A_58 : memref<1x128xi32, #tpu.memory_space<vmem>> -> memref<128xi32, #tpu.memory_space<vmem>>
      %dma_wait3A_60 = arith.constant 0 : i32
      %dma_wait3A_61 = arith.constant 0 : i32
      %dma_wait3A_62 = tpu.memref_slice %arg2[%dma_wait3A_60, %dma_wait3A_61] : memref<10000x128xf32, #tpu.memory_space<hbm>> -> memref<10000x128xf32, #tpu.memory_space<hbm>>
      tpu.wait_indirect_dma semaphore(%arg14 : memref<!tpu.dma_semaphore, #tpu.memory_space<semaphore_mem>>) src(%dma_wait3A_62 : memref<10000x128xf32, #tpu.memory_space<hbm>>) dst(%arg10 : memref<128x128xf32, #tpu.memory_space<vmem>>)
      %add3A_63 = arith.constant 1 : i32
      %add3A_64 = arith.addi %mul3A_12, %add3A_63 : i32
      %dma_start3A_65 = arith.constant 0 : i32
      %dma_start3A_66 = tpu.memref_slice %arg8[%add3A_64, %dma_start3A_65] : memref<80x128xi32, #tpu.memory_space<vmem>> -> memref<1x128xi32, #tpu.memory_space<vmem>>
      %dma_start3A_67 = tpu.memref_squeeze %dma_start3A_66 : memref<1x128xi32, #tpu.memory_space<vmem>> -> memref<128xi32, #tpu.memory_space<vmem>>
      %dma_start3A_68 = arith.constant 0 : i32
      %dma_start3A_69 = arith.constant 0 : i32
      %dma_start3A_70 = tpu.memref_slice %arg3[%dma_start3A_68, %dma_start3A_69] : memref<10000x128xf32, #tpu.memory_space<hbm>> -> memref<10000x128xf32, #tpu.memory_space<hbm>>
      tpu.enqueue_indirect_dma source(%dma_start3A_70 : memref<10000x128xf32, #tpu.memory_space<hbm>>) target(%arg10 : memref<128x128xf32, #tpu.memory_space<vmem>>) offsets(%dma_start3A_67 : memref<128xi32, #tpu.memory_space<vmem>>) semaphore(%arg18 : memref<!tpu.dma_semaphore, #tpu.memory_space<semaphore_mem>>) {add = true}
      %dma_wait3A_71 = arith.constant 0 : i32
      %dma_wait3A_72 = tpu.memref_slice %arg7[%add3A_29, %dma_wait3A_71] : memref<80x128xi32, #tpu.memory_space<vmem>> -> memref<1x128xi32, #tpu.memory_space<vmem>>
      %dma_wait3A_73 = tpu.memref_squeeze %dma_wait3A_72 : memref<1x128xi32, #tpu.memory_space<vmem>> -> memref<128xi32, #tpu.memory_space<vmem>>
      %dma_wait3A_74 = arith.constant 0 : i32
      %dma_wait3A_75 = arith.constant 0 : i32
      %dma_wait3A_76 = tpu.memref_slice %arg2[%dma_wait3A_74, %dma_wait3A_75] : memref<10000x128xf32, #tpu.memory_space<hbm>> -> memref<10000x128xf32, #tpu.memory_space<hbm>>
      tpu.wait_indirect_dma semaphore(%arg15 : memref<!tpu.dma_semaphore, #tpu.memory_space<semaphore_mem>>) src(%dma_wait3A_76 : memref<10000x128xf32, #tpu.memory_space<hbm>>) dst(%arg11 : memref<128x128xf32, #tpu.memory_space<vmem>>)
      %add3A_77 = arith.constant 2 : i32
      %add3A_78 = arith.addi %mul3A_12, %add3A_77 : i32
      %dma_start3A_79 = arith.constant 0 : i32
      %dma_start3A_80 = tpu.memref_slice %arg8[%add3A_78, %dma_start3A_79] : memref<80x128xi32, #tpu.memory_space<vmem>> -> memref<1x128xi32, #tpu.memory_space<vmem>>
      %dma_start3A_81 = tpu.memref_squeeze %dma_start3A_80 : memref<1x128xi32, #tpu.memory_space<vmem>> -> memref<128xi32, #tpu.memory_space<vmem>>
      %dma_start3A_82 = arith.constant 0 : i32
      %dma_start3A_83 = arith.constant 0 : i32
      %dma_start3A_84 = tpu.memref_slice %arg3[%dma_start3A_82, %dma_start3A_83] : memref<10000x128xf32, #tpu.memory_space<hbm>> -> memref<10000x128xf32, #tpu.memory_space<hbm>>
      tpu.enqueue_indirect_dma source(%dma_start3A_84 : memref<10000x128xf32, #tpu.memory_space<hbm>>) target(%arg11 : memref<128x128xf32, #tpu.memory_space<vmem>>) offsets(%dma_start3A_81 : memref<128xi32, #tpu.memory_space<vmem>>) semaphore(%arg19 : memref<!tpu.dma_semaphore, #tpu.memory_space<semaphore_mem>>) {add = true}
      %dma_wait3A_85 = arith.constant 0 : i32
      %dma_wait3A_86 = tpu.memref_slice %arg7[%add3A_37, %dma_wait3A_85] : memref<80x128xi32, #tpu.memory_space<vmem>> -> memref<1x128xi32, #tpu.memory_space<vmem>>
      %dma_wait3A_87 = tpu.memref_squeeze %dma_wait3A_86 : memref<1x128xi32, #tpu.memory_space<vmem>> -> memref<128xi32, #tpu.memory_space<vmem>>
      %dma_wait3A_88 = arith.constant 0 : i32
      %dma_wait3A_89 = arith.constant 0 : i32
      %dma_wait3A_90 = tpu.memref_slice %arg2[%dma_wait3A_88, %dma_wait3A_89] : memref<10000x128xf32, #tpu.memory_space<hbm>> -> memref<10000x128xf32, #tpu.memory_space<hbm>>
      tpu.wait_indirect_dma semaphore(%arg16 : memref<!tpu.dma_semaphore, #tpu.memory_space<semaphore_mem>>) src(%dma_wait3A_90 : memref<10000x128xf32, #tpu.memory_space<hbm>>) dst(%arg12 : memref<128x128xf32, #tpu.memory_space<vmem>>)
      %add3A_91 = arith.constant 3 : i32
      %add3A_92 = arith.addi %mul3A_12, %add3A_91 : i32
      %dma_start3A_93 = arith.constant 0 : i32
      %dma_start3A_94 = tpu.memref_slice %arg8[%add3A_92, %dma_start3A_93] : memref<80x128xi32, #tpu.memory_space<vmem>> -> memref<1x128xi32, #tpu.memory_space<vmem>>
      %dma_start3A_95 = tpu.memref_squeeze %dma_start3A_94 : memref<1x128xi32, #tpu.memory_space<vmem>> -> memref<128xi32, #tpu.memory_space<vmem>>
      %dma_start3A_96 = arith.constant 0 : i32
      %dma_start3A_97 = arith.constant 0 : i32
      %dma_start3A_98 = tpu.memref_slice %arg3[%dma_start3A_96, %dma_start3A_97] : memref<10000x128xf32, #tpu.memory_space<hbm>> -> memref<10000x128xf32, #tpu.memory_space<hbm>>
      tpu.enqueue_indirect_dma source(%dma_start3A_98 : memref<10000x128xf32, #tpu.memory_space<hbm>>) target(%arg12 : memref<128x128xf32, #tpu.memory_space<vmem>>) offsets(%dma_start3A_95 : memref<128xi32, #tpu.memory_space<vmem>>) semaphore(%arg20 : memref<!tpu.dma_semaphore, #tpu.memory_space<semaphore_mem>>) {add = true}
      %dma_wait3A_99 = arith.constant 0 : i32
      %dma_wait3A_100 = tpu.memref_slice %arg8[%add3A_50, %dma_wait3A_99] : memref<80x128xi32, #tpu.memory_space<vmem>> -> memref<1x128xi32, #tpu.memory_space<vmem>>
      %dma_wait3A_101 = tpu.memref_squeeze %dma_wait3A_100 : memref<1x128xi32, #tpu.memory_space<vmem>> -> memref<128xi32, #tpu.memory_space<vmem>>
      %dma_wait3A_102 = arith.constant 0 : i32
      %dma_wait3A_103 = arith.constant 0 : i32
      %dma_wait3A_104 = tpu.memref_slice %arg3[%dma_wait3A_102, %dma_wait3A_103] : memref<10000x128xf32, #tpu.memory_space<hbm>> -> memref<10000x128xf32, #tpu.memory_space<hbm>>
      tpu.wait_indirect_dma semaphore(%arg17 : memref<!tpu.dma_semaphore, #tpu.memory_space<semaphore_mem>>) src(%dma_wait3A_104 : memref<10000x128xf32, #tpu.memory_space<hbm>>) dst(%arg9 : memref<128x128xf32, #tpu.memory_space<vmem>>)
      %add3A_105 = arith.constant 0 : i32
      %add3A_106 = arith.addi %mul3A_12, %add3A_105 : i32
      %mul3A_107 = arith.constant 128 : i32
      %mul3A_108 = arith.muli %add3A_106, %mul3A_107 : i32
      %add3A_109 = arith.addi %mul3A_2, %mul3A_108 : i32
      %dma_start3A_110 = arith.constant 0 : i32
      %dma_start3A_111 = tpu.memref_slice %arg6[%add3A_109, %dma_start3A_110] : memref<327680x128xf32, #tpu.memory_space<hbm>> -> memref<128x128xf32, #tpu.memory_space<hbm>>
      %dma_start3A_112 = arith.constant 0 : i32
      %dma_start3A_113 = tpu.memref_slice %arg6[%add3A_109, %dma_start3A_112] : memref<327680x128xf32, #tpu.memory_space<hbm>> -> memref<128x128xf32, #tpu.memory_space<hbm>>
      tpu.enqueue_dma source(%arg9 : memref<128x128xf32, #tpu.memory_space<vmem>>) target(%dma_start3A_113 : memref<128x128xf32, #tpu.memory_space<hbm>>) target_semaphore(%arg21 : memref<!tpu.dma_semaphore, #tpu.memory_space<semaphore_mem>>)
      %dma_wait3A_114 = arith.constant 0 : i32
      %dma_wait3A_115 = tpu.memref_slice %arg8[%add3A_64, %dma_wait3A_114] : memref<80x128xi32, #tpu.memory_space<vmem>> -> memref<1x128xi32, #tpu.memory_space<vmem>>
      %dma_wait3A_116 = tpu.memref_squeeze %dma_wait3A_115 : memref<1x128xi32, #tpu.memory_space<vmem>> -> memref<128xi32, #tpu.memory_space<vmem>>
      %dma_wait3A_117 = arith.constant 0 : i32
      %dma_wait3A_118 = arith.constant 0 : i32
      %dma_wait3A_119 = tpu.memref_slice %arg3[%dma_wait3A_117, %dma_wait3A_118] : memref<10000x128xf32, #tpu.memory_space<hbm>> -> memref<10000x128xf32, #tpu.memory_space<hbm>>
      tpu.wait_indirect_dma semaphore(%arg18 : memref<!tpu.dma_semaphore, #tpu.memory_space<semaphore_mem>>) src(%dma_wait3A_119 : memref<10000x128xf32, #tpu.memory_space<hbm>>) dst(%arg10 : memref<128x128xf32, #tpu.memory_space<vmem>>)
      %add3A_120 = arith.constant 1 : i32
      %add3A_121 = arith.addi %mul3A_12, %add3A_120 : i32
      %mul3A_122 = arith.constant 128 : i32
      %mul3A_123 = arith.muli %add3A_121, %mul3A_122 : i32
      %add3A_124 = arith.addi %mul3A_2, %mul3A_123 : i32
      %dma_start3A_125 = arith.constant 0 : i32
      %dma_start3A_126 = tpu.memref_slice %arg6[%add3A_124, %dma_start3A_125] : memref<327680x128xf32, #tpu.memory_space<hbm>> -> memref<128x128xf32, #tpu.memory_space<hbm>>
      %dma_start3A_127 = arith.constant 0 : i32
      %dma_start3A_128 = tpu.memref_slice %arg6[%add3A_124, %dma_start3A_127] : memref<327680x128xf32, #tpu.memory_space<hbm>> -> memref<128x128xf32, #tpu.memory_space<hbm>>
      tpu.enqueue_dma source(%arg10 : memref<128x128xf32, #tpu.memory_space<vmem>>) target(%dma_start3A_128 : memref<128x128xf32, #tpu.memory_space<hbm>>) target_semaphore(%arg22 : memref<!tpu.dma_semaphore, #tpu.memory_space<semaphore_mem>>)
      %dma_wait3A_129 = arith.constant 0 : i32
      %dma_wait3A_130 = tpu.memref_slice %arg8[%add3A_78, %dma_wait3A_129] : memref<80x128xi32, #tpu.memory_space<vmem>> -> memref<1x128xi32, #tpu.memory_space<vmem>>
      %dma_wait3A_131 = tpu.memref_squeeze %dma_wait3A_130 : memref<1x128xi32, #tpu.memory_space<vmem>> -> memref<128xi32, #tpu.memory_space<vmem>>
      %dma_wait3A_132 = arith.constant 0 : i32
      %dma_wait3A_133 = arith.constant 0 : i32
      %dma_wait3A_134 = tpu.memref_slice %arg3[%dma_wait3A_132, %dma_wait3A_133] : memref<10000x128xf32, #tpu.memory_space<hbm>> -> memref<10000x128xf32, #tpu.memory_space<hbm>>
      tpu.wait_indirect_dma semaphore(%arg19 : memref<!tpu.dma_semaphore, #tpu.memory_space<semaphore_mem>>) src(%dma_wait3A_134 : memref<10000x128xf32, #tpu.memory_space<hbm>>) dst(%arg11 : memref<128x128xf32, #tpu.memory_space<vmem>>)
      %add3A_135 = arith.constant 2 : i32
      %add3A_136 = arith.addi %mul3A_12, %add3A_135 : i32
      %mul3A_137 = arith.constant 128 : i32
      %mul3A_138 = arith.muli %add3A_136, %mul3A_137 : i32
      %add3A_139 = arith.addi %mul3A_2, %mul3A_138 : i32
      %dma_start3A_140 = arith.constant 0 : i32
      %dma_start3A_141 = tpu.memref_slice %arg6[%add3A_139, %dma_start3A_140] : memref<327680x128xf32, #tpu.memory_space<hbm>> -> memref<128x128xf32, #tpu.memory_space<hbm>>
      %dma_start3A_142 = arith.constant 0 : i32
      %dma_start3A_143 = tpu.memref_slice %arg6[%add3A_139, %dma_start3A_142] : memref<327680x128xf32, #tpu.memory_space<hbm>> -> memref<128x128xf32, #tpu.memory_space<hbm>>
      tpu.enqueue_dma source(%arg11 : memref<128x128xf32, #tpu.memory_space<vmem>>) target(%dma_start3A_143 : memref<128x128xf32, #tpu.memory_space<hbm>>) target_semaphore(%arg23 : memref<!tpu.dma_semaphore, #tpu.memory_space<semaphore_mem>>)
      %dma_wait3A_144 = arith.constant 0 : i32
      %dma_wait3A_145 = tpu.memref_slice %arg8[%add3A_92, %dma_wait3A_144] : memref<80x128xi32, #tpu.memory_space<vmem>> -> memref<1x128xi32, #tpu.memory_space<vmem>>
      %dma_wait3A_146 = tpu.memref_squeeze %dma_wait3A_145 : memref<1x128xi32, #tpu.memory_space<vmem>> -> memref<128xi32, #tpu.memory_space<vmem>>
      %dma_wait3A_147 = arith.constant 0 : i32
      %dma_wait3A_148 = arith.constant 0 : i32
      %dma_wait3A_149 = tpu.memref_slice %arg3[%dma_wait3A_147, %dma_wait3A_148] : memref<10000x128xf32, #tpu.memory_space<hbm>> -> memref<10000x128xf32, #tpu.memory_space<hbm>>
      tpu.wait_indirect_dma semaphore(%arg20 : memref<!tpu.dma_semaphore, #tpu.memory_space<semaphore_mem>>) src(%dma_wait3A_149 : memref<10000x128xf32, #tpu.memory_space<hbm>>) dst(%arg12 : memref<128x128xf32, #tpu.memory_space<vmem>>)
      %add3A_150 = arith.constant 3 : i32
      %add3A_151 = arith.addi %mul3A_12, %add3A_150 : i32
      %mul3A_152 = arith.constant 128 : i32
      %mul3A_153 = arith.muli %add3A_151, %mul3A_152 : i32
      %add3A_154 = arith.addi %mul3A_2, %mul3A_153 : i32
      %dma_start3A_155 = arith.constant 0 : i32
      %dma_start3A_156 = tpu.memref_slice %arg6[%add3A_154, %dma_start3A_155] : memref<327680x128xf32, #tpu.memory_space<hbm>> -> memref<128x128xf32, #tpu.memory_space<hbm>>
      %dma_start3A_157 = arith.constant 0 : i32
      %dma_start3A_158 = tpu.memref_slice %arg6[%add3A_154, %dma_start3A_157] : memref<327680x128xf32, #tpu.memory_space<hbm>> -> memref<128x128xf32, #tpu.memory_space<hbm>>
      tpu.enqueue_dma source(%arg12 : memref<128x128xf32, #tpu.memory_space<vmem>>) target(%dma_start3A_158 : memref<128x128xf32, #tpu.memory_space<hbm>>) target_semaphore(%arg24 : memref<!tpu.dma_semaphore, #tpu.memory_space<semaphore_mem>>)
      %dma_wait3A_159 = arith.constant 0 : i32
      %dma_wait3A_160 = tpu.memref_slice %arg6[%add3A_109, %dma_wait3A_159] : memref<327680x128xf32, #tpu.memory_space<hbm>> -> memref<128x128xf32, #tpu.memory_space<hbm>>
      %dma_wait3A_161 = arith.constant 0 : i32
      %dma_wait3A_162 = tpu.memref_slice %arg6[%add3A_109, %dma_wait3A_161] : memref<327680x128xf32, #tpu.memory_space<hbm>> -> memref<128x128xf32, #tpu.memory_space<hbm>>
      tpu.wait_dma2 semaphore(%arg21 : memref<!tpu.dma_semaphore, #tpu.memory_space<semaphore_mem>>) src(%arg9 : memref<128x128xf32, #tpu.memory_space<vmem>>) dst(%dma_wait3A_162 : memref<128x128xf32, #tpu.memory_space<hbm>>)
      %dma_wait3A_163 = arith.constant 0 : i32
      %dma_wait3A_164 = tpu.memref_slice %arg6[%add3A_124, %dma_wait3A_163] : memref<327680x128xf32, #tpu.memory_space<hbm>> -> memref<128x128xf32, #tpu.memory_space<hbm>>
      %dma_wait3A_165 = arith.constant 0 : i32
      %dma_wait3A_166 = tpu.memref_slice %arg6[%add3A_124, %dma_wait3A_165] : memref<327680x128xf32, #tpu.memory_space<hbm>> -> memref<128x128xf32, #tpu.memory_space<hbm>>
      tpu.wait_dma2 semaphore(%arg22 : memref<!tpu.dma_semaphore, #tpu.memory_space<semaphore_mem>>) src(%arg10 : memref<128x128xf32, #tpu.memory_space<vmem>>) dst(%dma_wait3A_166 : memref<128x128xf32, #tpu.memory_space<hbm>>)
      %dma_wait3A_167 = arith.constant 0 : i32
      %dma_wait3A_168 = tpu.memref_slice %arg6[%add3A_139, %dma_wait3A_167] : memref<327680x128xf32, #tpu.memory_space<hbm>> -> memref<128x128xf32, #tpu.memory_space<hbm>>
      %dma_wait3A_169 = arith.constant 0 : i32
      %dma_wait3A_170 = tpu.memref_slice %arg6[%add3A_139, %dma_wait3A_169] : memref<327680x128xf32, #tpu.memory_space<hbm>> -> memref<128x128xf32, #tpu.memory_space<hbm>>
      tpu.wait_dma2 semaphore(%arg23 : memref<!tpu.dma_semaphore, #tpu.memory_space<semaphore_mem>>) src(%arg11 : memref<128x128xf32, #tpu.memory_space<vmem>>) dst(%dma_wait3A_170 : memref<128x128xf32, #tpu.memory_space<hbm>>)
      %dma_wait3A_171 = arith.constant 0 : i32
      %dma_wait3A_172 = tpu.memref_slice %arg6[%add3A_154, %dma_wait3A_171] : memref<327680x128xf32, #tpu.memory_space<hbm>> -> memref<128x128xf32, #tpu.memory_space<hbm>>
      %dma_wait3A_173 = arith.constant 0 : i32
      %dma_wait3A_174 = tpu.memref_slice %arg6[%add3A_154, %dma_wait3A_173] : memref<327680x128xf32, #tpu.memory_space<hbm>> -> memref<128x128xf32, #tpu.memory_space<hbm>>
      tpu.wait_dma2 semaphore(%arg24 : memref<!tpu.dma_semaphore, #tpu.memory_space<semaphore_mem>>) src(%arg12 : memref<128x128xf32, #tpu.memory_space<vmem>>) dst(%dma_wait3A_174 : memref<128x128xf32, #tpu.memory_space<hbm>>)
      %scan3A_175 = arith.constant 0 : i32
      scf.yield %scan3A_175 : i32
    }
    %scan3A_8 = arith.constant 20 : i32
    return
  }
}

module attributes {stable_mosaic.version = 14 : i64} {
  func.func @_tc1_body(%arg0: memref<10000x128xf32, #tpu.memory_space<vmem>>, %arg1: memref<128x128xf32, #tpu.memory_space<vmem>>, %arg2: memref<32x10112xf32, #tpu.memory_space<vmem>>, %arg3: memref<10000x128xf32, #tpu.memory_space<vmem>>, %arg4: memref<10000x128xf32, #tpu.memory_space<vmem>>, %arg5: memref<10000xf32, #tpu.memory_space<vmem>>) attributes {dimension_semantics = [], scalar_prefetch = 0 : i64, scratch_operands = 0 : i64, tpu.core_type = #tpu.core_type<tc>} {
    %get3A = arith.constant 0 : index
    %get3A_0 = arith.constant 0 : index
    %get3A_1 = vector.load %arg2[%get3A, %get3A_0] : memref<32x10112xf32, #tpu.memory_space<vmem>>, vector<32x10112xf32>
    %reduce_sum3A = arith.constant dense<0.000000e+00> : vector<10112xf32>
    %reduce_sum3A_2 = vector.multi_reduction <add>, %get3A_1, %reduce_sum3A [0] : vector<32x10112xf32> to vector<10112xf32>
    %slice3A = vector.extract_strided_slice %reduce_sum3A_2 {offsets = [0], sizes = [10000], strides = [1]} : vector<10112xf32> to vector<10000xf32>
    %add3A = arith.constant 1.000000e+00 : f32
    %add3A_3 = vector.broadcast %add3A : f32 to vector<10000xf32>
    %add3A_4 = arith.addf %slice3A, %add3A_3 : vector<10000xf32>
    %rsqrt3A = math.rsqrt %add3A_4 : vector<10000xf32>
    %mul3A = arith.constant 5.000000e-01 : f32
    %mul3A_5 = vector.broadcast %mul3A : f32 to vector<10000xf32>
    %mul3A_6 = arith.mulf %mul3A_5, %add3A_4 : vector<10000xf32>
    %mul3A_7 = arith.mulf %mul3A_6, %rsqrt3A : vector<10000xf32>
    %mul3A_8 = arith.mulf %mul3A_7, %rsqrt3A : vector<10000xf32>
    %sub3A = arith.constant 1.500000e+00 : f32
    %sub3A_9 = vector.broadcast %sub3A : f32 to vector<10000xf32>
    %sub3A_10 = arith.subf %sub3A_9, %mul3A_8 : vector<10000xf32>
    %mul3A_11 = arith.mulf %rsqrt3A, %sub3A_10 : vector<10000xf32>
    %swap3A = arith.constant 0 : index
    %swap3A_12 = vector.load %arg5[%swap3A] : memref<10000xf32, #tpu.memory_space<vmem>>, vector<10000xf32>
    tpu.vector_store %arg5[%swap3A], %mul3A_11 {strides = array<i32>} : memref<10000xf32, #tpu.memory_space<vmem>>, vector<10000xf32>,
    %get3A_13 = arith.constant 0 : index
    %get3A_14 = arith.constant 0 : index
    %get3A_15 = vector.load %arg0[%get3A_13, %get3A_14] : memref<10000x128xf32, #tpu.memory_space<vmem>>, vector<10000x128xf32>
    %neg3A = arith.constant 0.000000e+00 : f32
    %neg3A_16 = vector.broadcast %neg3A : f32 to vector<10000x128xf32>
    %neg3A_17 = arith.subf %neg3A_16, %get3A_15 : vector<10000x128xf32>
    %swap3A_18 = arith.constant 0 : index
    %swap3A_19 = arith.constant 0 : index
    %swap3A_20 = vector.load %arg4[%swap3A_18, %swap3A_19] : memref<10000x128xf32, #tpu.memory_space<vmem>>, vector<10000x128xf32>
    tpu.vector_store %arg4[%swap3A_18, %swap3A_19], %neg3A_17 {strides = array<i32>} : memref<10000x128xf32, #tpu.memory_space<vmem>>, vector<10000x128xf32>,
    %convert_element_type3A = arith.truncf %get3A_15 : vector<10000x128xf32> to vector<10000x128xbf16>
    %get3A_21 = arith.constant 0 : index
    %get3A_22 = arith.constant 0 : index
    %get3A_23 = vector.load %arg1[%get3A_21, %get3A_22] : memref<128x128xf32, #tpu.memory_space<vmem>>, vector<128x128xf32>
    %convert_element_type3A_24 = arith.truncf %get3A_23 : vector<128x128xf32> to vector<128x128xbf16>
    %dot_general3A = arith.constant dense<0.000000e+00> : vector<10000x128xf32>
    %dot_general3A_25 = tpu.matmul %convert_element_type3A, %convert_element_type3A_24, %dot_general3A {dimension_numbers = #tpu.dot_dimension_numbers<[1], [0], [0], [1], [0, 0, 1, 1], [], []>, transpose_lhs_hint = false} : vector<10000x128xbf16>, vector<128x128xbf16>, vector<10000x128xf32> -> vector<10000x128xf32>
    %broadcast_in_dim3A = vector.shape_cast %mul3A_11 : vector<10000xf32> to vector<10000x1xf32>
    %mul3A_26 = vector.broadcast %broadcast_in_dim3A : vector<10000x1xf32> to vector<10000x128xf32>
    %mul3A_27 = arith.mulf %dot_general3A_25, %mul3A_26 : vector<10000x128xf32>
    %swap3A_28 = arith.constant 0 : index
    %swap3A_29 = arith.constant 0 : index
    %swap3A_30 = vector.load %arg3[%swap3A_28, %swap3A_29] : memref<10000x128xf32, #tpu.memory_space<vmem>>, vector<10000x128xf32>
    tpu.vector_store %arg3[%swap3A_28, %swap3A_29], %mul3A_27 {strides = array<i32>} : memref<10000x128xf32, #tpu.memory_space<vmem>>, vector<10000x128xf32>,
    return
  }
}

module attributes {stable_mosaic.version = 14 : i64} {
  func.func @_tc3_body(%arg0: memref<2x10112x128xf32, #tpu.memory_space<vmem>>, %arg1: memref<10000x128xf32, #tpu.memory_space<vmem>>, %arg2: memref<10000xf32, #tpu.memory_space<vmem>>, %arg3: memref<128xf32, #tpu.memory_space<vmem>>, %arg4: memref<128x64xf32, #tpu.memory_space<vmem>>, %arg5: memref<10000x128xf32, #tpu.memory_space<vmem>>, %arg6: memref<10000x128xf32, #tpu.memory_space<vmem>>, %arg7: memref<10000x64xf32, #tpu.memory_space<vmem>>) attributes {dimension_semantics = [], scalar_prefetch = 0 : i64, scratch_operands = 0 : i64, tpu.core_type = #tpu.core_type<tc>} {
    %get3A = arith.constant 0 : index
    %get3A_0 = arith.constant 0 : index
    %get3A_1 = arith.constant 0 : index
    %get3A_2 = vector.load %arg0[%get3A, %get3A_0, %get3A_1] : memref<2x10112x128xf32, #tpu.memory_space<vmem>>, vector<1x10000x128xf32>
    %get3A_3 = vector.shape_cast %get3A_2 : vector<1x10000x128xf32> to vector<10000x128xf32>
    %get3A_4 = arith.constant 1 : index
    %get3A_5 = arith.constant 0 : index
    %get3A_6 = arith.constant 0 : index
    %get3A_7 = vector.load %arg0[%get3A_4, %get3A_5, %get3A_6] : memref<2x10112x128xf32, #tpu.memory_space<vmem>>, vector<1x10000x128xf32>
    %get3A_8 = vector.shape_cast %get3A_7 : vector<1x10000x128xf32> to vector<10000x128xf32>
    %add3A = arith.addf %get3A_3, %get3A_8 : vector<10000x128xf32>
    %get3A_9 = arith.constant 0 : index
    %get3A_10 = arith.constant 0 : index
    %get3A_11 = vector.load %arg1[%get3A_9, %get3A_10] : memref<10000x128xf32, #tpu.memory_space<vmem>>, vector<10000x128xf32>
    %add3A_12 = arith.addf %add3A, %get3A_11 : vector<10000x128xf32>
    %get3A_13 = arith.constant 0 : index
    %get3A_14 = vector.load %arg2[%get3A_13] : memref<10000xf32, #tpu.memory_space<vmem>>, vector<10000xf32>
    %broadcast_in_dim3A = vector.shape_cast %get3A_14 : vector<10000xf32> to vector<10000x1xf32>
    %mul3A = vector.broadcast %broadcast_in_dim3A : vector<10000x1xf32> to vector<10000x128xf32>
    %mul3A_15 = arith.mulf %add3A_12, %mul3A : vector<10000x128xf32>
    %get3A_16 = arith.constant 0 : index
    %get3A_17 = vector.load %arg3[%get3A_16] : memref<128xf32, #tpu.memory_space<vmem>>, vector<128xf32>
    %broadcast_in_dim3A_18 = vector.shape_cast %get3A_17 : vector<128xf32> to vector<1x128xf32>
    %add3A_19 = vector.broadcast %broadcast_in_dim3A_18 : vector<1x128xf32> to vector<10000x128xf32>
    %add3A_20 = arith.addf %mul3A_15, %add3A_19 : vector<10000x128xf32>
    %max3A = arith.constant 0.000000e+00 : f32
    %max3A_21 = vector.broadcast %max3A : f32 to vector<10000x128xf32>
    %max3A_22 = arith.maximumf %add3A_20, %max3A_21 : vector<10000x128xf32>
    %swap3A = arith.constant 0 : index
    %swap3A_23 = arith.constant 0 : index
    %swap3A_24 = vector.load %arg5[%swap3A, %swap3A_23] : memref<10000x128xf32, #tpu.memory_space<vmem>>, vector<10000x128xf32>
    tpu.vector_store %arg5[%swap3A, %swap3A_23], %max3A_22 {strides = array<i32>} : memref<10000x128xf32, #tpu.memory_space<vmem>>, vector<10000x128xf32>,
    %neg3A = arith.constant 0.000000e+00 : f32
    %neg3A_25 = vector.broadcast %neg3A : f32 to vector<10000x128xf32>
    %neg3A_26 = arith.subf %neg3A_25, %max3A_22 : vector<10000x128xf32>
    %swap3A_27 = arith.constant 0 : index
    %swap3A_28 = arith.constant 0 : index
    %swap3A_29 = vector.load %arg6[%swap3A_27, %swap3A_28] : memref<10000x128xf32, #tpu.memory_space<vmem>>, vector<10000x128xf32>
    tpu.vector_store %arg6[%swap3A_27, %swap3A_28], %neg3A_26 {strides = array<i32>} : memref<10000x128xf32, #tpu.memory_space<vmem>>, vector<10000x128xf32>,
    %convert_element_type3A = arith.truncf %max3A_22 : vector<10000x128xf32> to vector<10000x128xbf16>
    %get3A_30 = arith.constant 0 : index
    %get3A_31 = arith.constant 0 : index
    %get3A_32 = vector.load %arg4[%get3A_30, %get3A_31] : memref<128x64xf32, #tpu.memory_space<vmem>>, vector<128x64xf32>
    %convert_element_type3A_33 = arith.truncf %get3A_32 : vector<128x64xf32> to vector<128x64xbf16>
    %dot_general3A = arith.constant dense<0.000000e+00> : vector<10000x64xf32>
    %dot_general3A_34 = tpu.matmul %convert_element_type3A, %convert_element_type3A_33, %dot_general3A {dimension_numbers = #tpu.dot_dimension_numbers<[1], [0], [0], [1], [0, 0, 1, 1], [], []>, transpose_lhs_hint = false} : vector<10000x128xbf16>, vector<128x64xbf16>, vector<10000x64xf32> -> vector<10000x64xf32>
    %broadcast_in_dim3A_35 = vector.shape_cast %get3A_14 : vector<10000xf32> to vector<10000x1xf32>
    %mul3A_36 = vector.broadcast %broadcast_in_dim3A_35 : vector<10000x1xf32> to vector<10000x64xf32>
    %mul3A_37 = arith.mulf %dot_general3A_34, %mul3A_36 : vector<10000x64xf32>
    %swap3A_38 = arith.constant 0 : index
    %swap3A_39 = arith.constant 0 : index
    %swap3A_40 = vector.load %arg7[%swap3A_38, %swap3A_39] : memref<10000x64xf32, #tpu.memory_space<vmem>>, vector<10000x64xf32>
    tpu.vector_store %arg7[%swap3A_38, %swap3A_39], %mul3A_37 {strides = array<i32>} : memref<10000x64xf32, #tpu.memory_space<vmem>>, vector<10000x64xf32>,
    return
  }
}

module attributes {stable_mosaic.version = 14 : i64} {
  func.func @_tc4_body(%arg0: memref<2x10112x64xf32, #tpu.memory_space<vmem>>, %arg1: memref<10000x64xf32, #tpu.memory_space<vmem>>, %arg2: memref<10000xf32, #tpu.memory_space<vmem>>, %arg3: memref<64xf32, #tpu.memory_space<vmem>>, %arg4: memref<10000x64xf32, #tpu.memory_space<vmem>>, %arg5: memref<10000x64xf32, #tpu.memory_space<vmem>>) attributes {dimension_semantics = [], scalar_prefetch = 0 : i64, scratch_operands = 0 : i64, tpu.core_type = #tpu.core_type<tc>} {
    %get3A = arith.constant 0 : index
    %get3A_0 = arith.constant 0 : index
    %get3A_1 = arith.constant 0 : index
    %get3A_2 = vector.load %arg0[%get3A, %get3A_0, %get3A_1] : memref<2x10112x64xf32, #tpu.memory_space<vmem>>, vector<1x10000x64xf32>
    %get3A_3 = vector.shape_cast %get3A_2 : vector<1x10000x64xf32> to vector<10000x64xf32>
    %get3A_4 = arith.constant 1 : index
    %get3A_5 = arith.constant 0 : index
    %get3A_6 = arith.constant 0 : index
    %get3A_7 = vector.load %arg0[%get3A_4, %get3A_5, %get3A_6] : memref<2x10112x64xf32, #tpu.memory_space<vmem>>, vector<1x10000x64xf32>
    %get3A_8 = vector.shape_cast %get3A_7 : vector<1x10000x64xf32> to vector<10000x64xf32>
    %add3A = arith.addf %get3A_3, %get3A_8 : vector<10000x64xf32>
    %get3A_9 = arith.constant 0 : index
    %get3A_10 = arith.constant 0 : index
    %get3A_11 = vector.load %arg1[%get3A_9, %get3A_10] : memref<10000x64xf32, #tpu.memory_space<vmem>>, vector<10000x64xf32>
    %add3A_12 = arith.addf %add3A, %get3A_11 : vector<10000x64xf32>
    %get3A_13 = arith.constant 0 : index
    %get3A_14 = vector.load %arg2[%get3A_13] : memref<10000xf32, #tpu.memory_space<vmem>>, vector<10000xf32>
    %broadcast_in_dim3A = vector.shape_cast %get3A_14 : vector<10000xf32> to vector<10000x1xf32>
    %mul3A = vector.broadcast %broadcast_in_dim3A : vector<10000x1xf32> to vector<10000x64xf32>
    %mul3A_15 = arith.mulf %add3A_12, %mul3A : vector<10000x64xf32>
    %get3A_16 = arith.constant 0 : index
    %get3A_17 = vector.load %arg3[%get3A_16] : memref<64xf32, #tpu.memory_space<vmem>>, vector<64xf32>
    %broadcast_in_dim3A_18 = vector.shape_cast %get3A_17 : vector<64xf32> to vector<1x64xf32>
    %add3A_19 = vector.broadcast %broadcast_in_dim3A_18 : vector<1x64xf32> to vector<10000x64xf32>
    %add3A_20 = arith.addf %mul3A_15, %add3A_19 : vector<10000x64xf32>
    %swap3A = arith.constant 0 : index
    %swap3A_21 = arith.constant 0 : index
    %swap3A_22 = vector.load %arg4[%swap3A, %swap3A_21] : memref<10000x64xf32, #tpu.memory_space<vmem>>, vector<10000x64xf32>
    tpu.vector_store %arg4[%swap3A, %swap3A_21], %add3A_20 {strides = array<i32>} : memref<10000x64xf32, #tpu.memory_space<vmem>>, vector<10000x64xf32>,
    %neg3A = arith.constant 0.000000e+00 : f32
    %neg3A_23 = vector.broadcast %neg3A : f32 to vector<10000x64xf32>
    %neg3A_24 = arith.subf %neg3A_23, %add3A_20 : vector<10000x64xf32>
    %swap3A_25 = arith.constant 0 : index
    %swap3A_26 = arith.constant 0 : index
    %swap3A_27 = vector.load %arg5[%swap3A_25, %swap3A_26] : memref<10000x64xf32, #tpu.memory_space<vmem>>, vector<10000x64xf32>
    tpu.vector_store %arg5[%swap3A_25, %swap3A_26], %neg3A_24 {strides = array<i32>} : memref<10000x64xf32, #tpu.memory_space<vmem>>, vector<10000x64xf32>,
    return
  }
}

module attributes {stable_mosaic.version = 14 : i64} {
  func.func @_tc5_body(%arg0: i32, %arg1: memref<4096x128xf32, #tpu.memory_space<vmem>>, %arg2: memref<4096x128xf32, #tpu.memory_space<vmem>>, %arg3: memref<4096x64xf32, #tpu.memory_space<vmem>>, %arg4: memref<128xf32, #tpu.memory_space<vmem>>, %arg5: memref<128xf32, #tpu.memory_space<vmem>>, %arg6: memref<64xf32, #tpu.memory_space<vmem>>, %arg7: memref<1xf32, #tpu.memory_space<vmem>>, %arg8: memref<4096xf32, #tpu.memory_space<vmem>>, %arg9: memref<8x128xf32, #tpu.memory_space<vmem>>) attributes {dimension_semantics = [#tpu.dimension_semantics<arbitrary>], iteration_bounds = array<i64: 80>, scalar_prefetch = 0 : i64, scratch_operands = 0 : i64, tpu.core_type = #tpu.core_type<tc>, window_params = [{transform_indices = @transform_0, window_bounds = array<i64: 4096, 128>}, {transform_indices = @transform_1, window_bounds = array<i64: 4096, 128>}, {transform_indices = @transform_2, window_bounds = array<i64: 4096, 64>}, {pipeline_mode = #tpu.pipeline_mode<synchronous>, transform_indices = @transform_3, window_bounds = array<i64: 128>}, {pipeline_mode = #tpu.pipeline_mode<synchronous>, transform_indices = @transform_4, window_bounds = array<i64: 128>}, {pipeline_mode = #tpu.pipeline_mode<synchronous>, transform_indices = @transform_5, window_bounds = array<i64: 64>}, {pipeline_mode = #tpu.pipeline_mode<synchronous>, transform_indices = @transform_6, window_bounds = array<i64: 1>}, {transform_indices = @transform_7, window_bounds = array<i64: 4096>}, {pipeline_mode = #tpu.pipeline_mode<synchronous>, transform_indices = @transform_8, window_bounds = array<i64: 8, 128>}]} {
    %get3A = arith.constant 0 : index
    %get3A_0 = arith.constant 0 : index
    %get3A_1 = vector.load %arg1[%get3A, %get3A_0] : memref<4096x128xf32, #tpu.memory_space<vmem>>, vector<4096x128xf32>
    %convert_element_type3A = arith.truncf %get3A_1 : vector<4096x128xf32> to vector<4096x128xbf16>
    %get3A_2 = arith.constant 0 : index
    %get3A_3 = arith.constant 0 : index
    %get3A_4 = vector.load %arg2[%get3A_2, %get3A_3] : memref<4096x128xf32, #tpu.memory_space<vmem>>, vector<4096x128xf32>
    %convert_element_type3A_5 = arith.truncf %get3A_4 : vector<4096x128xf32> to vector<4096x128xbf16>
    %get3A_6 = arith.constant 0 : index
    %get3A_7 = arith.constant 0 : index
    %get3A_8 = vector.load %arg3[%get3A_6, %get3A_7] : memref<4096x64xf32, #tpu.memory_space<vmem>>, vector<4096x64xf32>
    %convert_element_type3A_9 = arith.truncf %get3A_8 : vector<4096x64xf32> to vector<4096x64xbf16>
    %get3A_10 = arith.constant 0 : index
    %get3A_11 = vector.load %arg4[%get3A_10] : memref<128xf32, #tpu.memory_space<vmem>>, vector<128xf32>
    %convert_element_type3A_12 = arith.truncf %get3A_11 : vector<128xf32> to vector<128xbf16>
    %broadcast_in_dim3A = vector.shape_cast %convert_element_type3A_12 : vector<128xbf16> to vector<128x1xbf16>
    %get3A_13 = arith.constant 0 : index
    %get3A_14 = vector.load %arg5[%get3A_13] : memref<128xf32, #tpu.memory_space<vmem>>, vector<128xf32>
    %convert_element_type3A_15 = arith.truncf %get3A_14 : vector<128xf32> to vector<128xbf16>
    %broadcast_in_dim3A_16 = vector.shape_cast %convert_element_type3A_15 : vector<128xbf16> to vector<128x1xbf16>
    %get3A_17 = arith.constant 0 : index
    %get3A_18 = vector.load %arg6[%get3A_17] : memref<64xf32, #tpu.memory_space<vmem>>, vector<64xf32>
    %convert_element_type3A_19 = arith.truncf %get3A_18 : vector<64xf32> to vector<64xbf16>
    %broadcast_in_dim3A_20 = vector.shape_cast %convert_element_type3A_19 : vector<64xbf16> to vector<64x1xbf16>
    %dot_general3A = arith.constant dense<0.000000e+00> : vector<4096x1xf32>
    %dot_general3A_21 = tpu.matmul %convert_element_type3A, %broadcast_in_dim3A, %dot_general3A {dimension_numbers = #tpu.dot_dimension_numbers<[1], [0], [0], [1], [0, 0, 1, 1], [], []>, transpose_lhs_hint = false} : vector<4096x128xbf16>, vector<128x1xbf16>, vector<4096x1xf32> -> vector<4096x1xf32>
    %squeeze3A = vector.shape_cast %dot_general3A_21 : vector<4096x1xf32> to vector<4096xf32>
    %dot_general3A_22 = arith.constant dense<0.000000e+00> : vector<4096x1xf32>
    %dot_general3A_23 = tpu.matmul %convert_element_type3A_5, %broadcast_in_dim3A_16, %dot_general3A_22 {dimension_numbers = #tpu.dot_dimension_numbers<[1], [0], [0], [1], [0, 0, 1, 1], [], []>, transpose_lhs_hint = false} : vector<4096x128xbf16>, vector<128x1xbf16>, vector<4096x1xf32> -> vector<4096x1xf32>
    %squeeze3A_24 = vector.shape_cast %dot_general3A_23 : vector<4096x1xf32> to vector<4096xf32>
    %dot_general3A_25 = arith.constant dense<0.000000e+00> : vector<4096x1xf32>
    %dot_general3A_26 = tpu.matmul %convert_element_type3A_9, %broadcast_in_dim3A_20, %dot_general3A_25 {dimension_numbers = #tpu.dot_dimension_numbers<[1], [0], [0], [1], [0, 0, 1, 1], [], []>, transpose_lhs_hint = false} : vector<4096x64xbf16>, vector<64x1xbf16>, vector<4096x1xf32> -> vector<4096x1xf32>
    %squeeze3A_27 = vector.shape_cast %dot_general3A_26 : vector<4096x1xf32> to vector<4096xf32>
    %get3A_28 = arith.constant 0 : index
    %get3A_29 = vector.load %arg7[%get3A_28] : memref<1xf32, #tpu.memory_space<vmem>>, vector<1xf32>
    %add3A = vector.broadcast %get3A_29 : vector<1xf32> to vector<4096xf32>
    %add3A_30 = arith.addf %squeeze3A_27, %add3A : vector<4096xf32>
    %max3A = arith.constant 0.000000e+00 : f32
    %max3A_31 = vector.broadcast %max3A : f32 to vector<4096xf32>
    %max3A_32 = arith.maximumf %add3A_30, %max3A_31 : vector<4096xf32>
    %swap3A = arith.constant 0 : index
    %swap3A_33 = vector.load %arg8[%swap3A] : memref<4096xf32, #tpu.memory_space<vmem>>, vector<4096xf32>
    tpu.vector_store %arg8[%swap3A], %max3A_32 {strides = array<i32>} : memref<4096xf32, #tpu.memory_space<vmem>>, vector<4096xf32>,
    %mul3A = arith.constant 4096 : i32
    %mul3A_34 = arith.muli %arg0, %mul3A : i32
    %iota3A = tpu.iota {dimensions = array<i32: 1>} : vector<1x4096xi32>
    %iota3A_35 = vector.shape_cast %iota3A : vector<1x4096xi32> to vector<4096xi32>
    %add3A_36 = vector.broadcast %mul3A_34 : i32 to vector<4096xi32>
    %add3A_37 = arith.addi %add3A_36, %iota3A_35 : vector<4096xi32>
    %lt3A = arith.constant 320000 : i32
    %lt3A_38 = vector.broadcast %lt3A : i32 to vector<4096xi32>
    %lt3A_39 = arith.cmpi slt, %add3A_37, %lt3A_38 : vector<4096xi32>
    %add3A_40 = arith.addf %squeeze3A, %squeeze3A_24 : vector<4096xf32>
    %add3A_41 = arith.addf %add3A_40, %squeeze3A_27 : vector<4096xf32>
    %jit3A = arith.constant 0.000000e+00 : f32
    %broadcast_in_dim3A_42 = vector.broadcast %jit3A : f32 to vector<4096xf32>
    %select_n3A = arith.select %lt3A_39, %add3A_41, %broadcast_in_dim3A_42 : vector<4096xi1>, vector<4096xf32>
    %reduce_sum3A = vector.shape_cast %select_n3A : vector<4096xf32> to vector<1x4096xf32>
    %reduce_sum3A_43 = arith.constant dense<0.000000e+00> : vector<1xf32>
    %reduce_sum3A_44 = vector.multi_reduction <add>, %reduce_sum3A, %reduce_sum3A_43 [1] : vector<1x4096xf32> to vector<1xf32>
    %reduce_sum3A_45 = vector.shape_cast %reduce_sum3A_44 : vector<1xf32> to vector<1x1xf32>
    %reduce_sum3A_46 = vector.extract %reduce_sum3A_45[0, 0] : f32 from vector<1x1xf32>
    %eq3A = arith.constant 0 : i32
    %eq3A_47 = arith.cmpi eq, %arg0, %eq3A : i32
    %convert_element_type3A_48 = arith.extui %eq3A_47 : i1 to i32
    %cond3A = arith.constant 0 : i32
    %cond3A_49 = arith.cmpi ne, %convert_element_type3A_48, %cond3A : i32
    scf.if %cond3A_49 {
      %broadcast_in_dim3A_58 = arith.constant 0.000000e+00 : f32
      %broadcast_in_dim3A_59 = vector.broadcast %broadcast_in_dim3A_58 : f32 to vector<8x128xf32>
      %swap3A_60 = arith.constant 0 : index
      %swap3A_61 = arith.constant 0 : index
      %swap3A_62 = vector.load %arg9[%swap3A_60, %swap3A_61] : memref<8x128xf32, #tpu.memory_space<vmem>>, vector<8x128xf32>
      tpu.vector_store %arg9[%swap3A_60, %swap3A_61], %broadcast_in_dim3A_59 {strides = array<i32>} : memref<8x128xf32, #tpu.memory_space<vmem>>, vector<8x128xf32>,
    } else {
    }
    %get3A_50 = arith.constant 0 : index
    %get3A_51 = arith.constant 0 : index
    %get3A_52 = vector.load %arg9[%get3A_50, %get3A_51] : memref<8x128xf32, #tpu.memory_space<vmem>>, vector<8x128xf32>
    %broadcast_in_dim3A_53 = vector.broadcast %reduce_sum3A_46 : f32 to vector<8x128xf32>
    %add3A_54 = arith.addf %get3A_52, %broadcast_in_dim3A_53 : vector<8x128xf32>
    %swap3A_55 = arith.constant 0 : index
    %swap3A_56 = arith.constant 0 : index
    %swap3A_57 = vector.load %arg9[%swap3A_55, %swap3A_56] : memref<8x128xf32, #tpu.memory_space<vmem>>, vector<8x128xf32>
    tpu.vector_store %arg9[%swap3A_55, %swap3A_56], %add3A_54 {strides = array<i32>} : memref<8x128xf32, #tpu.memory_space<vmem>>, vector<8x128xf32>,
    return
  }
  func.func @transform_0(%arg0: i32) -> (i32, i32) {
    %c0_i32 = arith.constant 0 : i32
    %c0_i32_0 = arith.constant 0 : i32
    return %arg0, %c0_i32 : i32, i32
  }
  func.func @transform_1(%arg0: i32) -> (i32, i32) {
    %c0_i32 = arith.constant 0 : i32
    %c0_i32_0 = arith.constant 0 : i32
    return %arg0, %c0_i32 : i32, i32
  }
  func.func @transform_2(%arg0: i32) -> (i32, i32) {
    %c0_i32 = arith.constant 0 : i32
    %c0_i32_0 = arith.constant 0 : i32
    return %arg0, %c0_i32 : i32, i32
  }
  func.func @transform_3(%arg0: i32) -> i32 {
    %c0_i32 = arith.constant 0 : i32
    %c0_i32_0 = arith.constant 0 : i32
    return %c0_i32 : i32
  }
  func.func @transform_4(%arg0: i32) -> i32 {
    %c0_i32 = arith.constant 0 : i32
    %c0_i32_0 = arith.constant 0 : i32
    return %c0_i32 : i32
  }
  func.func @transform_5(%arg0: i32) -> i32 {
    %c0_i32 = arith.constant 0 : i32
    %c0_i32_0 = arith.constant 0 : i32
    return %c0_i32 : i32
  }
  func.func @transform_6(%arg0: i32) -> i32 {
    %c0_i32 = arith.constant 0 : i32
    %c0_i32_0 = arith.constant 0 : i32
    return %c0_i32 : i32
  }
  func.func @transform_7(%arg0: i32) -> i32 {
    %c0_i32 = arith.constant 0 : i32
    return %arg0 : i32
  }
  func.func @transform_8(%arg0: i32) -> (i32, i32) {
    %c0_i32 = arith.constant 0 : i32
    %c0_i32_0 = arith.constant 0 : i32
    %c0_i32_1 = arith.constant 0 : i32
    return %c0_i32, %c0_i32_0 : i32, i32
  }
}

</mosaic_0001>

<sc_bundles>
// kernel: kernel.12.cloned.1.call-start
scs
__scs_entry_jumppad:
0x0: {  	(pc) =	sbr.rel $0x88, $3  }
0x1: {  	(tag) =	ssettag $0x0;
	lr =	simm.s32 $0x1  }
0x2: {  	[smem:$0x3F95] =	sst lr;
	_ =	strace $0xD0000000  }
0x3: {  	_ = 	snop  }
0x4: {  	_ = 	snop  }
0x5: {  	_ = 	snop  }
0x6: {  	_ = 	snop  }
0x7: {  	_ = 	snop  }
__scs_overlays_trampoline_lowered:
0x8: {  	[smem:$0x3FA4] =	sst s0  }
0x9: {  	[smem:$0x3FA5] =	sst s1  }
0xa: {  	[smem:$0x3FA6] =	sst s2  }
0xb: {  	[smem:$0x3FA7] =	sst s3  }
0xc: {  	[smem:$0x3FA8] =	sst s4  }
0xd: {  	[smem:$0x3FA9] =	sst s5  }
0xe: {  	[smem:$0x3FAA] =	sst s6  }
0xf: {  	[smem:$0x3FAB] =	sst s7  }
0x10: {  	[smem:$0x3FAC] =	sst s8  }
0x11: {  	[smem:$0x3FAD] =	sst s9;
	s0 =	simm.s32 @!p0 $0x0  }
0x12: {  	s1 =	sld [smem:$0x3F93];
	s0 =	simm.s32 @p0 $0x1  }
0x13: {  	[smem:$0x3FAE] =	sst s0;
	s0 =	simm.s32 @!p1 $0x0  }
0x14: {  	s2 =	sld [smem:$0x3F92];
	s0 =	simm.s32 @p1 $0x1  }
0x15: {  	[smem:$0x3FAF] =	sst s0;
	s0 =	simm.s32 @!p2 $0x0  }
0x16: {  	s3 =	sld [smem:$0x3FDB];
	s0 =	simm.s32 @p2 $0x1  }
0x17: {  	s4 =	simm.s32 $0x1BF5;
	[smem:$0x3FB1] =	sst s0  }
0x18: {  	s0 =	sld [smem:$0x3F94];
	_ =	swait.ge [sflag:s4], $0x0  }
0x19: {  	s7 =	sld [smem:$0x3F95]  }
0x1a: {  	s8 =	sadd.s32 $0xFFFFE003, lr  }
0x1b: {  	s9 =	sadd.s32 $0xFFFFFEF7, lr;
	s5 =	simm.s32 $0xFFFFFFFF;
	p2 =	slt.u32 s8, $0xFFFFF086  }
0x1c: {  	p1 =	slt.u32 s9, $0xF7A;
	s5 =	simm.s32 @!p2 $0x0  }
0x1d: {  	s5 =	simm.s32 @p1 $0x1;
	p0 =	seq.s32 s7, s2  }
0x1e: {  	s7 =	smul.u32 @!p0 $0xF7A, s2;
	p2 =	seq.s32 @!p0 s5, $0x0  }
0x1f: {  	s9 =	smul.u32 $0xF7A, s1;
	s8 =	simm.s32 @!p0 $0x1BF5;
	p2 =	por !p2, p0  }
0x20: {  	[sflag:s8] =	ssyncset.s32 @!p0 $0xFFFFF086;
	s6 =	sadd.s32 @!p0 s3, s7;
	s7 =	simm.s32 @!p0 $0x108  }
0x21: {  	s3 =	sadd.s32 s3, s9;
	s6 =	sadd.s32 @!p0 $0x88, s6;
	s7 =	simm.s32 @p2 $0x1082  }
0x22: {  	[simem:s7], [sflag:s8] =	dma.local @!p0 [hbm:s6], $0xF7A  }
0x23: {  	s9 =	sor.u32 $0xD0000000, s2;
	s6 =	simm.s32 $0x108;
	_ =	swait.ge @!p0 [sflag:s8], $0x0  }
0x24: {  	s3 =	sadd.s32 $0x88, s3;
	s6 =	simm.s32 @!p1 $0x1082;
	[sflag:s4] =	ssyncset.s32 $0xFFFFF086  }
0x25: {  	[simem:s6], [sflag:s4] =	dma.local [hbm:s3], $0xF7A  }
0x26: {  	[smem:$0x3F95] =	sst s1;
	(tag) =	ssettag s2;
	_ =	strace s9  }
0x27: {  	s1 =	sld [smem:$0x3FA5]  }
0x28: {  	s2 =	sld [smem:$0x3FA6]  }
0x29: {  	s4 =	sld [smem:$0x3FA8]  }
0x2a: {  	p0 =	seq.s32 s5, $0x0;
	s5 =	sld [smem:$0x3FA9]  }
0x2b: {  	s6 =	sld [smem:$0x3FAA]  }
0x2c: {  	s7 =	sld [smem:$0x3FAB]  }
0x2d: {  	s3 =	simm.s32 $0x108;
	s8 =	sld [smem:$0x3FAC]  }
0x2e: {  	s3 =	simm.s32 @!p0 $0x1082;
	s9 =	sld [smem:$0x3FAD]  }
0x2f: {  	lr =	sadd.s32 s0, s3;
	s0 =	sld [smem:$0x3FA4]  }
0x30: {  	s3 =	sld [smem:$0x3FA7]  }
0x31: {  	[smem:$0x3FB0] =	sst s10  }
0x32: {  	s10 =	sld [smem:$0x3FAE];
	_ =	sdelay $0x3  }
0x33: {  	p0 =	seq.s32 s10, $0x1;
	s10 =	sld [smem:$0x3FB0];
	_ =	sdelay $0x3  }
0x34: {  	[smem:$0x3FB0] =	sst s10  }
0x35: {  	s10 =	sld [smem:$0x3FAF];
	_ =	sdelay $0x3  }
0x36: {  	p1 =	seq.s32 s10, $0x1;
	s10 =	sld [smem:$0x3FB0];
	_ =	sdelay $0x3  }
0x37: {  	[smem:$0x3FB0] =	sst s10  }
0x38: {  	s10 =	sld [smem:$0x3FB1]  }
0x39: {  	_ = 	snop;
	(pc) =	sbr.ind lr, $3  }
0x3a: {  	_ = 	snop  }
0x3b: {  	_ = 	snop  }
0x3c: {  	p2 =	seq.s32 s10, $0x1;
	s10 =	sld [smem:$0x3FB0]  }
0x3d: {  	_ =	shalt  }
0x3e: {  	_ =	shalt  }
0x3f: {  	_ =	shalt  }
0x40: {  	_ =	shalt  }
0x41: {  	_ =	shalt  }
0x42: {  	_ =	shalt  }
0x43: {  	_ =	shalt  }
0x44: {  	_ =	shalt  }
0x45: {  	_ =	shalt  }
0x46: {  	_ =	shalt  }
0x47: {  	_ =	shalt  }
0x48: {  	_ =	shalt  }
0x49: {  	_ =	shalt  }
0x4a: {  	_ =	shalt  }
0x4b: {  	_ =	shalt  }
0x4c: {  	_ =	shalt  }
0x4d: {  	_ =	shalt  }
0x4e: {  	_ =	shalt  }
0x4f: {  	_ =	shalt  }
0x50: {  	_ =	shalt  }
0x51: {  	_ =	shalt  }
0x52: {  	_ =	shalt  }
0x53: {  	_ =	shalt  }
0x54: {  	_ =	shalt  }
0x55: {  	_ =	shalt  }
0x56: {  	_ =	shalt  }
0x57: {  	_ =	shalt  }
0x58: {  	_ =	shalt  }
0x59: {  	_ =	shalt  }
0x5a: {  	_ =	shalt  }
0x5b: {  	_ =	shalt  }
0x5c: {  	_ =	shalt  }
0x5d: {  	_ =	shalt  }
0x5e: {  	_ =	shalt  }
0x5f: {  	_ =	shalt  }
0x60: {  	_ =	shalt  }
0x61: {  	_ =	shalt  }
0x62: {  	_ =	shalt  }
0x63: {  	_ =	shalt  }
0x64: {  	_ =	shalt  }
0x65: {  	_ =	shalt  }
0x66: {  	_ =	shalt  }
0x67: {  	_ =	shalt  }
0x68: {  	_ =	shalt  }
0x69: {  	_ =	shalt  }
0x6a: {  	_ =	shalt  }
0x6b: {  	_ =	shalt  }
0x6c: {  	_ =	shalt  }
0x6d: {  	_ =	shalt  }
0x6e: {  	_ =	shalt  }
0x6f: {  	_ =	shalt  }
0x70: {  	_ =	shalt  }
0x71: {  	_ =	shalt  }
0x72: {  	_ =	shalt  }
0x73: {  	_ =	shalt  }
0x74: {  	_ =	shalt  }
0x75: {  	_ =	shalt  }
0x76: {  	_ =	shalt  }
0x77: {  	_ =	shalt  }
0x78: {  	_ =	shalt  }
0x79: {  	_ =	shalt  }
0x7a: {  	_ =	shalt  }
0x7b: {  	_ =	shalt  }
0x7c: {  	_ =	shalt  }
0x7d: {  	_ =	shalt  }
0x7e: {  	_ =	shalt  }
0x7f: {  	_ =	shalt  }
0x80: {  	_ =	shalt  }
0x81: {  	_ =	shalt  }
0x82: {  	_ =	shalt  }
0x83: {  	_ =	shalt  }
0x84: {  	_ =	shalt  }
0x85: {  	_ =	shalt  }
0x86: {  	_ =	shalt  }
0x87: {  	_ =	shalt  }
.Lfunc_end0:
.L_simem_size_0:
called_computation_lowered:
.L_overlay_start_0:
0x88: {  	s2 =	sld [smem:$0x3FD9]  }
0x89: {  	s3 =	sld [smem:$0x3FFE];
	_ =	sdelay $0x1  }
0x8a: {  	s1 =	srdreg.scid  }
0x8b: {  	s0 =	sand.u32 $0x1, s1  }
0x8c: {  	s16 =	sshll.u32 s0, $0xA;
	s2 =	sadd.s32 s3, s2  }
0x8d: {  	s2 =	sadd.s32 s2, s16  }
0x8e: {  	[smem:$0x3FBC] =	sst s2  }
0x8f: {  	_ = 	snop  }
0x90: {  	(tm) =	ssettm $0x1  }
0x91: {  	s17 =	sld [smem:$0x3FFB];
	_ =	sdelay $0x3  }
0x92: {  	_ =	strace s17  }
0x93: {  	s2 =	sld [smem:$0x3FFC];
	_ =	sdelay $0x3  }
0x94: {  	_ =	strace s2  }
0x95: {  	s2 =	sld [smem:$0x3FFD];
	_ =	sdelay $0x3  }
0x96: {  	_ =	strace s2  }
0x97: {  	_ =	strace $0x8FFFFFFF  }
0x98: {  	s18 =	sld [smem:$0x3FDB];
	_ =	sdelay $0x1  }
0x99: {  	s19 =	simm.s32 $_scs_section_size  }
0x9a: {  	s4 =	simm.s32 $_size__tile_overlayer_lowered;
	s5 =	simm.s32 $_tile_overlayer_lowered  }
0x9b: {  	s22 =	simm.s32 $0x1BFF;
	s21 =	sshll.u32 s5, $0x1;
	s2 =	sadd.s32 s19, s18  }
0x9c: {  	s6 =	simm.s32 $0x0;
	s20 =	sshll.u32 s4, $0x1;
	s4 =	sadd.s32 s21, s2  }
0x9d: {  	[timem:s6], [sflag:s22] =	dma.local [hbm:s4], s20  }
0x9e: {  	_ =	swait.ge [sflag:s22], s20  }
0x9f: {  	s3 =	ssub.s32 $0x0, s20;
	[sflag:s22] =	ssyncset.done $0x0  }
0xa0: {  	[sflag:s22] =	ssyncadd.s32 s3;
	_ =	sdelay $0x1  }
0xa1: {  	s23 =	simm.s32 $0x1B8B  }
0xa2: {  	_ =	swait.ge [sflag:s23], $0x1  }
0xa3: {  	[sflag:s23] =	ssyncset.done $0x0  }
0xa4: {  	s25 =	simm.s32 $0x1B8E;
	s24 =	sld [smem:$0x3FFE];
	[sflag:s23] =	ssyncadd.s32 $0xFFFFFFFF  }
0xa5: {  	s26 =	simm.s32 $execute0_lowered;
	[smem:$0x3FD2] =	sst s25  }
0xa6: {  	s4 =	sshll.u32 s26, $0x1;
	_ =	strace $0x80000046;
	[dreg:$0x1] =	wrdreg $0xFFFFFFFF  }
0xa7: {  	s28 =	simm.s32 $_size_execute0_lowered;
	s2 =	sadd.s32 s2, s4;
	[dreg:$0x0] =	wrdreg $0x0  }
0xa8: {  	s4 =	sshll.u32 s28, $0x1;
	[dreg:$0x2] =	wrdreg s2  }
0xa9: {  	[dreg:$0x3] =	wrdreg s4  }
0xaa: {  	[dreg:$0x4] =	wrdreg $0xC0  }
0xab: {  	_ =	task [dreg:s6], $0x5FFFF  }
0xac: {  	[dreg:$0x1] =	wrdreg $0xFFFFFFFF  }
0xad: {  	[dreg:$0x0] =	wrdreg $0x60  }
0xae: {  	[dreg:$0x2] =	wrdreg s24  }
0xaf: {  	[dreg:$0x3] =	wrdreg $0x9  }
0xb0: {  	_ =	task.clear_ibuf [dreg:s6], $0x4FFFF;
	_ =	strace $0x90000046  }
0xb1: {  	s29 =	simm.s32 $0x9;
	_ =	strace $0x80000048  }
0xb2: {  	_ =	swait.ge [sflag:s29], $0x1  }
0xb3: {  	[sflag:s29] =	ssyncadd.s32 $0xFFFFFFFF  }
0xb4: {  	_ =	strace $0x90000048  }
0xb5: {  	_ =	sfence  }
0xb6: {  	s30 =	sld [smem:$0x0];
	_ =	sdelay $0x2  }
0xb7: {  	s31 =	sshll.u32 s1, $0xD;
	s1 =	sshrl.u32 s1, $0x2  }
0xb8: {  	s3 =	sand.u32 $0x4000, s31;
	s1 =	sadd.s32 s1, s30  }
0xb9: {  	s0 =	sor.u32 s3, s0;
	s1 =	sshll.u32 s1, $0x11  }
0xba: {  	s0 =	sor.u32 s1, s0  }
0xbb: {  	s0 =	sadd.s32 $0x8F2B, s0  }
0xbc: {  	[sflag:s0] =	ssyncadd.remote.s32 $0x1  }
0xbd: {  	_ =	sfence.sel $0xFFFF  }
0xbe: {  	[dreg:$0x0] =	wrdreg $0xFFFFFFFF;
	(pc) =	sbr.abs _section_cstart, $3  }
0xbf: {  	[dreg:$0x1] =	wrdreg $0xFFFFFFFF  }
0xc0: {  	_ =	task.clear_ibuf [dreg:s6], $0x2FFFF;
	_ =	strace $0x9FFFFFFF  }
0xc1: {  	(tm) =	ssettm $0x7FFFFFFF  }
tec
execute0_lowered:
.L_overlay_start_1:
0x0: {  	(tag) =	ssettag $0x1  }
0x1: {  	s0 =	srdreg.scid  }
0x2: {  	s3 =	sand.u32 $0x1, s0  }
0x3: {  	s4 =	rddreg [dreg:$0x0];
	s0 =	stileid.u32;
	s1 =	sshll.u32 s3, $0x4  }
0x4: {  	s2 =	simm.s32 $0x0;
	s8 =	simm.s32 $0x0;
	s5 =	sor.u32 s0, s1  }
0x5: {  	[smem:$0x7FF] =	sst s2;
	s3 =	ssub.s32 $0x2, s3;
	s6 =	smul.u32 $0x500, s5  }
0x6: {  	s1 =	rddreg [dreg:$0x1];
	s7 =	sshrl.u32 s3, $0x1;
	s5 =	smul.u32 $0x4F0, s5  }
0x7: {  	_ =	strace $0x80000047;
	s31 =	ssub.s32 s3, s7;
	s7 =	simm.s32 $0x2800  }
0x8: {  	s6 =	sadd.s32 s6, s4;
	s4 =	sadd.s32 s5, s4;
	s5 =	smax.u32 s31, $0x1  }
0x9: {  	v0 =	vimm.f32 $0.0e+00;
	v1 =	vimm.f32 $1.000000000e+00;
	s3 =	sadd.s32 $0x2E00, s6;
	s4 =	sadd.s32 $0xCE00, s4;
	s6 =	simm.s32 $0x1  }
.LBB2_1:
0xa: {  	[tilespmem:s2], [sflag:$0x1] =	stream.linear.gather [hbm4b:s3+s2], $0x2800, $0x38;
	[tilespmem:$0x4F80] =	vst v63  }
0xb: {  	_ =	swait.ge [sflag:s6], $0x2800  }
0xc: {  	[sflag:s6] =	ssyncset.done $0x0  }
0xd: {  	s9 =	simm.s32 $0x0;
	[sflag:s6] =	ssyncadd.s32 $0xFFFFD800  }
.LBB2_2:
0xe: {  	p0 =	sne.s32 s9, $0x9DC0  }
.Ltmp0:
0xf: {  	_ = 	snop;
	(pc) =	sbr.rel @p0 .LBB2_2-.Ltmp0, $3  }
0x10: {  	_ =	sdelay $0x1  }
0x11: {  	s10 =	sshra.s32 s9, $0x2  }
0x12: {  	s9 =	sadd.s32 $0x40, s9;
	[tilespmem:s10+$0x2800] =	vst v0  }
0x13: {  	s10 =	simm.s32 $0x0;
	s9 =	simm.s32 $0x40  }
.LBB2_4:
0x14: {  	p0 =	sne.s32 s9, $0x9FC0;
	v2 =	vld [tilespmem:s10+$0x0];
	_ =	sdelay $0x3  }
.Ltmp1:
0x15: {  	(pc) =	sbr.rel @p0 .LBB2_4-.Ltmp1, $2  }
0x16: {  	_ =	sdelay $0x2  }
0x17: {  	s10 =	sshra.s32 s9, $0x2;
	s9 =	sadd.s32 $0x40, s9;
	[tilespmem:v2+s7+$0x0] =	vst.idx.add.f32.msk $0xffff, v1  }
0x18: {  	v2 =	vld [tilespmem:s10+$0x0];
	_ =	sdelay $0x5  }
0x19: {  	s8 =	sadd.s32 $0x1, s8  }
0x1a: {  	p0 =	sne.s32 s8, s5  }
.Ltmp2:
0x1b: {  	[tilespmem:v2+s7+$0x0] =	vst.idx.add.f32.msk $0xffff, v1;
	(pc) =	sbr.rel @p0 .LBB2_1-.Ltmp2, $4  }
0x1c: {  	[hbm4b:s4+s2] =	stream.linear.scatter [tilespmem:s7], [sflag:$0x1], $0x2780, $0x38;
	[tilespmem:$0x4F80] =	vst v63  }
0x1d: {  	_ =	swait.ge [sflag:s6], $0x2780  }
0x1e: {  	[sflag:s6] =	ssyncset.done $0x0  }
0x1f: {  	[sflag:s6] =	ssyncadd.s32 $0xFFFFD880  }
0x20: {  	_ =	sfence.sel $0x180000  }
0x21: {  	[bflag:$0x0] =	sbarrier.arrive $0xFFFF  }
0x22: {  	p0 =	sne.s32 s0, $0x0;
	_ =	strace $0x90000047  }
0x23: {  	s0 =	sadd.s32 @!p0 $0x100000, s1;
	[bflag:$0x2] =	sbarrier.arrive $0xFFFF  }
0x24: {  	[sflag:s0] =	ssyncadd.tile.s32 @!p0 $0x1;
	_ =	shalt  }
.Lfunc_end2:
_tile_overlayer_lowered:
.L_overlay_start_2:
0x25: {  	(tag) =	ssettag $0x2  }
0x26: {  	s0 =	rddreg [dreg:$0x0];
	s2 =	stileid.u32  }
0x27: {  	s1 =	rddreg [dreg:$0x1];
	p0 =	sne.s32 s2, $0x0  }
0x28: {  	s3 =	rddreg [dreg:$0x2];
	[bflag:$0x3] =	sbarrier.arrive $0xFFFF;
	s2 =	simm.s32 @!p0 $0x1C01  }
0x29: {  	[timem:s3], [sflag:s2] =	dma.local @!p0 [hbm:s0], s1  }
0x2a: {  	s0 =	simm.s32 @!p0 $0x1  }
0x2b: {  	_ =	swait.ge @!p0 [sflag:s0], s1  }
0x2c: {  	s1 =	ssub.s32 @!p0 $0x0, s1;
	[sflag:s0] =	ssyncset.done @!p0 $0x0  }
0x2d: {  	[sflag:s0] =	ssyncadd.s32 @!p0 s1  }
0x2e: {  	[bflag:$0x3] =	sbarrier.arrive $0xFFFF  }
0x2f: {  	_ =	shalt  }

// kernel: kernel.15.cloned.1.call-start
scs
__scs_entry_jumppad:
0x0: {  	(pc) =	sbr.rel $0x88, $3  }
0x1: {  	(tag) =	ssettag $0x0;
	lr =	simm.s32 $0x1  }
0x2: {  	[smem:$0x3F95] =	sst lr;
	_ =	strace $0xD0000000  }
0x3: {  	_ = 	snop  }
0x4: {  	_ = 	snop  }
0x5: {  	_ = 	snop  }
0x6: {  	_ = 	snop  }
0x7: {  	_ = 	snop  }
__scs_overlays_trampoline_lowered:
0x8: {  	[smem:$0x3FA4] =	sst s0  }
0x9: {  	[smem:$0x3FA5] =	sst s1  }
0xa: {  	[smem:$0x3FA6] =	sst s2  }
0xb: {  	[smem:$0x3FA7] =	sst s3  }
0xc: {  	[smem:$0x3FA8] =	sst s4  }
0xd: {  	[smem:$0x3FA9] =	sst s5  }
0xe: {  	[smem:$0x3FAA] =	sst s6  }
0xf: {  	[smem:$0x3FAB] =	sst s7  }
0x10: {  	[smem:$0x3FAC] =	sst s8  }
0x11: {  	[smem:$0x3FAD] =	sst s9;
	s0 =	simm.s32 @!p0 $0x0  }
0x12: {  	s1 =	sld [smem:$0x3F93];
	s0 =	simm.s32 @p0 $0x1  }
0x13: {  	[smem:$0x3FAE] =	sst s0;
	s0 =	simm.s32 @!p1 $0x0  }
0x14: {  	s2 =	sld [smem:$0x3F92];
	s0 =	simm.s32 @p1 $0x1  }
0x15: {  	[smem:$0x3FAF] =	sst s0;
	s0 =	simm.s32 @!p2 $0x0  }
0x16: {  	s3 =	sld [smem:$0x3FDB];
	s0 =	simm.s32 @p2 $0x1  }
0x17: {  	s4 =	simm.s32 $0x1BF5;
	[smem:$0x3FB1] =	sst s0  }
0x18: {  	s0 =	sld [smem:$0x3F94];
	_ =	swait.ge [sflag:s4], $0x0  }
0x19: {  	s7 =	sld [smem:$0x3F95]  }
0x1a: {  	s8 =	sadd.s32 $0xFFFFE003, lr  }
0x1b: {  	s9 =	sadd.s32 $0xFFFFFEF7, lr;
	s5 =	simm.s32 $0xFFFFFFFF;
	p2 =	slt.u32 s8, $0xFFFFF086  }
0x1c: {  	p1 =	slt.u32 s9, $0xF7A;
	s5 =	simm.s32 @!p2 $0x0  }
0x1d: {  	s5 =	simm.s32 @p1 $0x1;
	p0 =	seq.s32 s7, s2  }
0x1e: {  	s7 =	smul.u32 @!p0 $0xF7A, s2;
	p2 =	seq.s32 @!p0 s5, $0x0  }
0x1f: {  	s9 =	smul.u32 $0xF7A, s1;
	s8 =	simm.s32 @!p0 $0x1BF5;
	p2 =	por !p2, p0  }
0x20: {  	[sflag:s8] =	ssyncset.s32 @!p0 $0xFFFFF086;
	s6 =	sadd.s32 @!p0 s3, s7;
	s7 =	simm.s32 @!p0 $0x108  }
0x21: {  	s3 =	sadd.s32 s3, s9;
	s6 =	sadd.s32 @!p0 $0x88, s6;
	s7 =	simm.s32 @p2 $0x1082  }
0x22: {  	[simem:s7], [sflag:s8] =	dma.local @!p0 [hbm:s6], $0xF7A  }
0x23: {  	s9 =	sor.u32 $0xD0000000, s2;
	s6 =	simm.s32 $0x108;
	_ =	swait.ge @!p0 [sflag:s8], $0x0  }
0x24: {  	s3 =	sadd.s32 $0x88, s3;
	s6 =	simm.s32 @!p1 $0x1082;
	[sflag:s4] =	ssyncset.s32 $0xFFFFF086  }
0x25: {  	[simem:s6], [sflag:s4] =	dma.local [hbm:s3], $0xF7A  }
0x26: {  	[smem:$0x3F95] =	sst s1;
	(tag) =	ssettag s2;
	_ =	strace s9  }
0x27: {  	s1 =	sld [smem:$0x3FA5]  }
0x28: {  	s2 =	sld [smem:$0x3FA6]  }
0x29: {  	s4 =	sld [smem:$0x3FA8]  }
0x2a: {  	p0 =	seq.s32 s5, $0x0;
	s5 =	sld [smem:$0x3FA9]  }
0x2b: {  	s6 =	sld [smem:$0x3FAA]  }
0x2c: {  	s7 =	sld [smem:$0x3FAB]  }
0x2d: {  	s3 =	simm.s32 $0x108;
	s8 =	sld [smem:$0x3FAC]  }
0x2e: {  	s3 =	simm.s32 @!p0 $0x1082;
	s9 =	sld [smem:$0x3FAD]  }
0x2f: {  	lr =	sadd.s32 s0, s3;
	s0 =	sld [smem:$0x3FA4]  }
0x30: {  	s3 =	sld [smem:$0x3FA7]  }
0x31: {  	[smem:$0x3FB0] =	sst s10  }
0x32: {  	s10 =	sld [smem:$0x3FAE];
	_ =	sdelay $0x3  }
0x33: {  	p0 =	seq.s32 s10, $0x1;
	s10 =	sld [smem:$0x3FB0];
	_ =	sdelay $0x3  }
0x34: {  	[smem:$0x3FB0] =	sst s10  }
0x35: {  	s10 =	sld [smem:$0x3FAF];
	_ =	sdelay $0x3  }
0x36: {  	p1 =	seq.s32 s10, $0x1;
	s10 =	sld [smem:$0x3FB0];
	_ =	sdelay $0x3  }
0x37: {  	[smem:$0x3FB0] =	sst s10  }
0x38: {  	s10 =	sld [smem:$0x3FB1]  }
0x39: {  	_ = 	snop;
	(pc) =	sbr.ind lr, $3  }
0x3a: {  	_ = 	snop  }
0x3b: {  	_ = 	snop  }
0x3c: {  	p2 =	seq.s32 s10, $0x1;
	s10 =	sld [smem:$0x3FB0]  }
0x3d: {  	_ =	shalt  }
0x3e: {  	_ =	shalt  }
0x3f: {  	_ =	shalt  }
0x40: {  	_ =	shalt  }
0x41: {  	_ =	shalt  }
0x42: {  	_ =	shalt  }
0x43: {  	_ =	shalt  }
0x44: {  	_ =	shalt  }
0x45: {  	_ =	shalt  }
0x46: {  	_ =	shalt  }
0x47: {  	_ =	shalt  }
0x48: {  	_ =	shalt  }
0x49: {  	_ =	shalt  }
0x4a: {  	_ =	shalt  }
0x4b: {  	_ =	shalt  }
0x4c: {  	_ =	shalt  }
0x4d: {  	_ =	shalt  }
0x4e: {  	_ =	shalt  }
0x4f: {  	_ =	shalt  }
0x50: {  	_ =	shalt  }
0x51: {  	_ =	shalt  }
0x52: {  	_ =	shalt  }
0x53: {  	_ =	shalt  }
0x54: {  	_ =	shalt  }
0x55: {  	_ =	shalt  }
0x56: {  	_ =	shalt  }
0x57: {  	_ =	shalt  }
0x58: {  	_ =	shalt  }
0x59: {  	_ =	shalt  }
0x5a: {  	_ =	shalt  }
0x5b: {  	_ =	shalt  }
0x5c: {  	_ =	shalt  }
0x5d: {  	_ =	shalt  }
0x5e: {  	_ =	shalt  }
0x5f: {  	_ =	shalt  }
0x60: {  	_ =	shalt  }
0x61: {  	_ =	shalt  }
0x62: {  	_ =	shalt  }
0x63: {  	_ =	shalt  }
0x64: {  	_ =	shalt  }
0x65: {  	_ =	shalt  }
0x66: {  	_ =	shalt  }
0x67: {  	_ =	shalt  }
0x68: {  	_ =	shalt  }
0x69: {  	_ =	shalt  }
0x6a: {  	_ =	shalt  }
0x6b: {  	_ =	shalt  }
0x6c: {  	_ =	shalt  }
0x6d: {  	_ =	shalt  }
0x6e: {  	_ =	shalt  }
0x6f: {  	_ =	shalt  }
0x70: {  	_ =	shalt  }
0x71: {  	_ =	shalt  }
0x72: {  	_ =	shalt  }
0x73: {  	_ =	shalt  }
0x74: {  	_ =	shalt  }
0x75: {  	_ =	shalt  }
0x76: {  	_ =	shalt  }
0x77: {  	_ =	shalt  }
0x78: {  	_ =	shalt  }
0x79: {  	_ =	shalt  }
0x7a: {  	_ =	shalt  }
0x7b: {  	_ =	shalt  }
0x7c: {  	_ =	shalt  }
0x7d: {  	_ =	shalt  }
0x7e: {  	_ =	shalt  }
0x7f: {  	_ =	shalt  }
0x80: {  	_ =	shalt  }
0x81: {  	_ =	shalt  }
0x82: {  	_ =	shalt  }
0x83: {  	_ =	shalt  }
0x84: {  	_ =	shalt  }
0x85: {  	_ =	shalt  }
0x86: {  	_ =	shalt  }
0x87: {  	_ =	shalt  }
.Lfunc_end0:
.L_simem_size_0:
called_computation.1_lowered:
.L_overlay_start_0:
0x88: {  	s2 =	sld [smem:$0x3FD9]  }
0x89: {  	s3 =	sld [smem:$0x3FFE];
	_ =	sdelay $0x1  }
0x8a: {  	s1 =	srdreg.scid  }
0x8b: {  	s0 =	sand.u32 $0x1, s1  }
0x8c: {  	s17 =	sshll.u32 s0, $0xA;
	s2 =	sadd.s32 s3, s2  }
0x8d: {  	s2 =	sadd.s32 s2, s17  }
0x8e: {  	[smem:$0x3FBC] =	sst s2  }
0x8f: {  	_ = 	snop  }
0x90: {  	s18 =	sld [smem:$0x3FC9];
	(tm) =	ssettm $0x1  }
0x91: {  	s19 =	sld [smem:$0x3FFB];
	_ =	sdelay $0x3  }
0x92: {  	_ =	strace s19  }
0x93: {  	s2 =	sld [smem:$0x3FFC];
	_ =	sdelay $0x3  }
0x94: {  	_ =	strace s2  }
0x95: {  	s2 =	sld [smem:$0x3FFD];
	_ =	sdelay $0x3  }
0x96: {  	_ =	strace s2  }
0x97: {  	_ =	strace $0x8FFFFFFF  }
0x98: {  	s20 =	sld [smem:$0x3FDB];
	_ =	sdelay $0x1  }
0x99: {  	s4 =	simm.s32 $_scs_section_size  }
0x9a: {  	s5 =	simm.s32 $_size__tile_overlayer_lowered;
	s6 =	simm.s32 $_tile_overlayer_lowered  }
0x9b: {  	s7 =	simm.s32 $0x1BFF;
	s21 =	sshll.u32 s6, $0x1;
	s4 =	sadd.s32 s4, s20  }
0x9c: {  	s22 =	simm.s32 $0x0;
	s5 =	sshll.u32 s5, $0x1;
	s6 =	sadd.s32 s21, s4  }
0x9d: {  	[timem:s22], [sflag:s7] =	dma.local [hbm:s6], s5  }
0x9e: {  	_ =	swait.ge [sflag:s7], s5  }
0x9f: {  	s5 =	ssub.s32 $0x0, s5;
	[sflag:s7] =	ssyncset.done $0x0  }
0xa0: {  	[sflag:s7] =	ssyncadd.s32 s5;
	_ =	sdelay $0x1  }
0xa1: {  	s23 =	simm.s32 $0x1B8B  }
0xa2: {  	_ =	swait.ge [sflag:s23], $0x1  }
0xa3: {  	[sflag:s23] =	ssyncset.done $0x0  }
0xa4: {  	[sflag:s23] =	ssyncadd.s32 $0xFFFFFFFF  }
0xa5: {  	s5 =	sld [smem:$0x0]  }
0xa6: {  	s6 =	sand.u32 $0xFFFFFFFE, s1  }
0xa7: {  	p0 =	sne.s32 s1, s6  }
0xa8: {  	s6 =	sshll.u32 @p0 s6, $0xE  }
0xa9: {  	s6 =	sadd.s32 @p0 $0x11B8D, s6;
	s7 =	sshll.u32 @p0 s5, $0x11  }
0xaa: {  	s6 =	sor.u32 @p0 s7, s6  }
0xab: {  	[sflag:s6] =	ssyncadd.remote.s32 @p0 $0x1;
	_ =	sdelay $0x1  }
0xac: {  	s6 =	simm.s32 @p0 $0x1B8D  }
0xad: {  	_ =	swait.eq @p0 [sflag:s6], $0x1  }
0xae: {  	[sflag:s6] =	ssyncadd.s32 @p0 $0xFFFFFFFF  }
0xaf: {  	s7 =	sshll.u32 @!p0 s1, $0xE  }
0xb0: {  	s7 =	sor.u32 @!p0 $0x4000, s7;
	s6 =	simm.s32 @!p0 $0x1B8D  }
0xb1: {  	s5 =	sshll.u32 @!p0 s5, $0x11;
	s7 =	sadd.s32 @!p0 $0x11B8D, s7;
	_ =	swait.eq @!p0 [sflag:s6], $0x1  }
0xb2: {  	s5 =	sor.u32 @!p0 s5, s7;
	[sflag:s6] =	ssyncadd.s32 @!p0 $0xFFFFFFFF  }
0xb3: {  	s25 =	simm.s32 $0x1B8E;
	s24 =	sld [smem:$0x3FFE];
	[sflag:s5] =	ssyncadd.remote.s32 @!p0 $0x1  }
0xb4: {  	s26 =	simm.s32 $execute0_lowered;
	[smem:$0x3FD2] =	sst s25  }
0xb5: {  	s6 =	sshll.u32 s26, $0x1;
	_ =	strace $0x80000052;
	[dreg:$0x1] =	wrdreg $0xFFFFFFFF  }
0xb6: {  	s28 =	simm.s32 $_size_execute0_lowered;
	s4 =	sadd.s32 s4, s6;
	[dreg:$0x0] =	wrdreg $0x0  }
0xb7: {  	s6 =	sshll.u32 s28, $0x1;
	[dreg:$0x2] =	wrdreg s4  }
0xb8: {  	[dreg:$0x3] =	wrdreg s6  }
0xb9: {  	[dreg:$0x4] =	wrdreg $0xC0  }
0xba: {  	_ =	task [dreg:s22], $0x5FFFF  }
0xbb: {  	[dreg:$0x1] =	wrdreg $0xFFFFFFFF  }
0xbc: {  	[dreg:$0x0] =	wrdreg $0x60  }
0xbd: {  	[dreg:$0x2] =	wrdreg s18  }
0xbe: {  	[dreg:$0x3] =	wrdreg s24  }
0xbf: {  	[dreg:$0x4] =	wrdreg $0x9  }
0xc0: {  	_ =	task.clear_ibuf [dreg:s22], $0x5FFFF;
	_ =	strace $0x90000052  }
0xc1: {  	s29 =	simm.s32 $0x9;
	_ =	strace $0x80000054  }
0xc2: {  	_ =	swait.ge [sflag:s29], $0x1  }
0xc3: {  	[sflag:s29] =	ssyncadd.s32 $0xFFFFFFFF  }
0xc4: {  	_ =	strace $0x90000054  }
0xc5: {  	_ =	sfence  }
0xc6: {  	s30 =	sld [smem:$0x0];
	_ =	sdelay $0x2  }
0xc7: {  	s31 =	sshll.u32 s1, $0xD;
	s1 =	sshrl.u32 s1, $0x2  }
0xc8: {  	s4 =	sand.u32 $0x4000, s31;
	s1 =	sadd.s32 s1, s30  }
0xc9: {  	s0 =	sor.u32 s4, s0;
	s1 =	sshll.u32 s1, $0x11  }
0xca: {  	s0 =	sor.u32 s1, s0  }
0xcb: {  	s0 =	sadd.s32 $0x8F2B, s0  }
0xcc: {  	[sflag:s0] =	ssyncadd.remote.s32 $0x1  }
0xcd: {  	_ =	sfence.sel $0xFFFF  }
0xce: {  	[dreg:$0x0] =	wrdreg $0xFFFFFFFF;
	(pc) =	sbr.abs _section_cstart, $3  }
0xcf: {  	[dreg:$0x1] =	wrdreg $0xFFFFFFFF  }
0xd0: {  	_ =	task.clear_ibuf [dreg:s22], $0x2FFFF;
	_ =	strace $0x9FFFFFFF  }
0xd1: {  	(tm) =	ssettm $0x7FFFFFFF  }
tec
execute0_lowered:
.L_overlay_start_1:
0x0: {  	(tag) =	ssettag $0x1  }
0x1: {  	s2 =	rddreg [dreg:$0x0];
	s0 =	srdreg.scid  }
0x2: {  	s1 =	rddreg [dreg:$0x1];
	s9 =	stileid.u32;
	s3 =	simm.s32 $0x0  }
0x3: {  	s12 =	simm.s32 $0xD;
	s14 =	simm.s32 $0x80;
	s15 =	simm.s32 $0x5000  }
0x4: {  	s16 =	simm.s32 $0x9000;
	s17 =	simm.s32 $0xD000;
	s18 =	simm.s32 $0x11000  }
0x5: {  	s19 =	simm.s32 $0x1;
	s20 =	simm.s32 $0x2;
	s21 =	simm.s32 $0x3  }
0x6: {  	s22 =	simm.s32 $0x4;
	s28 =	simm.s32 $0x9;
	s29 =	simm.s32 $0xA  }
0x7: {  	s30 =	simm.s32 $0xB;
	s0 =	sand.u32 $0x1, s0;
	s6 =	smul.u32 $0x2800, s9  }
0x8: {  	s31 =	simm.s32 $0xC;
	[smem:$0x7FF] =	sst s3;
	s5 =	smul.u32 $0x28000, s0  }
0x9: {  	s4 =	sadd.s32 $0x34C00, s1;
	s9 =	smul.u32 $0x140000, s9;
	s7 =	ssub.s32 $0x2, s0  }
0xa: {  	s0 =	smul.u32 $0x1400000, s0;
	s8 =	sshrl.u32 s7, $0x1;
	s5 =	sadd.s32 s6, s5  }
0xb: {  	_ =	strace $0x80000053;
	s7 =	ssub.s32 s7, s8;
	s6 =	sshrl.u32 s5, $0x3  }
0xc: {  	s0 =	sadd.s32 s9, s0;
	s24 =	smax.u32 s7, $0x1;
	s6 =	sadd.s32 s6, s1  }
0xd: {  	s0 =	sshrl.u32 s0, $0x3;
	[dreg:$0x5] =	wrdreg s24;
	s23 =	sadd.s32 $0x2AC00, s6  }
0xe: {  	s1 =	sadd.s32 $0x33DC00, s1;
	s6 =	sadd.s32 $0x20C00, s6;
	[dreg:$0x3] =	wrdreg s23  }
0xf: {  	s5 =	sshll.u32 s5, $0x4;
	s0 =	sadd.s32 s0, s1;
	[dreg:$0x4] =	wrdreg s6  }
0x10: {  	s24 =	simm.s32 $0x6;
	s5 =	sadd.s32 s5, s1;
	[dreg:$0x6] =	wrdreg s0  }
0x11: {  	s25 =	sadd.s32 $0x1000, s5;
	s26 =	sadd.s32 $0x800, s5;
	s11 =	sadd.s32 $0x1800, s5  }
0x12: {  	s23 =	simm.s32 $0x5;
	s0 =	simm.s32 $0x0;
	[dreg:$0x7] =	wrdreg s25  }
0x13: {  	[dreg:$0x8] =	wrdreg s26;
	s25 =	simm.s32 $0x7;
	s26 =	simm.s32 $0x8  }
.LBB2_1:
0x14: {  	s1 =	rddreg [dreg:$0x3]  }
0x15: {  	[tilespmem:s3], [sflag:$0xD] =	stream.linear.gather [hbm4b:s1+s3], $0x2800, $0x38;
	[tilespmem:$0x15000] =	vst v63  }
0x16: {  	_ =	swait.ge [sflag:s12], $0x2800  }
0x17: {  	[sflag:s12] =	ssyncset.done $0x0  }
0x18: {  	s5 =	simm.s32 $0x2800;
	s8 =	rddreg [dreg:$0x4];
	[sflag:s12] =	ssyncadd.s32 $0xFFFFD800  }
0x19: {  	[tilespmem:s5], [sflag:$0xD] =	stream.linear.gather [hbm4b:s8+s3], $0x2800, $0x38;
	[tilespmem:$0x15000] =	vst v63  }
0x1a: {  	_ =	swait.ge [sflag:s12], $0x2800  }
0x1b: {  	[sflag:s12] =	ssyncset.done $0x0  }
0x1c: {  	s9 =	simm.s32 $0x0;
	[sflag:s12] =	ssyncadd.s32 $0xFFFFD800  }
0x1d: {  	[tilespmem:s15], [sflag:$0x1] =	stream.indirect.gather [hbm4b:s2+s14], $0x80, s9, s14, $0xb8;
	[tilespmem:$0x15000] =	vst v63  }
0x1e: {  	s10 =	simm.s32 $0x80  }
0x1f: {  	[tilespmem:s16], [sflag:$0x2] =	stream.indirect.gather [hbm4b:s2+s14], $0x80, s10, s14, $0xb8;
	[tilespmem:$0x15000] =	vst v63  }
0x20: {  	s13 =	simm.s32 $0x100  }
0x21: {  	[tilespmem:s17], [sflag:$0x3] =	stream.indirect.gather [hbm4b:s2+s14], $0x80, s13, s14, $0xb8;
	[tilespmem:$0x15000] =	vst v63  }
0x22: {  	s5 =	simm.s32 $0x180  }
0x23: {  	[tilespmem:s18], [sflag:$0x4] =	stream.indirect.gather [hbm4b:s2+s14], $0x80, s5, s14, $0xb8;
	[tilespmem:$0x15000] =	vst v63  }
0x24: {  	_ =	swait.ge [sflag:s19], $0x4000  }
0x25: {  	[sflag:s19] =	ssyncset.done $0x0  }
0x26: {  	s6 =	simm.s32 $0x2800;
	[sflag:s19] =	ssyncadd.s32 $0xFFFFC000  }
0x27: {  	[tilespmem:s15], [sflag:$0x5] =	stream.indirect.gather.add.f32 [hbm:s4], $0x80, s6, s14, $0xb8;
	[tilespmem:$0x15000] =	vst v63  }
0x28: {  	_ =	swait.ge [sflag:s20], $0x4000  }
0x29: {  	[sflag:s20] =	ssyncset.done $0x0  }
0x2a: {  	s7 =	simm.s32 $0x2880;
	[sflag:s20] =	ssyncadd.s32 $0xFFFFC000  }
0x2b: {  	[tilespmem:s16], [sflag:$0x6] =	stream.indirect.gather.add.f32 [hbm:s4], $0x80, s7, s14, $0xb8;
	[tilespmem:$0x15000] =	vst v63  }
0x2c: {  	_ =	swait.ge [sflag:s21], $0x4000  }
0x2d: {  	[sflag:s21] =	ssyncset.done $0x0  }
0x2e: {  	s8 =	simm.s32 $0x2900;
	[sflag:s21] =	ssyncadd.s32 $0xFFFFC000  }
0x2f: {  	[tilespmem:s17], [sflag:$0x7] =	stream.indirect.gather.add.f32 [hbm:s4], $0x80, s8, s14, $0xb8;
	[tilespmem:$0x15000] =	vst v63  }
0x30: {  	_ =	swait.ge [sflag:s22], $0x4000  }
0x31: {  	[sflag:s22] =	ssyncset.done $0x0  }
0x32: {  	s9 =	simm.s32 $0x2980;
	[sflag:s22] =	ssyncadd.s32 $0xFFFFC000  }
0x33: {  	[tilespmem:s18], [sflag:$0x8] =	stream.indirect.gather.add.f32 [hbm:s4], $0x80, s9, s14, $0xb8;
	[tilespmem:$0x15000] =	vst v63  }
0x34: {  	_ =	swait.ge [sflag:s23], $0x4000  }
0x35: {  	[sflag:s23] =	ssyncset.done $0x0  }
0x36: {  	s10 =	rddreg [dreg:$0x6];
	[sflag:s23] =	ssyncadd.s32 $0xFFFFC000  }
0x37: {  	[hbm4b:s10+s3] =	stream.linear.scatter [tilespmem:s15], [sflag:$0x9], $0x4000, $0x38;
	[tilespmem:$0x15000] =	vst v63  }
0x38: {  	_ =	swait.ge [sflag:s24], $0x4000  }
0x39: {  	[sflag:s24] =	ssyncset.done $0x0  }
0x3a: {  	s13 =	rddreg [dreg:$0x8];
	[sflag:s24] =	ssyncadd.s32 $0xFFFFC000  }
0x3b: {  	[hbm4b:s13+s3] =	stream.linear.scatter [tilespmem:s16], [sflag:$0xA], $0x4000, $0x38;
	[tilespmem:$0x15000] =	vst v63  }
0x3c: {  	_ =	swait.ge [sflag:s25], $0x4000  }
0x3d: {  	[sflag:s25] =	ssyncset.done $0x0  }
0x3e: {  	s9 =	rddreg [dreg:$0x7];
	[sflag:s25] =	ssyncadd.s32 $0xFFFFC000  }
0x3f: {  	[hbm4b:s9+s3] =	stream.linear.scatter [tilespmem:s17], [sflag:$0xB], $0x4000, $0x38;
	[tilespmem:$0x15000] =	vst v63  }
0x40: {  	_ =	swait.ge [sflag:s26], $0x4000  }
0x41: {  	[sflag:s26] =	ssyncset.done $0x0  }
0x42: {  	[sflag:s26] =	ssyncadd.s32 $0xFFFFC000  }
0x43: {  	[hbm4b:s11+s3] =	stream.linear.scatter [tilespmem:s18], [sflag:$0xC], $0x4000, $0x38;
	[tilespmem:$0x15000] =	vst v63  }
0x44: {  	_ =	swait.ge [sflag:s28], $0x4000  }
0x45: {  	[sflag:s28] =	ssyncset.done $0x0  }
0x46: {  	[sflag:s28] =	ssyncadd.s32 $0xFFFFC000  }
0x47: {  	_ =	swait.ge [sflag:s29], $0x4000  }
0x48: {  	[sflag:s29] =	ssyncset.done $0x0  }
0x49: {  	[sflag:s29] =	ssyncadd.s32 $0xFFFFC000  }
0x4a: {  	_ =	swait.ge [sflag:s30], $0x4000  }
0x4b: {  	[sflag:s30] =	ssyncset.done $0x0  }
0x4c: {  	s1 =	sadd.s32 $0x2000, s11;
	s7 =	simm.s32 $0x800;
	[sflag:s30] =	ssyncadd.s32 $0xFFFFC000  }
0x4d: {  	s8 =	simm.s32 $0x1000;
	s6 =	sadd.s32 $0x2000, s10;
	_ =	swait.ge [sflag:s31], $0x4000  }
0x4e: {  	s13 =	sadd.s32 $0x2000, s13;
	s5 =	sadd.s32 $0x2000, s9;
	[sflag:s31] =	ssyncset.done $0x0  }
.LBB2_2:
0x4f: {  	s10 =	sshra.s32 s7, $0x2  }
0x50: {  	[sflag:s31] =	ssyncadd.s32 $0xFFFFC000;
	s7 =	smov.u32 s8;
	s9 =	sadd.s32 $0x800, s8  }
0x51: {  	[tilespmem:s15], [sflag:$0x1] =	stream.indirect.gather [hbm4b:s2+s14], $0x80, s10, s14, $0xb8;
	[tilespmem:$0x15000] =	vst v63  }
0x52: {  	p0 =	sne.s32 s8, $0x9800;
	s8 =	sadd.s32 $0x80, s10  }
0x53: {  	[tilespmem:s16], [sflag:$0x2] =	stream.indirect.gather [hbm4b:s2+s14], $0x80, s8, s14, $0xb8;
	[tilespmem:$0x15000] =	vst v63  }
0x54: {  	s8 =	sadd.s32 $0x100, s10  }
0x55: {  	[tilespmem:s17], [sflag:$0x3] =	stream.indirect.gather [hbm4b:s2+s14], $0x80, s8, s14, $0xb8;
	[tilespmem:$0x15000] =	vst v63  }
0x56: {  	s8 =	sadd.s32 $0x180, s10  }
0x57: {  	[tilespmem:s18], [sflag:$0x4] =	stream.indirect.gather [hbm4b:s2+s14], $0x80, s8, s14, $0xb8;
	[tilespmem:$0x15000] =	vst v63  }
0x58: {  	_ =	swait.ge [sflag:s19], $0x4000  }
0x59: {  	[sflag:s19] =	ssyncset.done $0x0  }
0x5a: {  	s8 =	sadd.s32 $0x2800, s10;
	[sflag:s19] =	ssyncadd.s32 $0xFFFFC000  }
0x5b: {  	[tilespmem:s15], [sflag:$0x5] =	stream.indirect.gather.add.f32 [hbm:s4], $0x80, s8, s14, $0xb8;
	[tilespmem:$0x15000] =	vst v63  }
0x5c: {  	_ =	swait.ge [sflag:s20], $0x4000  }
0x5d: {  	[sflag:s20] =	ssyncset.done $0x0  }
0x5e: {  	s8 =	sadd.s32 $0x2880, s10;
	[sflag:s20] =	ssyncadd.s32 $0xFFFFC000  }
0x5f: {  	[tilespmem:s16], [sflag:$0x6] =	stream.indirect.gather.add.f32 [hbm:s4], $0x80, s8, s14, $0xb8;
	[tilespmem:$0x15000] =	vst v63  }
0x60: {  	_ =	swait.ge [sflag:s21], $0x4000  }
0x61: {  	[sflag:s21] =	ssyncset.done $0x0  }
0x62: {  	s8 =	sadd.s32 $0x2900, s10;
	[sflag:s21] =	ssyncadd.s32 $0xFFFFC000  }
0x63: {  	[tilespmem:s17], [sflag:$0x7] =	stream.indirect.gather.add.f32 [hbm:s4], $0x80, s8, s14, $0xb8;
	[tilespmem:$0x15000] =	vst v63  }
0x64: {  	_ =	swait.ge [sflag:s22], $0x4000  }
0x65: {  	[sflag:s22] =	ssyncset.done $0x0  }
0x66: {  	s8 =	sadd.s32 $0x2980, s10;
	[sflag:s22] =	ssyncadd.s32 $0xFFFFC000  }
0x67: {  	[tilespmem:s18], [sflag:$0x8] =	stream.indirect.gather.add.f32 [hbm:s4], $0x80, s8, s14, $0xb8;
	[tilespmem:$0x15000] =	vst v63  }
0x68: {  	_ =	swait.ge [sflag:s23], $0x4000  }
0x69: {  	[sflag:s23] =	ssyncset.done $0x0  }
0x6a: {  	[sflag:s23] =	ssyncadd.s32 $0xFFFFC000  }
0x6b: {  	[hbm4b:s6+s3] =	stream.linear.scatter [tilespmem:s15], [sflag:$0x9], $0x4000, $0x38;
	[tilespmem:$0x15000] =	vst v63  }
0x6c: {  	_ =	swait.ge [sflag:s24], $0x4000  }
0x6d: {  	[sflag:s24] =	ssyncset.done $0x0  }
0x6e: {  	[sflag:s24] =	ssyncadd.s32 $0xFFFFC000  }
0x6f: {  	[hbm4b:s13+s3] =	stream.linear.scatter [tilespmem:s16], [sflag:$0xA], $0x4000, $0x38;
	[tilespmem:$0x15000] =	vst v63  }
0x70: {  	_ =	swait.ge [sflag:s25], $0x4000  }
0x71: {  	[sflag:s25] =	ssyncset.done $0x0  }
0x72: {  	[sflag:s25] =	ssyncadd.s32 $0xFFFFC000  }
0x73: {  	[hbm4b:s5+s3] =	stream.linear.scatter [tilespmem:s17], [sflag:$0xB], $0x4000, $0x38;
	[tilespmem:$0x15000] =	vst v63  }
0x74: {  	_ =	swait.ge [sflag:s26], $0x4000  }
0x75: {  	[sflag:s26] =	ssyncset.done $0x0  }
0x76: {  	[sflag:s26] =	ssyncadd.s32 $0xFFFFC000  }
0x77: {  	[hbm4b:s1+s3] =	stream.linear.scatter [tilespmem:s18], [sflag:$0xC], $0x4000, $0x38;
	[tilespmem:$0x15000] =	vst v63  }
0x78: {  	_ =	swait.ge [sflag:s28], $0x4000  }
0x79: {  	[sflag:s28] =	ssyncset.done $0x0  }
0x7a: {  	[sflag:s28] =	ssyncadd.s32 $0xFFFFC000  }
0x7b: {  	_ =	swait.ge [sflag:s29], $0x4000  }
0x7c: {  	[sflag:s29] =	ssyncset.done $0x0  }
0x7d: {  	[sflag:s29] =	ssyncadd.s32 $0xFFFFC000  }
.Ltmp0:
0x7e: {  	_ =	swait.ge [sflag:s30], $0x4000;
	(pc) =	sbr.rel @p0 .LBB2_2-.Ltmp0, $4  }
0x7f: {  	[sflag:s30] =	ssyncset.done $0x0  }
0x80: {  	s8 =	smov.u32 s9;
	[sflag:s30] =	ssyncadd.s32 $0xFFFFC000  }
0x81: {  	s13 =	sadd.s32 $0x2000, s13;
	s1 =	sadd.s32 $0x2000, s1;
	_ =	swait.ge [sflag:s31], $0x4000  }
0x82: {  	s6 =	sadd.s32 $0x2000, s6;
	s5 =	sadd.s32 $0x2000, s5;
	[sflag:s31] =	ssyncset.done $0x0  }
0x83: {  	s7 =	sshra.s32 s7, $0x2;
	[sflag:s31] =	ssyncadd.s32 $0xFFFFC000  }
0x84: {  	[tilespmem:s15], [sflag:$0x1] =	stream.indirect.gather [hbm4b:s2+s14], $0x80, s7, s14, $0xb8;
	[tilespmem:$0x15000] =	vst v63  }
0x85: {  	s8 =	sadd.s32 $0x80, s7  }
0x86: {  	[tilespmem:s16], [sflag:$0x2] =	stream.indirect.gather [hbm4b:s2+s14], $0x80, s8, s14, $0xb8;
	[tilespmem:$0x15000] =	vst v63  }
0x87: {  	s10 =	sadd.s32 $0x100, s7  }
0x88: {  	[tilespmem:s17], [sflag:$0x3] =	stream.indirect.gather [hbm4b:s2+s14], $0x80, s10, s14, $0xb8;
	[tilespmem:$0x15000] =	vst v63  }
0x89: {  	s9 =	sadd.s32 $0x180, s7  }
0x8a: {  	[tilespmem:s18], [sflag:$0x4] =	stream.indirect.gather [hbm4b:s2+s14], $0x80, s9, s14, $0xb8;
	[tilespmem:$0x15000] =	vst v63  }
0x8b: {  	_ =	swait.ge [sflag:s19], $0x4000  }
0x8c: {  	[sflag:s19] =	ssyncset.done $0x0  }
0x8d: {  	s10 =	sadd.s32 $0x2800, s7;
	[sflag:s19] =	ssyncadd.s32 $0xFFFFC000  }
0x8e: {  	[tilespmem:s15], [sflag:$0x5] =	stream.indirect.gather.add.f32 [hbm:s4], $0x80, s10, s14, $0xb8;
	[tilespmem:$0x15000] =	vst v63  }
0x8f: {  	_ =	swait.ge [sflag:s20], $0x4000  }
0x90: {  	[sflag:s20] =	ssyncset.done $0x0  }
0x91: {  	s9 =	sadd.s32 $0x2880, s7;
	[sflag:s20] =	ssyncadd.s32 $0xFFFFC000  }
0x92: {  	[tilespmem:s16], [sflag:$0x6] =	stream.indirect.gather.add.f32 [hbm:s4], $0x80, s9, s14, $0xb8;
	[tilespmem:$0x15000] =	vst v63  }
0x93: {  	_ =	swait.ge [sflag:s21], $0x4000  }
0x94: {  	[sflag:s21] =	ssyncset.done $0x0  }
0x95: {  	s10 =	sadd.s32 $0x2900, s7;
	[sflag:s21] =	ssyncadd.s32 $0xFFFFC000  }
0x96: {  	[tilespmem:s17], [sflag:$0x7] =	stream.indirect.gather.add.f32 [hbm:s4], $0x80, s10, s14, $0xb8;
	[tilespmem:$0x15000] =	vst v63  }
0x97: {  	_ =	swait.ge [sflag:s22], $0x4000  }
0x98: {  	[sflag:s22] =	ssyncset.done $0x0  }
0x99: {  	s7 =	sadd.s32 $0x2980, s7;
	[sflag:s22] =	ssyncadd.s32 $0xFFFFC000  }
0x9a: {  	[tilespmem:s18], [sflag:$0x8] =	stream.indirect.gather.add.f32 [hbm:s4], $0x80, s7, s14, $0xb8;
	[tilespmem:$0x15000] =	vst v63  }
0x9b: {  	_ =	swait.ge [sflag:s23], $0x4000  }
0x9c: {  	[sflag:s23] =	ssyncset.done $0x0  }
0x9d: {  	[sflag:s23] =	ssyncadd.s32 $0xFFFFC000  }
0x9e: {  	[hbm4b:s6+s3] =	stream.linear.scatter [tilespmem:s15], [sflag:$0x9], $0x4000, $0x38;
	[tilespmem:$0x15000] =	vst v63  }
0x9f: {  	_ =	swait.ge [sflag:s24], $0x4000  }
0xa0: {  	[sflag:s24] =	ssyncset.done $0x0  }
0xa1: {  	[sflag:s24] =	ssyncadd.s32 $0xFFFFC000  }
0xa2: {  	[hbm4b:s13+s3] =	stream.linear.scatter [tilespmem:s16], [sflag:$0xA], $0x4000, $0x38;
	[tilespmem:$0x15000] =	vst v63  }
0xa3: {  	_ =	swait.ge [sflag:s25], $0x4000  }
0xa4: {  	[sflag:s25] =	ssyncset.done $0x0  }
0xa5: {  	[sflag:s25] =	ssyncadd.s32 $0xFFFFC000  }
0xa6: {  	[hbm4b:s5+s3] =	stream.linear.scatter [tilespmem:s17], [sflag:$0xB], $0x4000, $0x38;
	[tilespmem:$0x15000] =	vst v63  }
0xa7: {  	_ =	swait.ge [sflag:s26], $0x4000  }
0xa8: {  	[sflag:s26] =	ssyncset.done $0x0  }
0xa9: {  	[sflag:s26] =	ssyncadd.s32 $0xFFFFC000  }
0xaa: {  	[hbm4b:s1+s3] =	stream.linear.scatter [tilespmem:s18], [sflag:$0xC], $0x4000, $0x38;
	[tilespmem:$0x15000] =	vst v63  }
0xab: {  	_ =	swait.ge [sflag:s28], $0x4000  }
0xac: {  	[sflag:s28] =	ssyncset.done $0x0  }
0xad: {  	[sflag:s28] =	ssyncadd.s32 $0xFFFFC000  }
0xae: {  	_ =	swait.ge [sflag:s29], $0x4000  }
0xaf: {  	[sflag:s29] =	ssyncset.done $0x0  }
0xb0: {  	[sflag:s29] =	ssyncadd.s32 $0xFFFFC000  }
0xb1: {  	_ =	swait.ge [sflag:s30], $0x4000  }
0xb2: {  	[sflag:s30] =	ssyncset.done $0x0  }
0xb3: {  	[sflag:s30] =	ssyncadd.s32 $0xFFFFC000  }
0xb4: {  	_ =	swait.ge [sflag:s31], $0x4000  }
0xb5: {  	s0 =	sadd.s32 $0x1, s0;
	s13 =	rddreg [dreg:$0x5]  }
0xb6: {  	p0 =	sne.s32 s0, s13  }
.Ltmp1:
0xb7: {  	_ = 	snop;
	(pc) =	sbr.rel @p0 .LBB2_1-.Ltmp1, $3  }
0xb8: {  	_ =	sdelay $0x1  }
0xb9: {  	[sflag:s31] =	ssyncset.done $0x0  }
0xba: {  	[sflag:s31] =	ssyncadd.s32 $0xFFFFC000  }
0xbb: {  	_ =	sfence.sel $0x180000  }
0xbc: {  	[bflag:$0x0] =	sbarrier.arrive $0xFFFF  }
0xbd: {  	_ =	strace $0x90000053  }
0xbe: {  	s0 =	stileid.u32;
	[bflag:$0x2] =	sbarrier.arrive $0xFFFF  }
0xbf: {  	p0 =	sne.s32 s0, $0x0;
	s0 =	rddreg [dreg:$0x2]  }
0xc0: {  	s0 =	sadd.s32 @!p0 $0x100000, s0  }
0xc1: {  	[sflag:s0] =	ssyncadd.tile.s32 @!p0 $0x1;
	_ =	shalt  }
.Lfunc_end2:
_tile_overlayer_lowered:
.L_overlay_start_2:
0xc2: {  	(tag) =	ssettag $0x2  }
0xc3: {  	s0 =	rddreg [dreg:$0x0];
	s2 =	stileid.u32  }
0xc4: {  	s1 =	rddreg [dreg:$0x1];
	p0 =	sne.s32 s2, $0x0  }
0xc5: {  	s3 =	rddreg [dreg:$0x2];
	[bflag:$0x3] =	sbarrier.arrive $0xFFFF;
	s2 =	simm.s32 @!p0 $0x1C0D  }
0xc6: {  	[timem:s3], [sflag:s2] =	dma.local @!p0 [hbm:s0], s1  }
0xc7: {  	s0 =	simm.s32 @!p0 $0xD  }
0xc8: {  	_ =	swait.ge @!p0 [sflag:s0], s1  }
0xc9: {  	s1 =	ssub.s32 @!p0 $0x0, s1;
	[sflag:s0] =	ssyncset.done @!p0 $0x0  }
0xca: {  	[sflag:s0] =	ssyncadd.s32 @!p0 s1  }
0xcb: {  	[bflag:$0x3] =	sbarrier.arrive $0xFFFF  }
0xcc: {  	_ =	shalt  }

// kernel: kernel.18.cloned.1.call-start
scs
__scs_entry_jumppad:
0x0: {  	(pc) =	sbr.rel $0x88, $3  }
0x1: {  	(tag) =	ssettag $0x0;
	lr =	simm.s32 $0x1  }
0x2: {  	[smem:$0x3F95] =	sst lr;
	_ =	strace $0xD0000000  }
0x3: {  	_ = 	snop  }
0x4: {  	_ = 	snop  }
0x5: {  	_ = 	snop  }
0x6: {  	_ = 	snop  }
0x7: {  	_ = 	snop  }
__scs_overlays_trampoline_lowered:
0x8: {  	[smem:$0x3FA4] =	sst s0  }
0x9: {  	[smem:$0x3FA5] =	sst s1  }
0xa: {  	[smem:$0x3FA6] =	sst s2  }
0xb: {  	[smem:$0x3FA7] =	sst s3  }
0xc: {  	[smem:$0x3FA8] =	sst s4  }
0xd: {  	[smem:$0x3FA9] =	sst s5  }
0xe: {  	[smem:$0x3FAA] =	sst s6  }
0xf: {  	[smem:$0x3FAB] =	sst s7  }
0x10: {  	[smem:$0x3FAC] =	sst s8  }
0x11: {  	[smem:$0x3FAD] =	sst s9;
	s0 =	simm.s32 @!p0 $0x0  }
0x12: {  	s1 =	sld [smem:$0x3F93];
	s0 =	simm.s32 @p0 $0x1  }
0x13: {  	[smem:$0x3FAE] =	sst s0;
	s0 =	simm.s32 @!p1 $0x0  }
0x14: {  	s2 =	sld [smem:$0x3F92];
	s0 =	simm.s32 @p1 $0x1  }
0x15: {  	[smem:$0x3FAF] =	sst s0;
	s0 =	simm.s32 @!p2 $0x0  }
0x16: {  	s3 =	sld [smem:$0x3FDB];
	s0 =	simm.s32 @p2 $0x1  }
0x17: {  	s4 =	simm.s32 $0x1BF5;
	[smem:$0x3FB1] =	sst s0  }
0x18: {  	s0 =	sld [smem:$0x3F94];
	_ =	swait.ge [sflag:s4], $0x0  }
0x19: {  	s7 =	sld [smem:$0x3F95]  }
0x1a: {  	s8 =	sadd.s32 $0xFFFFE003, lr  }
0x1b: {  	s9 =	sadd.s32 $0xFFFFFEF7, lr;
	s5 =	simm.s32 $0xFFFFFFFF;
	p2 =	slt.u32 s8, $0xFFFFF086  }
0x1c: {  	p1 =	slt.u32 s9, $0xF7A;
	s5 =	simm.s32 @!p2 $0x0  }
0x1d: {  	s5 =	simm.s32 @p1 $0x1;
	p0 =	seq.s32 s7, s2  }
0x1e: {  	s7 =	smul.u32 @!p0 $0xF7A, s2;
	p2 =	seq.s32 @!p0 s5, $0x0  }
0x1f: {  	s9 =	smul.u32 $0xF7A, s1;
	s8 =	simm.s32 @!p0 $0x1BF5;
	p2 =	por !p2, p0  }
0x20: {  	[sflag:s8] =	ssyncset.s32 @!p0 $0xFFFFF086;
	s6 =	sadd.s32 @!p0 s3, s7;
	s7 =	simm.s32 @!p0 $0x108  }
0x21: {  	s3 =	sadd.s32 s3, s9;
	s6 =	sadd.s32 @!p0 $0x88, s6;
	s7 =	simm.s32 @p2 $0x1082  }
0x22: {  	[simem:s7], [sflag:s8] =	dma.local @!p0 [hbm:s6], $0xF7A  }
0x23: {  	s9 =	sor.u32 $0xD0000000, s2;
	s6 =	simm.s32 $0x108;
	_ =	swait.ge @!p0 [sflag:s8], $0x0  }
0x24: {  	s3 =	sadd.s32 $0x88, s3;
	s6 =	simm.s32 @!p1 $0x1082;
	[sflag:s4] =	ssyncset.s32 $0xFFFFF086  }
0x25: {  	[simem:s6], [sflag:s4] =	dma.local [hbm:s3], $0xF7A  }
0x26: {  	[smem:$0x3F95] =	sst s1;
	(tag) =	ssettag s2;
	_ =	strace s9  }
0x27: {  	s1 =	sld [smem:$0x3FA5]  }
0x28: {  	s2 =	sld [smem:$0x3FA6]  }
0x29: {  	s4 =	sld [smem:$0x3FA8]  }
0x2a: {  	p0 =	seq.s32 s5, $0x0;
	s5 =	sld [smem:$0x3FA9]  }
0x2b: {  	s6 =	sld [smem:$0x3FAA]  }
0x2c: {  	s7 =	sld [smem:$0x3FAB]  }
0x2d: {  	s3 =	simm.s32 $0x108;
	s8 =	sld [smem:$0x3FAC]  }
0x2e: {  	s3 =	simm.s32 @!p0 $0x1082;
	s9 =	sld [smem:$0x3FAD]  }
0x2f: {  	lr =	sadd.s32 s0, s3;
	s0 =	sld [smem:$0x3FA4]  }
0x30: {  	s3 =	sld [smem:$0x3FA7]  }
0x31: {  	[smem:$0x3FB0] =	sst s10  }
0x32: {  	s10 =	sld [smem:$0x3FAE];
	_ =	sdelay $0x3  }
0x33: {  	p0 =	seq.s32 s10, $0x1;
	s10 =	sld [smem:$0x3FB0];
	_ =	sdelay $0x3  }
0x34: {  	[smem:$0x3FB0] =	sst s10  }
0x35: {  	s10 =	sld [smem:$0x3FAF];
	_ =	sdelay $0x3  }
0x36: {  	p1 =	seq.s32 s10, $0x1;
	s10 =	sld [smem:$0x3FB0];
	_ =	sdelay $0x3  }
0x37: {  	[smem:$0x3FB0] =	sst s10  }
0x38: {  	s10 =	sld [smem:$0x3FB1]  }
0x39: {  	_ = 	snop;
	(pc) =	sbr.ind lr, $3  }
0x3a: {  	_ = 	snop  }
0x3b: {  	_ = 	snop  }
0x3c: {  	p2 =	seq.s32 s10, $0x1;
	s10 =	sld [smem:$0x3FB0]  }
0x3d: {  	_ =	shalt  }
0x3e: {  	_ =	shalt  }
0x3f: {  	_ =	shalt  }
0x40: {  	_ =	shalt  }
0x41: {  	_ =	shalt  }
0x42: {  	_ =	shalt  }
0x43: {  	_ =	shalt  }
0x44: {  	_ =	shalt  }
0x45: {  	_ =	shalt  }
0x46: {  	_ =	shalt  }
0x47: {  	_ =	shalt  }
0x48: {  	_ =	shalt  }
0x49: {  	_ =	shalt  }
0x4a: {  	_ =	shalt  }
0x4b: {  	_ =	shalt  }
0x4c: {  	_ =	shalt  }
0x4d: {  	_ =	shalt  }
0x4e: {  	_ =	shalt  }
0x4f: {  	_ =	shalt  }
0x50: {  	_ =	shalt  }
0x51: {  	_ =	shalt  }
0x52: {  	_ =	shalt  }
0x53: {  	_ =	shalt  }
0x54: {  	_ =	shalt  }
0x55: {  	_ =	shalt  }
0x56: {  	_ =	shalt  }
0x57: {  	_ =	shalt  }
0x58: {  	_ =	shalt  }
0x59: {  	_ =	shalt  }
0x5a: {  	_ =	shalt  }
0x5b: {  	_ =	shalt  }
0x5c: {  	_ =	shalt  }
0x5d: {  	_ =	shalt  }
0x5e: {  	_ =	shalt  }
0x5f: {  	_ =	shalt  }
0x60: {  	_ =	shalt  }
0x61: {  	_ =	shalt  }
0x62: {  	_ =	shalt  }
0x63: {  	_ =	shalt  }
0x64: {  	_ =	shalt  }
0x65: {  	_ =	shalt  }
0x66: {  	_ =	shalt  }
0x67: {  	_ =	shalt  }
0x68: {  	_ =	shalt  }
0x69: {  	_ =	shalt  }
0x6a: {  	_ =	shalt  }
0x6b: {  	_ =	shalt  }
0x6c: {  	_ =	shalt  }
0x6d: {  	_ =	shalt  }
0x6e: {  	_ =	shalt  }
0x6f: {  	_ =	shalt  }
0x70: {  	_ =	shalt  }
0x71: {  	_ =	shalt  }
0x72: {  	_ =	shalt  }
0x73: {  	_ =	shalt  }
0x74: {  	_ =	shalt  }
0x75: {  	_ =	shalt  }
0x76: {  	_ =	shalt  }
0x77: {  	_ =	shalt  }
0x78: {  	_ =	shalt  }
0x79: {  	_ =	shalt  }
0x7a: {  	_ =	shalt  }
0x7b: {  	_ =	shalt  }
0x7c: {  	_ =	shalt  }
0x7d: {  	_ =	shalt  }
0x7e: {  	_ =	shalt  }
0x7f: {  	_ =	shalt  }
0x80: {  	_ =	shalt  }
0x81: {  	_ =	shalt  }
0x82: {  	_ =	shalt  }
0x83: {  	_ =	shalt  }
0x84: {  	_ =	shalt  }
0x85: {  	_ =	shalt  }
0x86: {  	_ =	shalt  }
0x87: {  	_ =	shalt  }
.Lfunc_end0:
.L_simem_size_0:
called_computation.2_lowered:
.L_overlay_start_0:
0x88: {  	s2 =	sld [smem:$0x3FD9]  }
0x89: {  	s3 =	sld [smem:$0x3FFE];
	_ =	sdelay $0x1  }
0x8a: {  	s1 =	srdreg.scid  }
0x8b: {  	s0 =	sand.u32 $0x1, s1  }
0x8c: {  	s16 =	sshll.u32 s0, $0xA;
	s2 =	sadd.s32 s3, s2  }
0x8d: {  	s2 =	sadd.s32 s2, s16  }
0x8e: {  	[smem:$0x3FBC] =	sst s2  }
0x8f: {  	_ = 	snop  }
0x90: {  	(tm) =	ssettm $0x1  }
0x91: {  	s17 =	sld [smem:$0x3FFB];
	_ =	sdelay $0x3  }
0x92: {  	_ =	strace s17  }
0x93: {  	s2 =	sld [smem:$0x3FFC];
	_ =	sdelay $0x3  }
0x94: {  	_ =	strace s2  }
0x95: {  	s2 =	sld [smem:$0x3FFD];
	_ =	sdelay $0x3  }
0x96: {  	_ =	strace s2  }
0x97: {  	_ =	strace $0x8FFFFFFF  }
0x98: {  	s18 =	sld [smem:$0x3FDB];
	_ =	sdelay $0x1  }
0x99: {  	s19 =	simm.s32 $_scs_section_size  }
0x9a: {  	s4 =	simm.s32 $_size__tile_overlayer_lowered;
	s5 =	simm.s32 $_tile_overlayer_lowered  }
0x9b: {  	s22 =	simm.s32 $0x1BFF;
	s21 =	sshll.u32 s5, $0x1;
	s2 =	sadd.s32 s19, s18  }
0x9c: {  	s6 =	simm.s32 $0x0;
	s20 =	sshll.u32 s4, $0x1;
	s4 =	sadd.s32 s21, s2  }
0x9d: {  	[timem:s6], [sflag:s22] =	dma.local [hbm:s4], s20  }
0x9e: {  	_ =	swait.ge [sflag:s22], s20  }
0x9f: {  	s3 =	ssub.s32 $0x0, s20;
	[sflag:s22] =	ssyncset.done $0x0  }
0xa0: {  	[sflag:s22] =	ssyncadd.s32 s3;
	_ =	sdelay $0x1  }
0xa1: {  	s23 =	simm.s32 $0x1B8B  }
0xa2: {  	_ =	swait.ge [sflag:s23], $0x1  }
0xa3: {  	[sflag:s23] =	ssyncset.done $0x0  }
0xa4: {  	s25 =	simm.s32 $0x1B8E;
	s24 =	sld [smem:$0x3FFE];
	[sflag:s23] =	ssyncadd.s32 $0xFFFFFFFF  }
0xa5: {  	s26 =	simm.s32 $execute0_lowered;
	[smem:$0x3FD2] =	sst s25  }
0xa6: {  	s4 =	sshll.u32 s26, $0x1;
	_ =	strace $0x80000049;
	[dreg:$0x1] =	wrdreg $0xFFFFFFFF  }
0xa7: {  	s28 =	simm.s32 $_size_execute0_lowered;
	s2 =	sadd.s32 s2, s4;
	[dreg:$0x0] =	wrdreg $0x0  }
0xa8: {  	s4 =	sshll.u32 s28, $0x1;
	[dreg:$0x2] =	wrdreg s2  }
0xa9: {  	[dreg:$0x3] =	wrdreg s4  }
0xaa: {  	[dreg:$0x4] =	wrdreg $0xC0  }
0xab: {  	_ =	task [dreg:s6], $0x5FFFF  }
0xac: {  	[dreg:$0x1] =	wrdreg $0xFFFFFFFF  }
0xad: {  	[dreg:$0x0] =	wrdreg $0x60  }
0xae: {  	[dreg:$0x2] =	wrdreg s24  }
0xaf: {  	[dreg:$0x3] =	wrdreg $0x90000  }
0xb0: {  	[dreg:$0x4] =	wrdreg $0x9  }
0xb1: {  	_ =	task.clear_ibuf [dreg:s6], $0x5FFFF;
	_ =	strace $0x90000049  }
0xb2: {  	s29 =	simm.s32 $0x9;
	_ =	strace $0x8000004B  }
0xb3: {  	_ =	swait.ge [sflag:s29], $0x1  }
0xb4: {  	[sflag:s29] =	ssyncadd.s32 $0xFFFFFFFF  }
0xb5: {  	_ =	strace $0x9000004B  }
0xb6: {  	_ =	sfence  }
0xb7: {  	s30 =	sld [smem:$0x0];
	_ =	sdelay $0x2  }
0xb8: {  	s31 =	sshll.u32 s1, $0xD;
	s1 =	sshrl.u32 s1, $0x2  }
0xb9: {  	s3 =	sand.u32 $0x4000, s31;
	s1 =	sadd.s32 s1, s30  }
0xba: {  	s0 =	sor.u32 s3, s0;
	s1 =	sshll.u32 s1, $0x11  }
0xbb: {  	s0 =	sor.u32 s1, s0  }
0xbc: {  	s0 =	sadd.s32 $0x8F2B, s0  }
0xbd: {  	[sflag:s0] =	ssyncadd.remote.s32 $0x1  }
0xbe: {  	_ =	sfence.sel $0xFFFF  }
0xbf: {  	[dreg:$0x0] =	wrdreg $0xFFFFFFFF;
	(pc) =	sbr.abs _section_cstart, $3  }
0xc0: {  	[dreg:$0x1] =	wrdreg $0xFFFFFFFF  }
0xc1: {  	_ =	task.clear_ibuf [dreg:s6], $0x2FFFF;
	_ =	strace $0x9FFFFFFF  }
0xc2: {  	(tm) =	ssettm $0x7FFFFFFF  }
0xc3: {  	_ =	shalt  }
tec
execute0_lowered:
.L_overlay_start_1:
0x0: {  	(tag) =	ssettag $0x1  }
0x1: {  	s5 =	rddreg [dreg:$0x0]  }
0x2: {  	s0 =	srdreg.scid;
	s2 =	rddreg [dreg:$0x1]  }
0x3: {  	s1 =	rddreg [dreg:$0x2];
	s6 =	sand.u32 $0x1, s0  }
0x4: {  	s3 =	simm.s32 $0x0;
	s0 =	stileid.u32;
	s4 =	smul.u32 $0x28000, s6  }
0x5: {  	s14 =	simm.s32 $0x80;
	s15 =	simm.s32 $0x5000;
	s7 =	smul.u32 $0x2800, s0  }
0x6: {  	s16 =	simm.s32 $0x1;
	s17 =	simm.s32 $0x2;
	s31 =	smul.u32 $0x13C00, s0  }
0x7: {  	s18 =	simm.s32 $0x0;
	[smem:$0x7FF] =	sst s3;
	s8 =	smul.u32 $0x13C000, s6  }
0x8: {  	_ =	strace $0x8000004A;
	s6 =	ssub.s32 $0x2, s6;
	s12 =	sshll.u32 s0, $0x6  }
0x9: {  	s11 =	sshrl.u32 s6, $0x1;
	s12 =	sor.u32 $0x1C03, s12;
	s4 =	sadd.s32 s7, s4  }
0xa: {  	s10 =	sshrl.u32 s31, $0x3;
	s8 =	sadd.s32 s31, s8;
	s11 =	ssub.s32 s6, s11  }
0xb: {  	s13 =	sadd.s32 s31, s2;
	s4 =	sshrl.u32 s4, $0x3;
	s10 =	sadd.s32 s10, s5  }
0xc: {  	s8 =	sshrl.u32 s8, $0x3;
	s13 =	sshrl.u32 s13, $0x3;
	s9 =	sadd.s32 s4, s5  }
0xd: {  	s4 =	sadd.s32 $0x5BE00, s5;
	s8 =	sadd.s32 s8, s5;
	s7 =	sadd.s32 $0x83000, s10  }
0xe: {  	s10 =	simm.s32 $0x3;
	s5 =	sadd.s32 $0x16C00, s9;
	s6 =	sadd.s32 $0x2E00, s9  }
0xf: {  	s8 =	sadd.s32 $0xAA800, s8;
	s9 =	smax.u32 s11, $0x1;
	s11 =	simm.s32 $0x2800  }
.LBB2_1:
0x10: {  	[tilespmem:s3], [sflag:$0x3] =	stream.linear.gather [hbm4b:s5+s3], $0x2800, $0x38;
	[tilespmem:$0x1CC00] =	vst v63  }
0x11: {  	_ =	swait.ge [sflag:s10], $0x2800  }
0x12: {  	[sflag:s10] =	ssyncset.done $0x0  }
0x13: {  	[sflag:s10] =	ssyncadd.s32 $0xFFFFD800  }
0x14: {  	[tilespmem:s11], [sflag:$0x3] =	stream.linear.gather [hbm4b:s6+s3], $0x2800, $0x38;
	[tilespmem:$0x1CC00] =	vst v63  }
0x15: {  	_ =	swait.ge [sflag:s10], $0x2800  }
0x16: {  	[sflag:s10] =	ssyncset.done $0x0  }
0x17: {  	[sflag:s10] =	ssyncadd.s32 $0xFFFFD800  }
0x18: {  	[spmem:s13], [sflag:s12] =	dma.local [hbm:s7], $0x2780  }
0x19: {  	_ =	swait.ge [sflag:s10], $0x2780  }
0x1a: {  	[sflag:s10] =	ssyncset.done $0x0  }
0x1b: {  	[sflag:s10] =	ssyncadd.s32 $0xFFFFD880  }
0x1c: {  	s19 =	simm.s32 $0x0;
	[bflag:$0x0] =	sbarrier.arrive $0xFFFF  }
0x1d: {  	[tilespmem:s15], [sflag:$0x1] =	stream.indirect.gather [hbm4b:s4+s14], $0x80, s19, s14, $0xb8;
	[tilespmem:$0x1CC00] =	vst v63  }
0x1e: {  	_ =	swait.ge [sflag:s16], $0x4000  }
0x1f: {  	[sflag:s16] =	ssyncset.done $0x0  }
0x20: {  	s31 =	simm.s32 $0x2800;
	[sflag:s16] =	ssyncadd.s32 $0xFFFFC000  }
0x21: {  	[spmem:s2] =	stream.indirect.scatter.add.f32 [tilespmem:s15], [sflag:$0x2], $0x80, s31, s14, $0xb8;
	[tilespmem:$0x1CC00] =	vst v63  }
0x22: {  	_ =	swait.ge [sflag:s17], $0x4000  }
0x23: {  	s20 =	simm.s32 $0x400;
	s19 =	simm.s32 $0x200;
	[sflag:s17] =	ssyncset.done $0x0  }
.LBB2_2:
0x24: {  	s21 =	sshra.s32 s19, $0x2  }
0x25: {  	[sflag:s17] =	ssyncadd.s32 $0xFFFFC000;
	s19 =	smov.u32 s20;
	s22 =	sadd.s32 $0x200, s20  }
0x26: {  	[tilespmem:s15], [sflag:$0x1] =	stream.indirect.gather [hbm4b:s4+s14], $0x80, s21, s14, $0xb8;
	[tilespmem:$0x1CC00] =	vst v63  }
0x27: {  	p0 =	sne.s32 s20, $0x9E00;
	_ =	swait.ge [sflag:s16], $0x4000  }
.Ltmp0:
0x28: {  	[sflag:s16] =	ssyncset.done $0x0;
	(pc) =	sbr.rel @p0 .LBB2_2-.Ltmp0, $4  }
0x29: {  	s20 =	sadd.s32 $0x2800, s21;
	[sflag:s16] =	ssyncadd.s32 $0xFFFFC000  }
0x2a: {  	[spmem:s2] =	stream.indirect.scatter.add.f32 [tilespmem:s15], [sflag:$0x2], $0x80, s20, s14, $0xb8;
	[tilespmem:$0x1CC00] =	vst v63  }
0x2b: {  	_ =	swait.ge [sflag:s17], $0x4000  }
0x2c: {  	s20 =	smov.u32 s22;
	[sflag:s17] =	ssyncset.done $0x0  }
0x2d: {  	s19 =	sshra.s32 s19, $0x2;
	[sflag:s17] =	ssyncadd.s32 $0xFFFFC000  }
0x2e: {  	[tilespmem:s15], [sflag:$0x1] =	stream.indirect.gather [hbm4b:s4+s14], $0x80, s19, s14, $0xb8;
	[tilespmem:$0x1CC00] =	vst v63  }
0x2f: {  	_ =	swait.ge [sflag:s16], $0x4000  }
0x30: {  	[sflag:s16] =	ssyncset.done $0x0  }
0x31: {  	s19 =	sadd.s32 $0x2800, s19;
	[sflag:s16] =	ssyncadd.s32 $0xFFFFC000  }
0x32: {  	[spmem:s2] =	stream.indirect.scatter.add.f32 [tilespmem:s15], [sflag:$0x2], $0x80, s19, s14, $0xb8;
	[tilespmem:$0x1CC00] =	vst v63  }
0x33: {  	_ =	swait.ge [sflag:s17], $0x4000  }
0x34: {  	s18 =	sadd.s32 $0x1, s18;
	[sflag:s17] =	ssyncset.done $0x0  }
0x35: {  	p0 =	sne.s32 s18, s9;
	[sflag:s17] =	ssyncadd.s32 $0xFFFFC000  }
.Ltmp1:
0x36: {  	[bflag:$0x0] =	sbarrier.arrive $0xFFFF;
	(pc) =	sbr.rel @p0 .LBB2_1-.Ltmp1, $4  }
0x37: {  	[hbm:s8], [sflag:s12] =	dma.local [spmem:s13], $0x2780  }
0x38: {  	_ =	swait.ge [sflag:s10], $0x2780  }
0x39: {  	[sflag:s10] =	ssyncset.done $0x0  }
0x3a: {  	[sflag:s10] =	ssyncadd.s32 $0xFFFFD880  }
0x3b: {  	_ =	sfence.sel $0x180000  }
0x3c: {  	[bflag:$0x0] =	sbarrier.arrive $0xFFFF  }
0x3d: {  	p0 =	sne.s32 s0, $0x0;
	_ =	strace $0x9000004A  }
0x3e: {  	s0 =	sadd.s32 @!p0 $0x100000, s1;
	[bflag:$0x2] =	sbarrier.arrive $0xFFFF  }
0x3f: {  	[sflag:s0] =	ssyncadd.tile.s32 @!p0 $0x1;
	_ =	shalt  }
.Lfunc_end2:
_tile_overlayer_lowered:
.L_overlay_start_2:
0x40: {  	(tag) =	ssettag $0x2  }
0x41: {  	s0 =	rddreg [dreg:$0x0];
	s2 =	stileid.u32  }
0x42: {  	s1 =	rddreg [dreg:$0x1];
	p0 =	sne.s32 s2, $0x0  }
0x43: {  	s3 =	rddreg [dreg:$0x2];
	[bflag:$0x3] =	sbarrier.arrive $0xFFFF;
	s2 =	simm.s32 @!p0 $0x1C03  }
0x44: {  	[timem:s3], [sflag:s2] =	dma.local @!p0 [hbm:s0], s1  }
0x45: {  	s0 =	simm.s32 @!p0 $0x3  }
0x46: {  	_ =	swait.ge @!p0 [sflag:s0], s1  }
0x47: {  	s1 =	ssub.s32 @!p0 $0x0, s1;
	[sflag:s0] =	ssyncset.done @!p0 $0x0  }
0x48: {  	[sflag:s0] =	ssyncadd.s32 @!p0 s1  }
0x49: {  	[bflag:$0x3] =	sbarrier.arrive $0xFFFF  }
0x4a: {  	_ =	shalt  }

// kernel: kernel.21.cloned.1.call-start
scs
__scs_entry_jumppad:
0x0: {  	(pc) =	sbr.rel $0x88, $3  }
0x1: {  	(tag) =	ssettag $0x0;
	lr =	simm.s32 $0x1  }
0x2: {  	[smem:$0x3F95] =	sst lr;
	_ =	strace $0xD0000000  }
0x3: {  	_ = 	snop  }
0x4: {  	_ = 	snop  }
0x5: {  	_ = 	snop  }
0x6: {  	_ = 	snop  }
0x7: {  	_ = 	snop  }
__scs_overlays_trampoline_lowered:
0x8: {  	[smem:$0x3FA4] =	sst s0  }
0x9: {  	[smem:$0x3FA5] =	sst s1  }
0xa: {  	[smem:$0x3FA6] =	sst s2  }
0xb: {  	[smem:$0x3FA7] =	sst s3  }
0xc: {  	[smem:$0x3FA8] =	sst s4  }
0xd: {  	[smem:$0x3FA9] =	sst s5  }
0xe: {  	[smem:$0x3FAA] =	sst s6  }
0xf: {  	[smem:$0x3FAB] =	sst s7  }
0x10: {  	[smem:$0x3FAC] =	sst s8  }
0x11: {  	[smem:$0x3FAD] =	sst s9;
	s0 =	simm.s32 @!p0 $0x0  }
0x12: {  	s1 =	sld [smem:$0x3F93];
	s0 =	simm.s32 @p0 $0x1  }
0x13: {  	[smem:$0x3FAE] =	sst s0;
	s0 =	simm.s32 @!p1 $0x0  }
0x14: {  	s2 =	sld [smem:$0x3F92];
	s0 =	simm.s32 @p1 $0x1  }
0x15: {  	[smem:$0x3FAF] =	sst s0;
	s0 =	simm.s32 @!p2 $0x0  }
0x16: {  	s3 =	sld [smem:$0x3FDB];
	s0 =	simm.s32 @p2 $0x1  }
0x17: {  	s4 =	simm.s32 $0x1BF5;
	[smem:$0x3FB1] =	sst s0  }
0x18: {  	s0 =	sld [smem:$0x3F94];
	_ =	swait.ge [sflag:s4], $0x0  }
0x19: {  	s7 =	sld [smem:$0x3F95]  }
0x1a: {  	s8 =	sadd.s32 $0xFFFFE003, lr  }
0x1b: {  	s9 =	sadd.s32 $0xFFFFFEF7, lr;
	s5 =	simm.s32 $0xFFFFFFFF;
	p2 =	slt.u32 s8, $0xFFFFF086  }
0x1c: {  	p1 =	slt.u32 s9, $0xF7A;
	s5 =	simm.s32 @!p2 $0x0  }
0x1d: {  	s5 =	simm.s32 @p1 $0x1;
	p0 =	seq.s32 s7, s2  }
0x1e: {  	s7 =	smul.u32 @!p0 $0xF7A, s2;
	p2 =	seq.s32 @!p0 s5, $0x0  }
0x1f: {  	s9 =	smul.u32 $0xF7A, s1;
	s8 =	simm.s32 @!p0 $0x1BF5;
	p2 =	por !p2, p0  }
0x20: {  	[sflag:s8] =	ssyncset.s32 @!p0 $0xFFFFF086;
	s6 =	sadd.s32 @!p0 s3, s7;
	s7 =	simm.s32 @!p0 $0x108  }
0x21: {  	s3 =	sadd.s32 s3, s9;
	s6 =	sadd.s32 @!p0 $0x88, s6;
	s7 =	simm.s32 @p2 $0x1082  }
0x22: {  	[simem:s7], [sflag:s8] =	dma.local @!p0 [hbm:s6], $0xF7A  }
0x23: {  	s9 =	sor.u32 $0xD0000000, s2;
	s6 =	simm.s32 $0x108;
	_ =	swait.ge @!p0 [sflag:s8], $0x0  }
0x24: {  	s3 =	sadd.s32 $0x88, s3;
	s6 =	simm.s32 @!p1 $0x1082;
	[sflag:s4] =	ssyncset.s32 $0xFFFFF086  }
0x25: {  	[simem:s6], [sflag:s4] =	dma.local [hbm:s3], $0xF7A  }
0x26: {  	[smem:$0x3F95] =	sst s1;
	(tag) =	ssettag s2;
	_ =	strace s9  }
0x27: {  	s1 =	sld [smem:$0x3FA5]  }
0x28: {  	s2 =	sld [smem:$0x3FA6]  }
0x29: {  	s4 =	sld [smem:$0x3FA8]  }
0x2a: {  	p0 =	seq.s32 s5, $0x0;
	s5 =	sld [smem:$0x3FA9]  }
0x2b: {  	s6 =	sld [smem:$0x3FAA]  }
0x2c: {  	s7 =	sld [smem:$0x3FAB]  }
0x2d: {  	s3 =	simm.s32 $0x108;
	s8 =	sld [smem:$0x3FAC]  }
0x2e: {  	s3 =	simm.s32 @!p0 $0x1082;
	s9 =	sld [smem:$0x3FAD]  }
0x2f: {  	lr =	sadd.s32 s0, s3;
	s0 =	sld [smem:$0x3FA4]  }
0x30: {  	s3 =	sld [smem:$0x3FA7]  }
0x31: {  	[smem:$0x3FB0] =	sst s10  }
0x32: {  	s10 =	sld [smem:$0x3FAE];
	_ =	sdelay $0x3  }
0x33: {  	p0 =	seq.s32 s10, $0x1;
	s10 =	sld [smem:$0x3FB0];
	_ =	sdelay $0x3  }
0x34: {  	[smem:$0x3FB0] =	sst s10  }
0x35: {  	s10 =	sld [smem:$0x3FAF];
	_ =	sdelay $0x3  }
0x36: {  	p1 =	seq.s32 s10, $0x1;
	s10 =	sld [smem:$0x3FB0];
	_ =	sdelay $0x3  }
0x37: {  	[smem:$0x3FB0] =	sst s10  }
0x38: {  	s10 =	sld [smem:$0x3FB1]  }
0x39: {  	_ = 	snop;
	(pc) =	sbr.ind lr, $3  }
0x3a: {  	_ = 	snop  }
0x3b: {  	_ = 	snop  }
0x3c: {  	p2 =	seq.s32 s10, $0x1;
	s10 =	sld [smem:$0x3FB0]  }
0x3d: {  	_ =	shalt  }
0x3e: {  	_ =	shalt  }
0x3f: {  	_ =	shalt  }
0x40: {  	_ =	shalt  }
0x41: {  	_ =	shalt  }
0x42: {  	_ =	shalt  }
0x43: {  	_ =	shalt  }
0x44: {  	_ =	shalt  }
0x45: {  	_ =	shalt  }
0x46: {  	_ =	shalt  }
0x47: {  	_ =	shalt  }
0x48: {  	_ =	shalt  }
0x49: {  	_ =	shalt  }
0x4a: {  	_ =	shalt  }
0x4b: {  	_ =	shalt  }
0x4c: {  	_ =	shalt  }
0x4d: {  	_ =	shalt  }
0x4e: {  	_ =	shalt  }
0x4f: {  	_ =	shalt  }
0x50: {  	_ =	shalt  }
0x51: {  	_ =	shalt  }
0x52: {  	_ =	shalt  }
0x53: {  	_ =	shalt  }
0x54: {  	_ =	shalt  }
0x55: {  	_ =	shalt  }
0x56: {  	_ =	shalt  }
0x57: {  	_ =	shalt  }
0x58: {  	_ =	shalt  }
0x59: {  	_ =	shalt  }
0x5a: {  	_ =	shalt  }
0x5b: {  	_ =	shalt  }
0x5c: {  	_ =	shalt  }
0x5d: {  	_ =	shalt  }
0x5e: {  	_ =	shalt  }
0x5f: {  	_ =	shalt  }
0x60: {  	_ =	shalt  }
0x61: {  	_ =	shalt  }
0x62: {  	_ =	shalt  }
0x63: {  	_ =	shalt  }
0x64: {  	_ =	shalt  }
0x65: {  	_ =	shalt  }
0x66: {  	_ =	shalt  }
0x67: {  	_ =	shalt  }
0x68: {  	_ =	shalt  }
0x69: {  	_ =	shalt  }
0x6a: {  	_ =	shalt  }
0x6b: {  	_ =	shalt  }
0x6c: {  	_ =	shalt  }
0x6d: {  	_ =	shalt  }
0x6e: {  	_ =	shalt  }
0x6f: {  	_ =	shalt  }
0x70: {  	_ =	shalt  }
0x71: {  	_ =	shalt  }
0x72: {  	_ =	shalt  }
0x73: {  	_ =	shalt  }
0x74: {  	_ =	shalt  }
0x75: {  	_ =	shalt  }
0x76: {  	_ =	shalt  }
0x77: {  	_ =	shalt  }
0x78: {  	_ =	shalt  }
0x79: {  	_ =	shalt  }
0x7a: {  	_ =	shalt  }
0x7b: {  	_ =	shalt  }
0x7c: {  	_ =	shalt  }
0x7d: {  	_ =	shalt  }
0x7e: {  	_ =	shalt  }
0x7f: {  	_ =	shalt  }
0x80: {  	_ =	shalt  }
0x81: {  	_ =	shalt  }
0x82: {  	_ =	shalt  }
0x83: {  	_ =	shalt  }
0x84: {  	_ =	shalt  }
0x85: {  	_ =	shalt  }
0x86: {  	_ =	shalt  }
0x87: {  	_ =	shalt  }
.Lfunc_end0:
.L_simem_size_0:
called_computation.3_lowered:
.L_overlay_start_0:
0x88: {  	s2 =	sld [smem:$0x3FD9]  }
0x89: {  	s3 =	sld [smem:$0x3FFE];
	_ =	sdelay $0x1  }
0x8a: {  	s1 =	srdreg.scid  }
0x8b: {  	s0 =	sand.u32 $0x1, s1  }
0x8c: {  	s17 =	sshll.u32 s0, $0xA;
	s2 =	sadd.s32 s3, s2  }
0x8d: {  	s2 =	sadd.s32 s2, s17  }
0x8e: {  	[smem:$0x3FBC] =	sst s2  }
0x8f: {  	_ = 	snop  }
0x90: {  	(tm) =	ssettm $0x1  }
0x91: {  	s18 =	sld [smem:$0x3FFB];
	_ =	sdelay $0x3  }
0x92: {  	_ =	strace s18  }
0x93: {  	s2 =	sld [smem:$0x3FFC];
	_ =	sdelay $0x3  }
0x94: {  	_ =	strace s2  }
0x95: {  	s2 =	sld [smem:$0x3FFD];
	_ =	sdelay $0x3  }
0x96: {  	_ =	strace s2  }
0x97: {  	_ =	strace $0x8FFFFFFF  }
0x98: {  	s19 =	sld [smem:$0x3FDB];
	_ =	sdelay $0x1  }
0x99: {  	s20 =	simm.s32 $_scs_section_size  }
0x9a: {  	s4 =	simm.s32 $_size__tile_overlayer_lowered;
	s5 =	simm.s32 $_tile_overlayer_lowered  }
0x9b: {  	s6 =	simm.s32 $0x1BFF;
	s21 =	sshll.u32 s5, $0x1;
	s3 =	sadd.s32 s20, s19  }
0x9c: {  	s22 =	simm.s32 $0x0;
	s4 =	sshll.u32 s4, $0x1;
	s5 =	sadd.s32 s21, s3  }
0x9d: {  	[timem:s22], [sflag:s6] =	dma.local [hbm:s5], s4  }
0x9e: {  	_ =	swait.ge [sflag:s6], s4  }
0x9f: {  	s4 =	ssub.s32 $0x0, s4;
	[sflag:s6] =	ssyncset.done $0x0  }
0xa0: {  	[sflag:s6] =	ssyncadd.s32 s4;
	_ =	sdelay $0x1  }
0xa1: {  	s23 =	simm.s32 $0x1B8B  }
0xa2: {  	_ =	swait.ge [sflag:s23], $0x1  }
0xa3: {  	[sflag:s23] =	ssyncset.done $0x0  }
0xa4: {  	[sflag:s23] =	ssyncadd.s32 $0xFFFFFFFF  }
0xa5: {  	s4 =	sld [smem:$0x0]  }
0xa6: {  	s5 =	sand.u32 $0xFFFFFFFE, s1  }
0xa7: {  	p0 =	sne.s32 s1, s5  }
0xa8: {  	s5 =	sshll.u32 @p0 s5, $0xE  }
0xa9: {  	s5 =	sadd.s32 @p0 $0x11B8D, s5;
	s6 =	sshll.u32 @p0 s4, $0x11  }
0xaa: {  	s5 =	sor.u32 @p0 s6, s5  }
0xab: {  	[sflag:s5] =	ssyncadd.remote.s32 @p0 $0x1;
	_ =	sdelay $0x1  }
0xac: {  	s5 =	simm.s32 @p0 $0x1B8D  }
0xad: {  	_ =	swait.eq @p0 [sflag:s5], $0x1  }
0xae: {  	[sflag:s5] =	ssyncadd.s32 @p0 $0xFFFFFFFF  }
0xaf: {  	s6 =	sshll.u32 @!p0 s1, $0xE  }
0xb0: {  	s6 =	sor.u32 @!p0 $0x4000, s6;
	s5 =	simm.s32 @!p0 $0x1B8D  }
0xb1: {  	s4 =	sshll.u32 @!p0 s4, $0x11;
	s6 =	sadd.s32 @!p0 $0x11B8D, s6;
	_ =	swait.eq @!p0 [sflag:s5], $0x1  }
0xb2: {  	s4 =	sor.u32 @!p0 s4, s6;
	[sflag:s5] =	ssyncadd.s32 @!p0 $0xFFFFFFFF  }
0xb3: {  	s25 =	simm.s32 $0x1B8E;
	s24 =	sld [smem:$0x3FFE];
	[sflag:s4] =	ssyncadd.remote.s32 @!p0 $0x1  }
0xb4: {  	s26 =	simm.s32 $execute0_lowered;
	[smem:$0x3FD2] =	sst s25  }
0xb5: {  	s5 =	sshll.u32 s26, $0x1;
	_ =	strace $0x80000055;
	[dreg:$0x1] =	wrdreg $0xFFFFFFFF  }
0xb6: {  	s28 =	simm.s32 $_size_execute0_lowered;
	s3 =	sadd.s32 s3, s5;
	[dreg:$0x0] =	wrdreg $0x0  }
0xb7: {  	s5 =	sshll.u32 s28, $0x1;
	[dreg:$0x2] =	wrdreg s3  }
0xb8: {  	[dreg:$0x3] =	wrdreg s5  }
0xb9: {  	[dreg:$0x4] =	wrdreg $0xC0  }
0xba: {  	_ =	task [dreg:s22], $0x5FFFF  }
0xbb: {  	[dreg:$0x1] =	wrdreg $0xFFFFFFFF  }
0xbc: {  	[dreg:$0x0] =	wrdreg $0x60  }
0xbd: {  	[dreg:$0x2] =	wrdreg s24  }
0xbe: {  	[dreg:$0x3] =	wrdreg $0xA  }
0xbf: {  	_ =	task.clear_ibuf [dreg:s22], $0x4FFFF;
	_ =	strace $0x90000055  }
0xc0: {  	s29 =	simm.s32 $0xA;
	_ =	strace $0x80000057  }
0xc1: {  	_ =	swait.ge [sflag:s29], $0x1  }
0xc2: {  	[sflag:s29] =	ssyncadd.s32 $0xFFFFFFFF  }
0xc3: {  	_ =	strace $0x90000057  }
0xc4: {  	_ =	sfence  }
0xc5: {  	s30 =	sld [smem:$0x0];
	_ =	sdelay $0x2  }
0xc6: {  	s31 =	sshll.u32 s1, $0xD;
	s1 =	sshrl.u32 s1, $0x2  }
0xc7: {  	s4 =	sand.u32 $0x4000, s31;
	s1 =	sadd.s32 s1, s30  }
0xc8: {  	s0 =	sor.u32 s4, s0;
	s1 =	sshll.u32 s1, $0x11  }
0xc9: {  	s0 =	sor.u32 s1, s0  }
0xca: {  	s0 =	sadd.s32 $0x8F2B, s0  }
0xcb: {  	[sflag:s0] =	ssyncadd.remote.s32 $0x1  }
0xcc: {  	_ =	sfence.sel $0xFFFF  }
0xcd: {  	[dreg:$0x0] =	wrdreg $0xFFFFFFFF;
	(pc) =	sbr.abs _section_cstart, $3  }
0xce: {  	[dreg:$0x1] =	wrdreg $0xFFFFFFFF  }
0xcf: {  	_ =	task.clear_ibuf [dreg:s22], $0x2FFFF;
	_ =	strace $0x9FFFFFFF  }
0xd0: {  	(tm) =	ssettm $0x7FFFFFFF  }
0xd1: {  	_ =	shalt  }
tec
execute0_lowered:
.L_overlay_start_1:
0x0: {  	(tag) =	ssettag $0x1  }
0x1: {  	s0 =	rddreg [dreg:$0x0];
	s1 =	srdreg.scid  }
0x2: {  	s2 =	simm.s32 $0x0;
	s9 =	stileid.u32;
	s12 =	simm.s32 $0xD  }
0x3: {  	s14 =	simm.s32 $0x80;
	s15 =	simm.s32 $0x5000;
	s16 =	simm.s32 $0x9000  }
0x4: {  	s17 =	simm.s32 $0xD000;
	s18 =	simm.s32 $0x11000;
	s19 =	simm.s32 $0x1  }
0x5: {  	s20 =	simm.s32 $0x2;
	s21 =	simm.s32 $0x3;
	s22 =	simm.s32 $0x4  }
0x6: {  	s28 =	simm.s32 $0x9;
	s29 =	simm.s32 $0xA;
	s6 =	smul.u32 $0x2800, s9  }
0x7: {  	s30 =	simm.s32 $0xB;
	s1 =	sand.u32 $0x1, s1;
	s9 =	smul.u32 $0x140000, s9  }
0x8: {  	[smem:$0x7FF] =	sst s2;
	s3 =	sadd.s32 $0x83000, s0;
	s5 =	smul.u32 $0x28000, s1  }
0x9: {  	s4 =	sadd.s32 $0x5BE00, s0;
	s7 =	ssub.s32 $0x2, s1;
	s1 =	smul.u32 $0x1400000, s1  }
0xa: {  	_ =	strace $0x80000056;
	s8 =	sshrl.u32 s7, $0x1;
	s5 =	sadd.s32 s6, s5  }
0xb: {  	s7 =	ssub.s32 s7, s8;
	s1 =	sadd.s32 s9, s1;
	s6 =	sshrl.u32 s5, $0x3  }
0xc: {  	s5 =	sshll.u32 s5, $0x4;
	s24 =	smax.u32 s7, $0x1;
	s6 =	sadd.s32 s6, s0  }
0xd: {  	s1 =	sshrl.u32 s1, $0x3;
	[dreg:$0x4] =	wrdreg s24;
	s23 =	sadd.s32 $0x2AC00, s6  }
0xe: {  	s0 =	sadd.s32 $0x83DC00, s0;
	s6 =	sadd.s32 $0x20C00, s6;
	[dreg:$0x2] =	wrdreg s23  }
0xf: {  	s5 =	sadd.s32 s5, s0;
	s0 =	sadd.s32 s1, s0;
	[dreg:$0x3] =	wrdreg s6  }
0x10: {  	s31 =	simm.s32 $0xC;
	s24 =	simm.s32 $0x6;
	[dreg:$0x5] =	wrdreg s0  }
0x11: {  	s25 =	sadd.s32 $0x1000, s5;
	s26 =	sadd.s32 $0x800, s5;
	s11 =	sadd.s32 $0x1800, s5  }
0x12: {  	s23 =	simm.s32 $0x5;
	s0 =	simm.s32 $0x0;
	[dreg:$0x6] =	wrdreg s25  }
0x13: {  	[dreg:$0x7] =	wrdreg s26;
	s25 =	simm.s32 $0x7;
	s26 =	simm.s32 $0x8  }
.LBB2_1:
0x14: {  	s1 =	rddreg [dreg:$0x2]  }
0x15: {  	[tilespmem:s2], [sflag:$0xD] =	stream.linear.gather [hbm4b:s1+s2], $0x2800, $0x38;
	[tilespmem:$0x15000] =	vst v63  }
0x16: {  	_ =	swait.ge [sflag:s12], $0x2800  }
0x17: {  	[sflag:s12] =	ssyncset.done $0x0  }
0x18: {  	s5 =	simm.s32 $0x2800;
	s8 =	rddreg [dreg:$0x3];
	[sflag:s12] =	ssyncadd.s32 $0xFFFFD800  }
0x19: {  	[tilespmem:s5], [sflag:$0xD] =	stream.linear.gather [hbm4b:s8+s2], $0x2800, $0x38;
	[tilespmem:$0x15000] =	vst v63  }
0x1a: {  	_ =	swait.ge [sflag:s12], $0x2800  }
0x1b: {  	[sflag:s12] =	ssyncset.done $0x0  }
0x1c: {  	s9 =	simm.s32 $0x0;
	[sflag:s12] =	ssyncadd.s32 $0xFFFFD800  }
0x1d: {  	[tilespmem:s15], [sflag:$0x1] =	stream.indirect.gather [hbm4b:s3+s14], $0x80, s9, s14, $0xb8;
	[tilespmem:$0x15000] =	vst v63  }
0x1e: {  	s10 =	simm.s32 $0x80  }
0x1f: {  	[tilespmem:s16], [sflag:$0x2] =	stream.indirect.gather [hbm4b:s3+s14], $0x80, s10, s14, $0xb8;
	[tilespmem:$0x15000] =	vst v63  }
0x20: {  	s13 =	simm.s32 $0x100  }
0x21: {  	[tilespmem:s17], [sflag:$0x3] =	stream.indirect.gather [hbm4b:s3+s14], $0x80, s13, s14, $0xb8;
	[tilespmem:$0x15000] =	vst v63  }
0x22: {  	s5 =	simm.s32 $0x180  }
0x23: {  	[tilespmem:s18], [sflag:$0x4] =	stream.indirect.gather [hbm4b:s3+s14], $0x80, s5, s14, $0xb8;
	[tilespmem:$0x15000] =	vst v63  }
0x24: {  	_ =	swait.ge [sflag:s19], $0x4000  }
0x25: {  	[sflag:s19] =	ssyncset.done $0x0  }
0x26: {  	s6 =	simm.s32 $0x2800;
	[sflag:s19] =	ssyncadd.s32 $0xFFFFC000  }
0x27: {  	[tilespmem:s15], [sflag:$0x5] =	stream.indirect.gather.add.f32 [hbm:s4], $0x80, s6, s14, $0xb8;
	[tilespmem:$0x15000] =	vst v63  }
0x28: {  	_ =	swait.ge [sflag:s20], $0x4000  }
0x29: {  	[sflag:s20] =	ssyncset.done $0x0  }
0x2a: {  	s7 =	simm.s32 $0x2880;
	[sflag:s20] =	ssyncadd.s32 $0xFFFFC000  }
0x2b: {  	[tilespmem:s16], [sflag:$0x6] =	stream.indirect.gather.add.f32 [hbm:s4], $0x80, s7, s14, $0xb8;
	[tilespmem:$0x15000] =	vst v63  }
0x2c: {  	_ =	swait.ge [sflag:s21], $0x4000  }
0x2d: {  	[sflag:s21] =	ssyncset.done $0x0  }
0x2e: {  	s8 =	simm.s32 $0x2900;
	[sflag:s21] =	ssyncadd.s32 $0xFFFFC000  }
0x2f: {  	[tilespmem:s17], [sflag:$0x7] =	stream.indirect.gather.add.f32 [hbm:s4], $0x80, s8, s14, $0xb8;
	[tilespmem:$0x15000] =	vst v63  }
0x30: {  	_ =	swait.ge [sflag:s22], $0x4000  }
0x31: {  	[sflag:s22] =	ssyncset.done $0x0  }
0x32: {  	s9 =	simm.s32 $0x2980;
	[sflag:s22] =	ssyncadd.s32 $0xFFFFC000  }
0x33: {  	[tilespmem:s18], [sflag:$0x8] =	stream.indirect.gather.add.f32 [hbm:s4], $0x80, s9, s14, $0xb8;
	[tilespmem:$0x15000] =	vst v63  }
0x34: {  	_ =	swait.ge [sflag:s23], $0x4000  }
0x35: {  	[sflag:s23] =	ssyncset.done $0x0  }
0x36: {  	s10 =	rddreg [dreg:$0x5];
	[sflag:s23] =	ssyncadd.s32 $0xFFFFC000  }
0x37: {  	[hbm4b:s10+s2] =	stream.linear.scatter [tilespmem:s15], [sflag:$0x9], $0x4000, $0x38;
	[tilespmem:$0x15000] =	vst v63  }
0x38: {  	_ =	swait.ge [sflag:s24], $0x4000  }
0x39: {  	[sflag:s24] =	ssyncset.done $0x0  }
0x3a: {  	s13 =	rddreg [dreg:$0x7];
	[sflag:s24] =	ssyncadd.s32 $0xFFFFC000  }
0x3b: {  	[hbm4b:s13+s2] =	stream.linear.scatter [tilespmem:s16], [sflag:$0xA], $0x4000, $0x38;
	[tilespmem:$0x15000] =	vst v63  }
0x3c: {  	_ =	swait.ge [sflag:s25], $0x4000  }
0x3d: {  	[sflag:s25] =	ssyncset.done $0x0  }
0x3e: {  	s9 =	rddreg [dreg:$0x6];
	[sflag:s25] =	ssyncadd.s32 $0xFFFFC000  }
0x3f: {  	[hbm4b:s9+s2] =	stream.linear.scatter [tilespmem:s17], [sflag:$0xB], $0x4000, $0x38;
	[tilespmem:$0x15000] =	vst v63  }
0x40: {  	_ =	swait.ge [sflag:s26], $0x4000  }
0x41: {  	[sflag:s26] =	ssyncset.done $0x0  }
0x42: {  	[sflag:s26] =	ssyncadd.s32 $0xFFFFC000  }
0x43: {  	[hbm4b:s11+s2] =	stream.linear.scatter [tilespmem:s18], [sflag:$0xC], $0x4000, $0x38;
	[tilespmem:$0x15000] =	vst v63  }
0x44: {  	_ =	swait.ge [sflag:s28], $0x4000  }
0x45: {  	[sflag:s28] =	ssyncset.done $0x0  }
0x46: {  	[sflag:s28] =	ssyncadd.s32 $0xFFFFC000  }
0x47: {  	_ =	swait.ge [sflag:s29], $0x4000  }
0x48: {  	[sflag:s29] =	ssyncset.done $0x0  }
0x49: {  	[sflag:s29] =	ssyncadd.s32 $0xFFFFC000  }
0x4a: {  	_ =	swait.ge [sflag:s30], $0x4000  }
0x4b: {  	[sflag:s30] =	ssyncset.done $0x0  }
0x4c: {  	s1 =	sadd.s32 $0x2000, s11;
	s7 =	simm.s32 $0x800;
	[sflag:s30] =	ssyncadd.s32 $0xFFFFC000  }
0x4d: {  	s8 =	simm.s32 $0x1000;
	s6 =	sadd.s32 $0x2000, s10;
	_ =	swait.ge [sflag:s31], $0x4000  }
0x4e: {  	s13 =	sadd.s32 $0x2000, s13;
	s5 =	sadd.s32 $0x2000, s9;
	[sflag:s31] =	ssyncset.done $0x0  }
.LBB2_2:
0x4f: {  	s10 =	sshra.s32 s7, $0x2  }
0x50: {  	[sflag:s31] =	ssyncadd.s32 $0xFFFFC000;
	s7 =	smov.u32 s8;
	s9 =	sadd.s32 $0x800, s8  }
0x51: {  	[tilespmem:s15], [sflag:$0x1] =	stream.indirect.gather [hbm4b:s3+s14], $0x80, s10, s14, $0xb8;
	[tilespmem:$0x15000] =	vst v63  }
0x52: {  	p0 =	sne.s32 s8, $0x9800;
	s8 =	sadd.s32 $0x80, s10  }
0x53: {  	[tilespmem:s16], [sflag:$0x2] =	stream.indirect.gather [hbm4b:s3+s14], $0x80, s8, s14, $0xb8;
	[tilespmem:$0x15000] =	vst v63  }
0x54: {  	s8 =	sadd.s32 $0x100, s10  }
0x55: {  	[tilespmem:s17], [sflag:$0x3] =	stream.indirect.gather [hbm4b:s3+s14], $0x80, s8, s14, $0xb8;
	[tilespmem:$0x15000] =	vst v63  }
0x56: {  	s8 =	sadd.s32 $0x180, s10  }
0x57: {  	[tilespmem:s18], [sflag:$0x4] =	stream.indirect.gather [hbm4b:s3+s14], $0x80, s8, s14, $0xb8;
	[tilespmem:$0x15000] =	vst v63  }
0x58: {  	_ =	swait.ge [sflag:s19], $0x4000  }
0x59: {  	[sflag:s19] =	ssyncset.done $0x0  }
0x5a: {  	s8 =	sadd.s32 $0x2800, s10;
	[sflag:s19] =	ssyncadd.s32 $0xFFFFC000  }
0x5b: {  	[tilespmem:s15], [sflag:$0x5] =	stream.indirect.gather.add.f32 [hbm:s4], $0x80, s8, s14, $0xb8;
	[tilespmem:$0x15000] =	vst v63  }
0x5c: {  	_ =	swait.ge [sflag:s20], $0x4000  }
0x5d: {  	[sflag:s20] =	ssyncset.done $0x0  }
0x5e: {  	s8 =	sadd.s32 $0x2880, s10;
	[sflag:s20] =	ssyncadd.s32 $0xFFFFC000  }
0x5f: {  	[tilespmem:s16], [sflag:$0x6] =	stream.indirect.gather.add.f32 [hbm:s4], $0x80, s8, s14, $0xb8;
	[tilespmem:$0x15000] =	vst v63  }
0x60: {  	_ =	swait.ge [sflag:s21], $0x4000  }
0x61: {  	[sflag:s21] =	ssyncset.done $0x0  }
0x62: {  	s8 =	sadd.s32 $0x2900, s10;
	[sflag:s21] =	ssyncadd.s32 $0xFFFFC000  }
0x63: {  	[tilespmem:s17], [sflag:$0x7] =	stream.indirect.gather.add.f32 [hbm:s4], $0x80, s8, s14, $0xb8;
	[tilespmem:$0x15000] =	vst v63  }
0x64: {  	_ =	swait.ge [sflag:s22], $0x4000  }
0x65: {  	[sflag:s22] =	ssyncset.done $0x0  }
0x66: {  	s8 =	sadd.s32 $0x2980, s10;
	[sflag:s22] =	ssyncadd.s32 $0xFFFFC000  }
0x67: {  	[tilespmem:s18], [sflag:$0x8] =	stream.indirect.gather.add.f32 [hbm:s4], $0x80, s8, s14, $0xb8;
	[tilespmem:$0x15000] =	vst v63  }
0x68: {  	_ =	swait.ge [sflag:s23], $0x4000  }
0x69: {  	[sflag:s23] =	ssyncset.done $0x0  }
0x6a: {  	[sflag:s23] =	ssyncadd.s32 $0xFFFFC000  }
0x6b: {  	[hbm4b:s6+s2] =	stream.linear.scatter [tilespmem:s15], [sflag:$0x9], $0x4000, $0x38;
	[tilespmem:$0x15000] =	vst v63  }
0x6c: {  	_ =	swait.ge [sflag:s24], $0x4000  }
0x6d: {  	[sflag:s24] =	ssyncset.done $0x0  }
0x6e: {  	[sflag:s24] =	ssyncadd.s32 $0xFFFFC000  }
0x6f: {  	[hbm4b:s13+s2] =	stream.linear.scatter [tilespmem:s16], [sflag:$0xA], $0x4000, $0x38;
	[tilespmem:$0x15000] =	vst v63  }
0x70: {  	_ =	swait.ge [sflag:s25], $0x4000  }
0x71: {  	[sflag:s25] =	ssyncset.done $0x0  }
0x72: {  	[sflag:s25] =	ssyncadd.s32 $0xFFFFC000  }
0x73: {  	[hbm4b:s5+s2] =	stream.linear.scatter [tilespmem:s17], [sflag:$0xB], $0x4000, $0x38;
	[tilespmem:$0x15000] =	vst v63  }
0x74: {  	_ =	swait.ge [sflag:s26], $0x4000  }
0x75: {  	[sflag:s26] =	ssyncset.done $0x0  }
0x76: {  	[sflag:s26] =	ssyncadd.s32 $0xFFFFC000  }
0x77: {  	[hbm4b:s1+s2] =	stream.linear.scatter [tilespmem:s18], [sflag:$0xC], $0x4000, $0x38;
	[tilespmem:$0x15000] =	vst v63  }
0x78: {  	_ =	swait.ge [sflag:s28], $0x4000  }
0x79: {  	[sflag:s28] =	ssyncset.done $0x0  }
0x7a: {  	[sflag:s28] =	ssyncadd.s32 $0xFFFFC000  }
0x7b: {  	_ =	swait.ge [sflag:s29], $0x4000  }
0x7c: {  	[sflag:s29] =	ssyncset.done $0x0  }
0x7d: {  	[sflag:s29] =	ssyncadd.s32 $0xFFFFC000  }
.Ltmp0:
0x7e: {  	_ =	swait.ge [sflag:s30], $0x4000;
	(pc) =	sbr.rel @p0 .LBB2_2-.Ltmp0, $4  }
0x7f: {  	[sflag:s30] =	ssyncset.done $0x0  }
0x80: {  	s8 =	smov.u32 s9;
	[sflag:s30] =	ssyncadd.s32 $0xFFFFC000  }
0x81: {  	s13 =	sadd.s32 $0x2000, s13;
	s1 =	sadd.s32 $0x2000, s1;
	_ =	swait.ge [sflag:s31], $0x4000  }
0x82: {  	s6 =	sadd.s32 $0x2000, s6;
	s5 =	sadd.s32 $0x2000, s5;
	[sflag:s31] =	ssyncset.done $0x0  }
0x83: {  	s7 =	sshra.s32 s7, $0x2;
	[sflag:s31] =	ssyncadd.s32 $0xFFFFC000  }
0x84: {  	[tilespmem:s15], [sflag:$0x1] =	stream.indirect.gather [hbm4b:s3+s14], $0x80, s7, s14, $0xb8;
	[tilespmem:$0x15000] =	vst v63  }
0x85: {  	s8 =	sadd.s32 $0x80, s7  }
0x86: {  	[tilespmem:s16], [sflag:$0x2] =	stream.indirect.gather [hbm4b:s3+s14], $0x80, s8, s14, $0xb8;
	[tilespmem:$0x15000] =	vst v63  }
0x87: {  	s10 =	sadd.s32 $0x100, s7  }
0x88: {  	[tilespmem:s17], [sflag:$0x3] =	stream.indirect.gather [hbm4b:s3+s14], $0x80, s10, s14, $0xb8;
	[tilespmem:$0x15000] =	vst v63  }
0x89: {  	s9 =	sadd.s32 $0x180, s7  }
0x8a: {  	[tilespmem:s18], [sflag:$0x4] =	stream.indirect.gather [hbm4b:s3+s14], $0x80, s9, s14, $0xb8;
	[tilespmem:$0x15000] =	vst v63  }
0x8b: {  	_ =	swait.ge [sflag:s19], $0x4000  }
0x8c: {  	[sflag:s19] =	ssyncset.done $0x0  }
0x8d: {  	s10 =	sadd.s32 $0x2800, s7;
	[sflag:s19] =	ssyncadd.s32 $0xFFFFC000  }
0x8e: {  	[tilespmem:s15], [sflag:$0x5] =	stream.indirect.gather.add.f32 [hbm:s4], $0x80, s10, s14, $0xb8;
	[tilespmem:$0x15000] =	vst v63  }
0x8f: {  	_ =	swait.ge [sflag:s20], $0x4000  }
0x90: {  	[sflag:s20] =	ssyncset.done $0x0  }
0x91: {  	s9 =	sadd.s32 $0x2880, s7;
	[sflag:s20] =	ssyncadd.s32 $0xFFFFC000  }
0x92: {  	[tilespmem:s16], [sflag:$0x6] =	stream.indirect.gather.add.f32 [hbm:s4], $0x80, s9, s14, $0xb8;
	[tilespmem:$0x15000] =	vst v63  }
0x93: {  	_ =	swait.ge [sflag:s21], $0x4000  }
0x94: {  	[sflag:s21] =	ssyncset.done $0x0  }
0x95: {  	s10 =	sadd.s32 $0x2900, s7;
	[sflag:s21] =	ssyncadd.s32 $0xFFFFC000  }
0x96: {  	[tilespmem:s17], [sflag:$0x7] =	stream.indirect.gather.add.f32 [hbm:s4], $0x80, s10, s14, $0xb8;
	[tilespmem:$0x15000] =	vst v63  }
0x97: {  	_ =	swait.ge [sflag:s22], $0x4000  }
0x98: {  	[sflag:s22] =	ssyncset.done $0x0  }
0x99: {  	s7 =	sadd.s32 $0x2980, s7;
	[sflag:s22] =	ssyncadd.s32 $0xFFFFC000  }
0x9a: {  	[tilespmem:s18], [sflag:$0x8] =	stream.indirect.gather.add.f32 [hbm:s4], $0x80, s7, s14, $0xb8;
	[tilespmem:$0x15000] =	vst v63  }
0x9b: {  	_ =	swait.ge [sflag:s23], $0x4000  }
0x9c: {  	[sflag:s23] =	ssyncset.done $0x0  }
0x9d: {  	[sflag:s23] =	ssyncadd.s32 $0xFFFFC000  }
0x9e: {  	[hbm4b:s6+s2] =	stream.linear.scatter [tilespmem:s15], [sflag:$0x9], $0x4000, $0x38;
	[tilespmem:$0x15000] =	vst v63  }
0x9f: {  	_ =	swait.ge [sflag:s24], $0x4000  }
0xa0: {  	[sflag:s24] =	ssyncset.done $0x0  }
0xa1: {  	[sflag:s24] =	ssyncadd.s32 $0xFFFFC000  }
0xa2: {  	[hbm4b:s13+s2] =	stream.linear.scatter [tilespmem:s16], [sflag:$0xA], $0x4000, $0x38;
	[tilespmem:$0x15000] =	vst v63  }
0xa3: {  	_ =	swait.ge [sflag:s25], $0x4000  }
0xa4: {  	[sflag:s25] =	ssyncset.done $0x0  }
0xa5: {  	[sflag:s25] =	ssyncadd.s32 $0xFFFFC000  }
0xa6: {  	[hbm4b:s5+s2] =	stream.linear.scatter [tilespmem:s17], [sflag:$0xB], $0x4000, $0x38;
	[tilespmem:$0x15000] =	vst v63  }
0xa7: {  	_ =	swait.ge [sflag:s26], $0x4000  }
0xa8: {  	[sflag:s26] =	ssyncset.done $0x0  }
0xa9: {  	[sflag:s26] =	ssyncadd.s32 $0xFFFFC000  }
0xaa: {  	[hbm4b:s1+s2] =	stream.linear.scatter [tilespmem:s18], [sflag:$0xC], $0x4000, $0x38;
	[tilespmem:$0x15000] =	vst v63  }
0xab: {  	_ =	swait.ge [sflag:s28], $0x4000  }
0xac: {  	[sflag:s28] =	ssyncset.done $0x0  }
0xad: {  	[sflag:s28] =	ssyncadd.s32 $0xFFFFC000  }
0xae: {  	_ =	swait.ge [sflag:s29], $0x4000  }
0xaf: {  	[sflag:s29] =	ssyncset.done $0x0  }
0xb0: {  	[sflag:s29] =	ssyncadd.s32 $0xFFFFC000  }
0xb1: {  	_ =	swait.ge [sflag:s30], $0x4000  }
0xb2: {  	[sflag:s30] =	ssyncset.done $0x0  }
0xb3: {  	[sflag:s30] =	ssyncadd.s32 $0xFFFFC000  }
0xb4: {  	_ =	swait.ge [sflag:s31], $0x4000  }
0xb5: {  	s0 =	sadd.s32 $0x1, s0;
	s13 =	rddreg [dreg:$0x4]  }
0xb6: {  	p0 =	sne.s32 s0, s13  }
.Ltmp1:
0xb7: {  	_ = 	snop;
	(pc) =	sbr.rel @p0 .LBB2_1-.Ltmp1, $3  }
0xb8: {  	_ =	sdelay $0x1  }
0xb9: {  	[sflag:s31] =	ssyncset.done $0x0  }
0xba: {  	[sflag:s31] =	ssyncadd.s32 $0xFFFFC000  }
0xbb: {  	_ =	sfence.sel $0x180000  }
0xbc: {  	[bflag:$0x0] =	sbarrier.arrive $0xFFFF  }
0xbd: {  	_ =	strace $0x90000056  }
0xbe: {  	s0 =	stileid.u32;
	[bflag:$0x2] =	sbarrier.arrive $0xFFFF  }
0xbf: {  	p0 =	sne.s32 s0, $0x0;
	s0 =	rddreg [dreg:$0x1]  }
0xc0: {  	s0 =	sadd.s32 @!p0 $0x100000, s0  }
0xc1: {  	[sflag:s0] =	ssyncadd.tile.s32 @!p0 $0x1;
	_ =	shalt  }
.Lfunc_end2:
_tile_overlayer_lowered:
.L_overlay_start_2:
0xc2: {  	(tag) =	ssettag $0x2  }
0xc3: {  	s0 =	rddreg [dreg:$0x0];
	s2 =	stileid.u32  }
0xc4: {  	s1 =	rddreg [dreg:$0x1];
	p0 =	sne.s32 s2, $0x0  }
0xc5: {  	s3 =	rddreg [dreg:$0x2];
	[bflag:$0x3] =	sbarrier.arrive $0xFFFF;
	s2 =	simm.s32 @!p0 $0x1C0D  }
0xc6: {  	[timem:s3], [sflag:s2] =	dma.local @!p0 [hbm:s0], s1  }
0xc7: {  	s0 =	simm.s32 @!p0 $0xD  }
0xc8: {  	_ =	swait.ge @!p0 [sflag:s0], s1  }
0xc9: {  	s1 =	ssub.s32 @!p0 $0x0, s1;
	[sflag:s0] =	ssyncset.done @!p0 $0x0  }
0xca: {  	[sflag:s0] =	ssyncadd.s32 @!p0 s1  }
0xcb: {  	[bflag:$0x3] =	sbarrier.arrive $0xFFFF  }
0xcc: {  	_ =	shalt  }

// kernel: kernel.24.cloned.1.call-start
scs
__scs_entry_jumppad:
0x0: {  	(pc) =	sbr.rel $0x88, $3  }
0x1: {  	(tag) =	ssettag $0x0;
	lr =	simm.s32 $0x1  }
0x2: {  	[smem:$0x3F95] =	sst lr;
	_ =	strace $0xD0000000  }
0x3: {  	_ = 	snop  }
0x4: {  	_ = 	snop  }
0x5: {  	_ = 	snop  }
0x6: {  	_ = 	snop  }
0x7: {  	_ = 	snop  }
__scs_overlays_trampoline_lowered:
0x8: {  	[smem:$0x3FA4] =	sst s0  }
0x9: {  	[smem:$0x3FA5] =	sst s1  }
0xa: {  	[smem:$0x3FA6] =	sst s2  }
0xb: {  	[smem:$0x3FA7] =	sst s3  }
0xc: {  	[smem:$0x3FA8] =	sst s4  }
0xd: {  	[smem:$0x3FA9] =	sst s5  }
0xe: {  	[smem:$0x3FAA] =	sst s6  }
0xf: {  	[smem:$0x3FAB] =	sst s7  }
0x10: {  	[smem:$0x3FAC] =	sst s8  }
0x11: {  	[smem:$0x3FAD] =	sst s9;
	s0 =	simm.s32 @!p0 $0x0  }
0x12: {  	s1 =	sld [smem:$0x3F93];
	s0 =	simm.s32 @p0 $0x1  }
0x13: {  	[smem:$0x3FAE] =	sst s0;
	s0 =	simm.s32 @!p1 $0x0  }
0x14: {  	s2 =	sld [smem:$0x3F92];
	s0 =	simm.s32 @p1 $0x1  }
0x15: {  	[smem:$0x3FAF] =	sst s0;
	s0 =	simm.s32 @!p2 $0x0  }
0x16: {  	s3 =	sld [smem:$0x3FDB];
	s0 =	simm.s32 @p2 $0x1  }
0x17: {  	s4 =	simm.s32 $0x1BF5;
	[smem:$0x3FB1] =	sst s0  }
0x18: {  	s0 =	sld [smem:$0x3F94];
	_ =	swait.ge [sflag:s4], $0x0  }
0x19: {  	s7 =	sld [smem:$0x3F95]  }
0x1a: {  	s8 =	sadd.s32 $0xFFFFE003, lr  }
0x1b: {  	s9 =	sadd.s32 $0xFFFFFEF7, lr;
	s5 =	simm.s32 $0xFFFFFFFF;
	p2 =	slt.u32 s8, $0xFFFFF086  }
0x1c: {  	p1 =	slt.u32 s9, $0xF7A;
	s5 =	simm.s32 @!p2 $0x0  }
0x1d: {  	s5 =	simm.s32 @p1 $0x1;
	p0 =	seq.s32 s7, s2  }
0x1e: {  	s7 =	smul.u32 @!p0 $0xF7A, s2;
	p2 =	seq.s32 @!p0 s5, $0x0  }
0x1f: {  	s9 =	smul.u32 $0xF7A, s1;
	s8 =	simm.s32 @!p0 $0x1BF5;
	p2 =	por !p2, p0  }
0x20: {  	[sflag:s8] =	ssyncset.s32 @!p0 $0xFFFFF086;
	s6 =	sadd.s32 @!p0 s3, s7;
	s7 =	simm.s32 @!p0 $0x108  }
0x21: {  	s3 =	sadd.s32 s3, s9;
	s6 =	sadd.s32 @!p0 $0x88, s6;
	s7 =	simm.s32 @p2 $0x1082  }
0x22: {  	[simem:s7], [sflag:s8] =	dma.local @!p0 [hbm:s6], $0xF7A  }
0x23: {  	s9 =	sor.u32 $0xD0000000, s2;
	s6 =	simm.s32 $0x108;
	_ =	swait.ge @!p0 [sflag:s8], $0x0  }
0x24: {  	s3 =	sadd.s32 $0x88, s3;
	s6 =	simm.s32 @!p1 $0x1082;
	[sflag:s4] =	ssyncset.s32 $0xFFFFF086  }
0x25: {  	[simem:s6], [sflag:s4] =	dma.local [hbm:s3], $0xF7A  }
0x26: {  	[smem:$0x3F95] =	sst s1;
	(tag) =	ssettag s2;
	_ =	strace s9  }
0x27: {  	s1 =	sld [smem:$0x3FA5]  }
0x28: {  	s2 =	sld [smem:$0x3FA6]  }
0x29: {  	s4 =	sld [smem:$0x3FA8]  }
0x2a: {  	p0 =	seq.s32 s5, $0x0;
	s5 =	sld [smem:$0x3FA9]  }
0x2b: {  	s6 =	sld [smem:$0x3FAA]  }
0x2c: {  	s7 =	sld [smem:$0x3FAB]  }
0x2d: {  	s3 =	simm.s32 $0x108;
	s8 =	sld [smem:$0x3FAC]  }
0x2e: {  	s3 =	simm.s32 @!p0 $0x1082;
	s9 =	sld [smem:$0x3FAD]  }
0x2f: {  	lr =	sadd.s32 s0, s3;
	s0 =	sld [smem:$0x3FA4]  }
0x30: {  	s3 =	sld [smem:$0x3FA7]  }
0x31: {  	[smem:$0x3FB0] =	sst s10  }
0x32: {  	s10 =	sld [smem:$0x3FAE];
	_ =	sdelay $0x3  }
0x33: {  	p0 =	seq.s32 s10, $0x1;
	s10 =	sld [smem:$0x3FB0];
	_ =	sdelay $0x3  }
0x34: {  	[smem:$0x3FB0] =	sst s10  }
0x35: {  	s10 =	sld [smem:$0x3FAF];
	_ =	sdelay $0x3  }
0x36: {  	p1 =	seq.s32 s10, $0x1;
	s10 =	sld [smem:$0x3FB0];
	_ =	sdelay $0x3  }
0x37: {  	[smem:$0x3FB0] =	sst s10  }
0x38: {  	s10 =	sld [smem:$0x3FB1]  }
0x39: {  	_ = 	snop;
	(pc) =	sbr.ind lr, $3  }
0x3a: {  	_ = 	snop  }
0x3b: {  	_ = 	snop  }
0x3c: {  	p2 =	seq.s32 s10, $0x1;
	s10 =	sld [smem:$0x3FB0]  }
0x3d: {  	_ =	shalt  }
0x3e: {  	_ =	shalt  }
0x3f: {  	_ =	shalt  }
0x40: {  	_ =	shalt  }
0x41: {  	_ =	shalt  }
0x42: {  	_ =	shalt  }
0x43: {  	_ =	shalt  }
0x44: {  	_ =	shalt  }
0x45: {  	_ =	shalt  }
0x46: {  	_ =	shalt  }
0x47: {  	_ =	shalt  }
0x48: {  	_ =	shalt  }
0x49: {  	_ =	shalt  }
0x4a: {  	_ =	shalt  }
0x4b: {  	_ =	shalt  }
0x4c: {  	_ =	shalt  }
0x4d: {  	_ =	shalt  }
0x4e: {  	_ =	shalt  }
0x4f: {  	_ =	shalt  }
0x50: {  	_ =	shalt  }
0x51: {  	_ =	shalt  }
0x52: {  	_ =	shalt  }
0x53: {  	_ =	shalt  }
0x54: {  	_ =	shalt  }
0x55: {  	_ =	shalt  }
0x56: {  	_ =	shalt  }
0x57: {  	_ =	shalt  }
0x58: {  	_ =	shalt  }
0x59: {  	_ =	shalt  }
0x5a: {  	_ =	shalt  }
0x5b: {  	_ =	shalt  }
0x5c: {  	_ =	shalt  }
0x5d: {  	_ =	shalt  }
0x5e: {  	_ =	shalt  }
0x5f: {  	_ =	shalt  }
0x60: {  	_ =	shalt  }
0x61: {  	_ =	shalt  }
0x62: {  	_ =	shalt  }
0x63: {  	_ =	shalt  }
0x64: {  	_ =	shalt  }
0x65: {  	_ =	shalt  }
0x66: {  	_ =	shalt  }
0x67: {  	_ =	shalt  }
0x68: {  	_ =	shalt  }
0x69: {  	_ =	shalt  }
0x6a: {  	_ =	shalt  }
0x6b: {  	_ =	shalt  }
0x6c: {  	_ =	shalt  }
0x6d: {  	_ =	shalt  }
0x6e: {  	_ =	shalt  }
0x6f: {  	_ =	shalt  }
0x70: {  	_ =	shalt  }
0x71: {  	_ =	shalt  }
0x72: {  	_ =	shalt  }
0x73: {  	_ =	shalt  }
0x74: {  	_ =	shalt  }
0x75: {  	_ =	shalt  }
0x76: {  	_ =	shalt  }
0x77: {  	_ =	shalt  }
0x78: {  	_ =	shalt  }
0x79: {  	_ =	shalt  }
0x7a: {  	_ =	shalt  }
0x7b: {  	_ =	shalt  }
0x7c: {  	_ =	shalt  }
0x7d: {  	_ =	shalt  }
0x7e: {  	_ =	shalt  }
0x7f: {  	_ =	shalt  }
0x80: {  	_ =	shalt  }
0x81: {  	_ =	shalt  }
0x82: {  	_ =	shalt  }
0x83: {  	_ =	shalt  }
0x84: {  	_ =	shalt  }
0x85: {  	_ =	shalt  }
0x86: {  	_ =	shalt  }
0x87: {  	_ =	shalt  }
.Lfunc_end0:
.L_simem_size_0:
called_computation.4_lowered:
.L_overlay_start_0:
0x88: {  	s2 =	sld [smem:$0x3FD9]  }
0x89: {  	s3 =	sld [smem:$0x3FFE];
	_ =	sdelay $0x1  }
0x8a: {  	s1 =	srdreg.scid  }
0x8b: {  	s0 =	sand.u32 $0x1, s1  }
0x8c: {  	s16 =	sshll.u32 s0, $0xA;
	s2 =	sadd.s32 s3, s2  }
0x8d: {  	s2 =	sadd.s32 s2, s16  }
0x8e: {  	[smem:$0x3FBC] =	sst s2  }
0x8f: {  	_ = 	snop  }
0x90: {  	(tm) =	ssettm $0x1  }
0x91: {  	s17 =	sld [smem:$0x3FFB];
	_ =	sdelay $0x3  }
0x92: {  	_ =	strace s17  }
0x93: {  	s2 =	sld [smem:$0x3FFC];
	_ =	sdelay $0x3  }
0x94: {  	_ =	strace s2  }
0x95: {  	s2 =	sld [smem:$0x3FFD];
	_ =	sdelay $0x3  }
0x96: {  	_ =	strace s2  }
0x97: {  	_ =	strace $0x8FFFFFFF  }
0x98: {  	s18 =	sld [smem:$0x3FDB];
	_ =	sdelay $0x1  }
0x99: {  	s19 =	simm.s32 $_scs_section_size  }
0x9a: {  	s4 =	simm.s32 $_size__tile_overlayer_lowered;
	s5 =	simm.s32 $_tile_overlayer_lowered  }
0x9b: {  	s22 =	simm.s32 $0x1BFF;
	s21 =	sshll.u32 s5, $0x1;
	s2 =	sadd.s32 s19, s18  }
0x9c: {  	s6 =	simm.s32 $0x0;
	s20 =	sshll.u32 s4, $0x1;
	s4 =	sadd.s32 s21, s2  }
0x9d: {  	[timem:s6], [sflag:s22] =	dma.local [hbm:s4], s20  }
0x9e: {  	_ =	swait.ge [sflag:s22], s20  }
0x9f: {  	s3 =	ssub.s32 $0x0, s20;
	[sflag:s22] =	ssyncset.done $0x0  }
0xa0: {  	[sflag:s22] =	ssyncadd.s32 s3;
	_ =	sdelay $0x1  }
0xa1: {  	s23 =	simm.s32 $0x1B8B  }
0xa2: {  	_ =	swait.ge [sflag:s23], $0x1  }
0xa3: {  	[sflag:s23] =	ssyncset.done $0x0  }
0xa4: {  	s25 =	simm.s32 $0x1B8E;
	s24 =	sld [smem:$0x3FFE];
	[sflag:s23] =	ssyncadd.s32 $0xFFFFFFFF  }
0xa5: {  	s26 =	simm.s32 $execute0_lowered;
	[smem:$0x3FD2] =	sst s25  }
0xa6: {  	s4 =	sshll.u32 s26, $0x1;
	_ =	strace $0x8000004C;
	[dreg:$0x1] =	wrdreg $0xFFFFFFFF  }
0xa7: {  	s28 =	simm.s32 $_size_execute0_lowered;
	s2 =	sadd.s32 s2, s4;
	[dreg:$0x0] =	wrdreg $0x0  }
0xa8: {  	s4 =	sshll.u32 s28, $0x1;
	[dreg:$0x2] =	wrdreg s2  }
0xa9: {  	[dreg:$0x3] =	wrdreg s4  }
0xaa: {  	[dreg:$0x4] =	wrdreg $0xC0  }
0xab: {  	_ =	task [dreg:s6], $0x5FFFF  }
0xac: {  	[dreg:$0x1] =	wrdreg $0xFFFFFFFF  }
0xad: {  	[dreg:$0x0] =	wrdreg $0x60  }
0xae: {  	[dreg:$0x2] =	wrdreg s24  }
0xaf: {  	[dreg:$0x3] =	wrdreg $0x90000  }
0xb0: {  	[dreg:$0x4] =	wrdreg $0x9  }
0xb1: {  	_ =	task.clear_ibuf [dreg:s6], $0x5FFFF;
	_ =	strace $0x9000004C  }
0xb2: {  	s29 =	simm.s32 $0x9;
	_ =	strace $0x8000004E  }
0xb3: {  	_ =	swait.ge [sflag:s29], $0x1  }
0xb4: {  	[sflag:s29] =	ssyncadd.s32 $0xFFFFFFFF  }
0xb5: {  	_ =	strace $0x9000004E  }
0xb6: {  	_ =	sfence  }
0xb7: {  	s30 =	sld [smem:$0x0];
	_ =	sdelay $0x2  }
0xb8: {  	s31 =	sshll.u32 s1, $0xD;
	s1 =	sshrl.u32 s1, $0x2  }
0xb9: {  	s3 =	sand.u32 $0x4000, s31;
	s1 =	sadd.s32 s1, s30  }
0xba: {  	s0 =	sor.u32 s3, s0;
	s1 =	sshll.u32 s1, $0x11  }
0xbb: {  	s0 =	sor.u32 s1, s0  }
0xbc: {  	s0 =	sadd.s32 $0x8F2B, s0  }
0xbd: {  	[sflag:s0] =	ssyncadd.remote.s32 $0x1  }
0xbe: {  	_ =	sfence.sel $0xFFFF  }
0xbf: {  	[dreg:$0x0] =	wrdreg $0xFFFFFFFF;
	(pc) =	sbr.abs _section_cstart, $3  }
0xc0: {  	[dreg:$0x1] =	wrdreg $0xFFFFFFFF  }
0xc1: {  	_ =	task.clear_ibuf [dreg:s6], $0x2FFFF;
	_ =	strace $0x9FFFFFFF  }
0xc2: {  	(tm) =	ssettm $0x7FFFFFFF  }
0xc3: {  	_ =	shalt  }
tec
execute0_lowered:
.L_overlay_start_1:
0x0: {  	(tag) =	ssettag $0x1  }
0x1: {  	s5 =	rddreg [dreg:$0x0]  }
0x2: {  	s2 =	rddreg [dreg:$0x1]  }
0x3: {  	s0 =	srdreg.scid;
	s1 =	rddreg [dreg:$0x2];
	s3 =	simm.s32 $0x0  }
0x4: {  	s14 =	simm.s32 $0x80;
	s15 =	simm.s32 $0x5000;
	s6 =	sand.u32 $0x1, s0  }
0x5: {  	s16 =	simm.s32 $0x7000;
	s0 =	stileid.u32;
	s4 =	smul.u32 $0x28000, s6  }
0x6: {  	s17 =	simm.s32 $0x1;
	s18 =	simm.s32 $0x2;
	s7 =	smul.u32 $0x2800, s0  }
0x7: {  	s19 =	simm.s32 $0x3;
	s20 =	simm.s32 $0x4;
	s31 =	smul.u32 $0x9E00, s0  }
0x8: {  	s21 =	simm.s32 $0x0;
	[smem:$0x7FF] =	sst s3;
	s8 =	smul.u32 $0x9E000, s6  }
0x9: {  	_ =	strace $0x8000004D;
	s6 =	ssub.s32 $0x2, s6;
	s12 =	sshll.u32 s0, $0x6  }
0xa: {  	s11 =	sshrl.u32 s6, $0x1;
	s12 =	sor.u32 $0x1C05, s12;
	s4 =	sadd.s32 s7, s4  }
0xb: {  	s10 =	sshrl.u32 s31, $0x3;
	s8 =	sadd.s32 s31, s8;
	s11 =	ssub.s32 s6, s11  }
0xc: {  	s13 =	sadd.s32 s31, s2;
	s4 =	sshrl.u32 s4, $0x3;
	s10 =	sadd.s32 s10, s5  }
0xd: {  	s8 =	sshrl.u32 s8, $0x3;
	s13 =	sshrl.u32 s13, $0x3;
	s9 =	sadd.s32 s4, s5  }
0xe: {  	s4 =	sadd.s32 $0xAA200, s5;
	s8 =	sadd.s32 s8, s5;
	s7 =	sadd.s32 $0xBDC00, s10  }
0xf: {  	s10 =	simm.s32 $0x5;
	s5 =	sadd.s32 $0x16C00, s9;
	s6 =	sadd.s32 $0x2E00, s9  }
0x10: {  	s8 =	sadd.s32 $0xD1800, s8;
	s9 =	smax.u32 s11, $0x1;
	s11 =	simm.s32 $0x2800  }
.LBB2_1:
0x11: {  	[tilespmem:s3], [sflag:$0x5] =	stream.linear.gather [hbm4b:s5+s3], $0x2800, $0x38;
	[tilespmem:$0x12E00] =	vst v63  }
0x12: {  	_ =	swait.ge [sflag:s10], $0x2800  }
0x13: {  	[sflag:s10] =	ssyncset.done $0x0  }
0x14: {  	[sflag:s10] =	ssyncadd.s32 $0xFFFFD800  }
0x15: {  	[tilespmem:s11], [sflag:$0x5] =	stream.linear.gather [hbm4b:s6+s3], $0x2800, $0x38;
	[tilespmem:$0x12E00] =	vst v63  }
0x16: {  	_ =	swait.ge [sflag:s10], $0x2800  }
0x17: {  	[sflag:s10] =	ssyncset.done $0x0  }
0x18: {  	[sflag:s10] =	ssyncadd.s32 $0xFFFFD800  }
0x19: {  	[spmem:s13], [sflag:s12] =	dma.local [hbm:s7], $0x13C0  }
0x1a: {  	_ =	swait.ge [sflag:s10], $0x13C0  }
0x1b: {  	[sflag:s10] =	ssyncset.done $0x0  }
0x1c: {  	[sflag:s10] =	ssyncadd.s32 $0xFFFFEC40  }
0x1d: {  	s22 =	simm.s32 $0x0;
	[bflag:$0x0] =	sbarrier.arrive $0xFFFF  }
0x1e: {  	[tilespmem:s15], [sflag:$0x1] =	stream.indirect.gather [hbm4b:s4+s14], $0x40, s22, s14, $0xb8;
	[tilespmem:$0x12E00] =	vst v63  }
0x1f: {  	s29 =	simm.s32 $0x80  }
0x20: {  	[tilespmem:s16], [sflag:$0x2] =	stream.indirect.gather [hbm4b:s4+s14], $0x40, s29, s14, $0xb8;
	[tilespmem:$0x12E00] =	vst v63  }
0x21: {  	_ =	swait.ge [sflag:s17], $0x2000  }
0x22: {  	[sflag:s17] =	ssyncset.done $0x0  }
0x23: {  	s30 =	simm.s32 $0x2800;
	[sflag:s17] =	ssyncadd.s32 $0xFFFFE000  }
0x24: {  	[spmem:s2] =	stream.indirect.scatter.add.f32 [tilespmem:s15], [sflag:$0x3], $0x40, s30, s14, $0xb8;
	[tilespmem:$0x12E00] =	vst v63  }
0x25: {  	_ =	swait.ge [sflag:s18], $0x2000  }
0x26: {  	[sflag:s18] =	ssyncset.done $0x0  }
0x27: {  	s31 =	simm.s32 $0x2880;
	[sflag:s18] =	ssyncadd.s32 $0xFFFFE000  }
0x28: {  	[spmem:s2] =	stream.indirect.scatter.add.f32 [tilespmem:s16], [sflag:$0x4], $0x40, s31, s14, $0xb8;
	[tilespmem:$0x12E00] =	vst v63  }
0x29: {  	_ =	swait.ge [sflag:s19], $0x2000  }
0x2a: {  	[sflag:s19] =	ssyncset.done $0x0  }
0x2b: {  	[sflag:s19] =	ssyncadd.s32 $0xFFFFE000  }
0x2c: {  	_ =	swait.ge [sflag:s20], $0x2000  }
0x2d: {  	s23 =	simm.s32 $0x800;
	s22 =	simm.s32 $0x400;
	[sflag:s20] =	ssyncset.done $0x0  }
.LBB2_2:
0x2e: {  	s24 =	sshra.s32 s22, $0x2  }
0x2f: {  	[sflag:s20] =	ssyncadd.s32 $0xFFFFE000;
	s22 =	smov.u32 s23;
	s25 =	sadd.s32 $0x400, s23  }
0x30: {  	[tilespmem:s15], [sflag:$0x1] =	stream.indirect.gather [hbm4b:s4+s14], $0x40, s24, s14, $0xb8;
	[tilespmem:$0x12E00] =	vst v63  }
0x31: {  	p0 =	sne.s32 s23, $0x9C00;
	s23 =	sadd.s32 $0x80, s24  }
0x32: {  	[tilespmem:s16], [sflag:$0x2] =	stream.indirect.gather [hbm4b:s4+s14], $0x40, s23, s14, $0xb8;
	[tilespmem:$0x12E00] =	vst v63  }
0x33: {  	_ =	swait.ge [sflag:s17], $0x2000  }
0x34: {  	[sflag:s17] =	ssyncset.done $0x0  }
0x35: {  	s23 =	sadd.s32 $0x2800, s24;
	[sflag:s17] =	ssyncadd.s32 $0xFFFFE000  }
0x36: {  	[spmem:s2] =	stream.indirect.scatter.add.f32 [tilespmem:s15], [sflag:$0x3], $0x40, s23, s14, $0xb8;
	[tilespmem:$0x12E00] =	vst v63  }
0x37: {  	_ =	swait.ge [sflag:s18], $0x2000  }
0x38: {  	[sflag:s18] =	ssyncset.done $0x0  }
0x39: {  	s23 =	sadd.s32 $0x2880, s24;
	[sflag:s18] =	ssyncadd.s32 $0xFFFFE000  }
0x3a: {  	[spmem:s2] =	stream.indirect.scatter.add.f32 [tilespmem:s16], [sflag:$0x4], $0x40, s23, s14, $0xb8;
	[tilespmem:$0x12E00] =	vst v63  }
.Ltmp0:
0x3b: {  	_ =	swait.ge [sflag:s19], $0x2000;
	(pc) =	sbr.rel @p0 .LBB2_2-.Ltmp0, $4  }
0x3c: {  	[sflag:s19] =	ssyncset.done $0x0  }
0x3d: {  	[sflag:s19] =	ssyncadd.s32 $0xFFFFE000  }
0x3e: {  	_ =	swait.ge [sflag:s20], $0x2000  }
0x3f: {  	s23 =	smov.u32 s25;
	[sflag:s20] =	ssyncset.done $0x0  }
0x40: {  	s22 =	sshra.s32 s22, $0x2;
	[sflag:s20] =	ssyncadd.s32 $0xFFFFE000  }
0x41: {  	[tilespmem:s15], [sflag:$0x1] =	stream.indirect.gather [hbm4b:s4+s14], $0x40, s22, s14, $0xb8;
	[tilespmem:$0x12E00] =	vst v63  }
0x42: {  	s23 =	sadd.s32 $0x80, s22  }
0x43: {  	[tilespmem:s16], [sflag:$0x2] =	stream.indirect.gather [hbm4b:s4+s14], $0x40, s23, s14, $0xb8;
	[tilespmem:$0x12E00] =	vst v63  }
0x44: {  	_ =	swait.ge [sflag:s17], $0x2000  }
0x45: {  	[sflag:s17] =	ssyncset.done $0x0  }
0x46: {  	s31 =	sadd.s32 $0x2800, s22;
	[sflag:s17] =	ssyncadd.s32 $0xFFFFE000  }
0x47: {  	[spmem:s2] =	stream.indirect.scatter.add.f32 [tilespmem:s15], [sflag:$0x3], $0x40, s31, s14, $0xb8;
	[tilespmem:$0x12E00] =	vst v63  }
0x48: {  	_ =	swait.ge [sflag:s18], $0x2000  }
0x49: {  	[sflag:s18] =	ssyncset.done $0x0  }
0x4a: {  	s22 =	sadd.s32 $0x2880, s22;
	[sflag:s18] =	ssyncadd.s32 $0xFFFFE000  }
0x4b: {  	[spmem:s2] =	stream.indirect.scatter.add.f32 [tilespmem:s16], [sflag:$0x4], $0x40, s22, s14, $0xb8;
	[tilespmem:$0x12E00] =	vst v63  }
0x4c: {  	_ =	swait.ge [sflag:s19], $0x2000  }
0x4d: {  	[sflag:s19] =	ssyncset.done $0x0  }
0x4e: {  	[sflag:s19] =	ssyncadd.s32 $0xFFFFE000  }
0x4f: {  	_ =	swait.ge [sflag:s20], $0x2000  }
0x50: {  	s21 =	sadd.s32 $0x1, s21;
	[sflag:s20] =	ssyncset.done $0x0  }
0x51: {  	p0 =	sne.s32 s21, s9;
	[sflag:s20] =	ssyncadd.s32 $0xFFFFE000  }
.Ltmp1:
0x52: {  	[bflag:$0x0] =	sbarrier.arrive $0xFFFF;
	(pc) =	sbr.rel @p0 .LBB2_1-.Ltmp1, $4  }
0x53: {  	[hbm:s8], [sflag:s12] =	dma.local [spmem:s13], $0x13C0  }
0x54: {  	_ =	swait.ge [sflag:s10], $0x13C0  }
0x55: {  	[sflag:s10] =	ssyncset.done $0x0  }
0x56: {  	[sflag:s10] =	ssyncadd.s32 $0xFFFFEC40  }
0x57: {  	_ =	sfence.sel $0x180000  }
0x58: {  	[bflag:$0x0] =	sbarrier.arrive $0xFFFF  }
0x59: {  	p0 =	sne.s32 s0, $0x0;
	_ =	strace $0x9000004D  }
0x5a: {  	s0 =	sadd.s32 @!p0 $0x100000, s1;
	[bflag:$0x2] =	sbarrier.arrive $0xFFFF  }
0x5b: {  	[sflag:s0] =	ssyncadd.tile.s32 @!p0 $0x1;
	_ =	shalt  }
.Lfunc_end2:
_tile_overlayer_lowered:
.L_overlay_start_2:
0x5c: {  	(tag) =	ssettag $0x2  }
0x5d: {  	s0 =	rddreg [dreg:$0x0];
	s2 =	stileid.u32  }
0x5e: {  	s1 =	rddreg [dreg:$0x1];
	p0 =	sne.s32 s2, $0x0  }
0x5f: {  	s3 =	rddreg [dreg:$0x2];
	[bflag:$0x3] =	sbarrier.arrive $0xFFFF;
	s2 =	simm.s32 @!p0 $0x1C05  }
0x60: {  	[timem:s3], [sflag:s2] =	dma.local @!p0 [hbm:s0], s1  }
0x61: {  	s0 =	simm.s32 @!p0 $0x5  }
0x62: {  	_ =	swait.ge @!p0 [sflag:s0], s1  }
0x63: {  	s1 =	ssub.s32 @!p0 $0x0, s1;
	[sflag:s0] =	ssyncset.done @!p0 $0x0  }
0x64: {  	[sflag:s0] =	ssyncadd.s32 @!p0 s1  }
0x65: {  	[bflag:$0x3] =	sbarrier.arrive $0xFFFF  }
0x66: {  	_ =	shalt  }

// kernel: kernel.27.cloned.1.call-start
scs
__scs_entry_jumppad:
0x0: {  	(pc) =	sbr.rel $0x88, $3  }
0x1: {  	(tag) =	ssettag $0x0;
	lr =	simm.s32 $0x1  }
0x2: {  	[smem:$0x3F95] =	sst lr;
	_ =	strace $0xD0000000  }
0x3: {  	_ = 	snop  }
0x4: {  	_ = 	snop  }
0x5: {  	_ = 	snop  }
0x6: {  	_ = 	snop  }
0x7: {  	_ = 	snop  }
__scs_overlays_trampoline_lowered:
0x8: {  	[smem:$0x3FA4] =	sst s0  }
0x9: {  	[smem:$0x3FA5] =	sst s1  }
0xa: {  	[smem:$0x3FA6] =	sst s2  }
0xb: {  	[smem:$0x3FA7] =	sst s3  }
0xc: {  	[smem:$0x3FA8] =	sst s4  }
0xd: {  	[smem:$0x3FA9] =	sst s5  }
0xe: {  	[smem:$0x3FAA] =	sst s6  }
0xf: {  	[smem:$0x3FAB] =	sst s7  }
0x10: {  	[smem:$0x3FAC] =	sst s8  }
0x11: {  	[smem:$0x3FAD] =	sst s9;
	s0 =	simm.s32 @!p0 $0x0  }
0x12: {  	s1 =	sld [smem:$0x3F93];
	s0 =	simm.s32 @p0 $0x1  }
0x13: {  	[smem:$0x3FAE] =	sst s0;
	s0 =	simm.s32 @!p1 $0x0  }
0x14: {  	s2 =	sld [smem:$0x3F92];
	s0 =	simm.s32 @p1 $0x1  }
0x15: {  	[smem:$0x3FAF] =	sst s0;
	s0 =	simm.s32 @!p2 $0x0  }
0x16: {  	s3 =	sld [smem:$0x3FDB];
	s0 =	simm.s32 @p2 $0x1  }
0x17: {  	s4 =	simm.s32 $0x1BF5;
	[smem:$0x3FB1] =	sst s0  }
0x18: {  	s0 =	sld [smem:$0x3F94];
	_ =	swait.ge [sflag:s4], $0x0  }
0x19: {  	s7 =	sld [smem:$0x3F95]  }
0x1a: {  	s8 =	sadd.s32 $0xFFFFE003, lr  }
0x1b: {  	s9 =	sadd.s32 $0xFFFFFEF7, lr;
	s5 =	simm.s32 $0xFFFFFFFF;
	p2 =	slt.u32 s8, $0xFFFFF086  }
0x1c: {  	p1 =	slt.u32 s9, $0xF7A;
	s5 =	simm.s32 @!p2 $0x0  }
0x1d: {  	s5 =	simm.s32 @p1 $0x1;
	p0 =	seq.s32 s7, s2  }
0x1e: {  	s7 =	smul.u32 @!p0 $0xF7A, s2;
	p2 =	seq.s32 @!p0 s5, $0x0  }
0x1f: {  	s9 =	smul.u32 $0xF7A, s1;
	s8 =	simm.s32 @!p0 $0x1BF5;
	p2 =	por !p2, p0  }
0x20: {  	[sflag:s8] =	ssyncset.s32 @!p0 $0xFFFFF086;
	s6 =	sadd.s32 @!p0 s3, s7;
	s7 =	simm.s32 @!p0 $0x108  }
0x21: {  	s3 =	sadd.s32 s3, s9;
	s6 =	sadd.s32 @!p0 $0x88, s6;
	s7 =	simm.s32 @p2 $0x1082  }
0x22: {  	[simem:s7], [sflag:s8] =	dma.local @!p0 [hbm:s6], $0xF7A  }
0x23: {  	s9 =	sor.u32 $0xD0000000, s2;
	s6 =	simm.s32 $0x108;
	_ =	swait.ge @!p0 [sflag:s8], $0x0  }
0x24: {  	s3 =	sadd.s32 $0x88, s3;
	s6 =	simm.s32 @!p1 $0x1082;
	[sflag:s4] =	ssyncset.s32 $0xFFFFF086  }
0x25: {  	[simem:s6], [sflag:s4] =	dma.local [hbm:s3], $0xF7A  }
0x26: {  	[smem:$0x3F95] =	sst s1;
	(tag) =	ssettag s2;
	_ =	strace s9  }
0x27: {  	s1 =	sld [smem:$0x3FA5]  }
0x28: {  	s2 =	sld [smem:$0x3FA6]  }
0x29: {  	s4 =	sld [smem:$0x3FA8]  }
0x2a: {  	p0 =	seq.s32 s5, $0x0;
	s5 =	sld [smem:$0x3FA9]  }
0x2b: {  	s6 =	sld [smem:$0x3FAA]  }
0x2c: {  	s7 =	sld [smem:$0x3FAB]  }
0x2d: {  	s3 =	simm.s32 $0x108;
	s8 =	sld [smem:$0x3FAC]  }
0x2e: {  	s3 =	simm.s32 @!p0 $0x1082;
	s9 =	sld [smem:$0x3FAD]  }
0x2f: {  	lr =	sadd.s32 s0, s3;
	s0 =	sld [smem:$0x3FA4]  }
0x30: {  	s3 =	sld [smem:$0x3FA7]  }
0x31: {  	[smem:$0x3FB0] =	sst s10  }
0x32: {  	s10 =	sld [smem:$0x3FAE];
	_ =	sdelay $0x3  }
0x33: {  	p0 =	seq.s32 s10, $0x1;
	s10 =	sld [smem:$0x3FB0];
	_ =	sdelay $0x3  }
0x34: {  	[smem:$0x3FB0] =	sst s10  }
0x35: {  	s10 =	sld [smem:$0x3FAF];
	_ =	sdelay $0x3  }
0x36: {  	p1 =	seq.s32 s10, $0x1;
	s10 =	sld [smem:$0x3FB0];
	_ =	sdelay $0x3  }
0x37: {  	[smem:$0x3FB0] =	sst s10  }
0x38: {  	s10 =	sld [smem:$0x3FB1]  }
0x39: {  	_ = 	snop;
	(pc) =	sbr.ind lr, $3  }
0x3a: {  	_ = 	snop  }
0x3b: {  	_ = 	snop  }
0x3c: {  	p2 =	seq.s32 s10, $0x1;
	s10 =	sld [smem:$0x3FB0]  }
0x3d: {  	_ =	shalt  }
0x3e: {  	_ =	shalt  }
0x3f: {  	_ =	shalt  }
0x40: {  	_ =	shalt  }
0x41: {  	_ =	shalt  }
0x42: {  	_ =	shalt  }
0x43: {  	_ =	shalt  }
0x44: {  	_ =	shalt  }
0x45: {  	_ =	shalt  }
0x46: {  	_ =	shalt  }
0x47: {  	_ =	shalt  }
0x48: {  	_ =	shalt  }
0x49: {  	_ =	shalt  }
0x4a: {  	_ =	shalt  }
0x4b: {  	_ =	shalt  }
0x4c: {  	_ =	shalt  }
0x4d: {  	_ =	shalt  }
0x4e: {  	_ =	shalt  }
0x4f: {  	_ =	shalt  }
0x50: {  	_ =	shalt  }
0x51: {  	_ =	shalt  }
0x52: {  	_ =	shalt  }
0x53: {  	_ =	shalt  }
0x54: {  	_ =	shalt  }
0x55: {  	_ =	shalt  }
0x56: {  	_ =	shalt  }
0x57: {  	_ =	shalt  }
0x58: {  	_ =	shalt  }
0x59: {  	_ =	shalt  }
0x5a: {  	_ =	shalt  }
0x5b: {  	_ =	shalt  }
0x5c: {  	_ =	shalt  }
0x5d: {  	_ =	shalt  }
0x5e: {  	_ =	shalt  }
0x5f: {  	_ =	shalt  }
0x60: {  	_ =	shalt  }
0x61: {  	_ =	shalt  }
0x62: {  	_ =	shalt  }
0x63: {  	_ =	shalt  }
0x64: {  	_ =	shalt  }
0x65: {  	_ =	shalt  }
0x66: {  	_ =	shalt  }
0x67: {  	_ =	shalt  }
0x68: {  	_ =	shalt  }
0x69: {  	_ =	shalt  }
0x6a: {  	_ =	shalt  }
0x6b: {  	_ =	shalt  }
0x6c: {  	_ =	shalt  }
0x6d: {  	_ =	shalt  }
0x6e: {  	_ =	shalt  }
0x6f: {  	_ =	shalt  }
0x70: {  	_ =	shalt  }
0x71: {  	_ =	shalt  }
0x72: {  	_ =	shalt  }
0x73: {  	_ =	shalt  }
0x74: {  	_ =	shalt  }
0x75: {  	_ =	shalt  }
0x76: {  	_ =	shalt  }
0x77: {  	_ =	shalt  }
0x78: {  	_ =	shalt  }
0x79: {  	_ =	shalt  }
0x7a: {  	_ =	shalt  }
0x7b: {  	_ =	shalt  }
0x7c: {  	_ =	shalt  }
0x7d: {  	_ =	shalt  }
0x7e: {  	_ =	shalt  }
0x7f: {  	_ =	shalt  }
0x80: {  	_ =	shalt  }
0x81: {  	_ =	shalt  }
0x82: {  	_ =	shalt  }
0x83: {  	_ =	shalt  }
0x84: {  	_ =	shalt  }
0x85: {  	_ =	shalt  }
0x86: {  	_ =	shalt  }
0x87: {  	_ =	shalt  }
.Lfunc_end0:
.L_simem_size_0:
called_computation.5_lowered:
.L_overlay_start_0:
0x88: {  	s2 =	sld [smem:$0x3FD9]  }
0x89: {  	s3 =	sld [smem:$0x3FFE];
	_ =	sdelay $0x1  }
0x8a: {  	s1 =	srdreg.scid  }
0x8b: {  	s0 =	sand.u32 $0x1, s1  }
0x8c: {  	s16 =	sshll.u32 s0, $0xA;
	s2 =	sadd.s32 s3, s2  }
0x8d: {  	s2 =	sadd.s32 s2, s16  }
0x8e: {  	[smem:$0x3FBC] =	sst s2  }
0x8f: {  	_ = 	snop  }
0x90: {  	(tm) =	ssettm $0x1  }
0x91: {  	s17 =	sld [smem:$0x3FFB];
	_ =	sdelay $0x3  }
0x92: {  	_ =	strace s17  }
0x93: {  	s2 =	sld [smem:$0x3FFC];
	_ =	sdelay $0x3  }
0x94: {  	_ =	strace s2  }
0x95: {  	s2 =	sld [smem:$0x3FFD];
	_ =	sdelay $0x3  }
0x96: {  	_ =	strace s2  }
0x97: {  	_ =	strace $0x8FFFFFFF  }
0x98: {  	s18 =	sld [smem:$0x3FDB];
	_ =	sdelay $0x1  }
0x99: {  	s19 =	simm.s32 $_scs_section_size  }
0x9a: {  	s4 =	simm.s32 $_size__tile_overlayer_lowered;
	s5 =	simm.s32 $_tile_overlayer_lowered  }
0x9b: {  	s22 =	simm.s32 $0x1BFF;
	s21 =	sshll.u32 s5, $0x1;
	s2 =	sadd.s32 s19, s18  }
0x9c: {  	s6 =	simm.s32 $0x0;
	s20 =	sshll.u32 s4, $0x1;
	s4 =	sadd.s32 s21, s2  }
0x9d: {  	[timem:s6], [sflag:s22] =	dma.local [hbm:s4], s20  }
0x9e: {  	_ =	swait.ge [sflag:s22], s20  }
0x9f: {  	s3 =	ssub.s32 $0x0, s20;
	[sflag:s22] =	ssyncset.done $0x0  }
0xa0: {  	[sflag:s22] =	ssyncadd.s32 s3;
	_ =	sdelay $0x1  }
0xa1: {  	s23 =	simm.s32 $0x1B8B  }
0xa2: {  	_ =	swait.ge [sflag:s23], $0x1  }
0xa3: {  	[sflag:s23] =	ssyncset.done $0x0  }
0xa4: {  	s25 =	simm.s32 $0x1B8E;
	s24 =	sld [smem:$0x3FFE];
	[sflag:s23] =	ssyncadd.s32 $0xFFFFFFFF  }
0xa5: {  	s26 =	simm.s32 $execute0_lowered;
	[smem:$0x3FD2] =	sst s25  }
0xa6: {  	s4 =	sshll.u32 s26, $0x1;
	_ =	strace $0x8000004F;
	[dreg:$0x1] =	wrdreg $0xFFFFFFFF  }
0xa7: {  	s28 =	simm.s32 $_size_execute0_lowered;
	s2 =	sadd.s32 s2, s4;
	[dreg:$0x0] =	wrdreg $0x0  }
0xa8: {  	s4 =	sshll.u32 s28, $0x1;
	[dreg:$0x2] =	wrdreg s2  }
0xa9: {  	[dreg:$0x3] =	wrdreg s4  }
0xaa: {  	[dreg:$0x4] =	wrdreg $0xC0  }
0xab: {  	_ =	task [dreg:s6], $0x5FFFF  }
0xac: {  	[dreg:$0x1] =	wrdreg $0xFFFFFFFF  }
0xad: {  	[dreg:$0x0] =	wrdreg $0x60  }
0xae: {  	[dreg:$0x2] =	wrdreg s24  }
0xaf: {  	[dreg:$0x3] =	wrdreg $0xB  }
0xb0: {  	_ =	task.clear_ibuf [dreg:s6], $0x4FFFF;
	_ =	strace $0x9000004F  }
0xb1: {  	s29 =	simm.s32 $0xB;
	_ =	strace $0x80000051  }
0xb2: {  	_ =	swait.ge [sflag:s29], $0x1  }
0xb3: {  	[sflag:s29] =	ssyncadd.s32 $0xFFFFFFFF  }
0xb4: {  	_ =	strace $0x90000051  }
0xb5: {  	_ =	sfence  }
0xb6: {  	s30 =	sld [smem:$0x0];
	_ =	sdelay $0x2  }
0xb7: {  	s31 =	sshll.u32 s1, $0xD;
	s1 =	sshrl.u32 s1, $0x2  }
0xb8: {  	s3 =	sand.u32 $0x4000, s31;
	s1 =	sadd.s32 s1, s30  }
0xb9: {  	s0 =	sor.u32 s3, s0;
	s1 =	sshll.u32 s1, $0x11  }
0xba: {  	s0 =	sor.u32 s1, s0  }
0xbb: {  	s0 =	sadd.s32 $0x8F2B, s0  }
0xbc: {  	[sflag:s0] =	ssyncadd.remote.s32 $0x1  }
0xbd: {  	_ =	sfence.sel $0xFFFF  }
0xbe: {  	[dreg:$0x0] =	wrdreg $0xFFFFFFFF;
	(pc) =	sbr.abs _section_cstart, $3  }
0xbf: {  	[dreg:$0x1] =	wrdreg $0xFFFFFFFF  }
0xc0: {  	_ =	task.clear_ibuf [dreg:s6], $0x2FFFF;
	_ =	strace $0x9FFFFFFF  }
0xc1: {  	(tm) =	ssettm $0x7FFFFFFF  }
tec
execute0_lowered:
.L_overlay_start_1:
0x0: {  	(tag) =	ssettag $0x1  }
0x1: {  	s0 =	rddreg [dreg:$0x0];
	s1 =	srdreg.scid  }
0x2: {  	s2 =	simm.s32 $0x0;
	s9 =	stileid.u32;
	s12 =	simm.s32 $0xD  }
0x3: {  	s14 =	simm.s32 $0x80;
	s15 =	simm.s32 $0x5000;
	s16 =	simm.s32 $0x7000  }
0x4: {  	s17 =	simm.s32 $0x9000;
	s18 =	simm.s32 $0xB000;
	s19 =	simm.s32 $0x1  }
0x5: {  	s20 =	simm.s32 $0x2;
	s21 =	simm.s32 $0x3;
	s22 =	simm.s32 $0x4  }
0x6: {  	s28 =	simm.s32 $0x9;
	s29 =	simm.s32 $0xA;
	s6 =	smul.u32 $0x2800, s9  }
0x7: {  	s30 =	simm.s32 $0xB;
	s1 =	sand.u32 $0x1, s1;
	s9 =	smul.u32 $0xA0000, s9  }
0x8: {  	[smem:$0x7FF] =	sst s2;
	s3 =	sadd.s32 $0xAA200, s0;
	s5 =	smul.u32 $0x28000, s1  }
0x9: {  	s4 =	sadd.s32 $0x2E00, s0;
	s7 =	ssub.s32 $0x2, s1;
	s1 =	smul.u32 $0xA00000, s1  }
0xa: {  	_ =	strace $0x80000050;
	s8 =	sshrl.u32 s7, $0x1;
	s5 =	sadd.s32 s6, s5  }
0xb: {  	s7 =	ssub.s32 s7, s8;
	s1 =	sadd.s32 s9, s1;
	s6 =	sshrl.u32 s5, $0x3  }
0xc: {  	s5 =	sshll.u32 s5, $0x3;
	s24 =	smax.u32 s7, $0x1;
	s6 =	sadd.s32 s6, s0  }
0xd: {  	s1 =	sshrl.u32 s1, $0x3;
	[dreg:$0x4] =	wrdreg s24;
	s23 =	sadd.s32 $0x2AC00, s6  }
0xe: {  	s0 =	sadd.s32 $0xBDC00, s0;
	s6 =	sadd.s32 $0x20C00, s6;
	[dreg:$0x2] =	wrdreg s23  }
0xf: {  	s5 =	sadd.s32 s5, s0;
	s0 =	sadd.s32 s1, s0;
	[dreg:$0x3] =	wrdreg s6  }
0x10: {  	s31 =	simm.s32 $0xC;
	s24 =	simm.s32 $0x6;
	[dreg:$0x5] =	wrdreg s0  }
0x11: {  	s25 =	sadd.s32 $0x800, s5;
	s26 =	sadd.s32 $0x400, s5;
	s11 =	sadd.s32 $0xC00, s5  }
0x12: {  	s23 =	simm.s32 $0x5;
	s0 =	simm.s32 $0x0;
	[dreg:$0x6] =	wrdreg s25  }
0x13: {  	[dreg:$0x7] =	wrdreg s26;
	s25 =	simm.s32 $0x7;
	s26 =	simm.s32 $0x8  }
.LBB2_1:
0x14: {  	s1 =	rddreg [dreg:$0x2]  }
0x15: {  	[tilespmem:s2], [sflag:$0xD] =	stream.linear.gather [hbm4b:s1+s2], $0x2800, $0x38;
	[tilespmem:$0xD000] =	vst v63  }
0x16: {  	_ =	swait.ge [sflag:s12], $0x2800  }
0x17: {  	[sflag:s12] =	ssyncset.done $0x0  }
0x18: {  	s5 =	simm.s32 $0x2800;
	s8 =	rddreg [dreg:$0x3];
	[sflag:s12] =	ssyncadd.s32 $0xFFFFD800  }
0x19: {  	[tilespmem:s5], [sflag:$0xD] =	stream.linear.gather [hbm4b:s8+s2], $0x2800, $0x38;
	[tilespmem:$0xD000] =	vst v63  }
0x1a: {  	_ =	swait.ge [sflag:s12], $0x2800  }
0x1b: {  	[sflag:s12] =	ssyncset.done $0x0  }
0x1c: {  	s9 =	simm.s32 $0x0;
	[sflag:s12] =	ssyncadd.s32 $0xFFFFD800  }
0x1d: {  	[tilespmem:s15], [sflag:$0x1] =	stream.indirect.gather [hbm4b:s3+s14], $0x40, s9, s14, $0xb8;
	[tilespmem:$0xD000] =	vst v63  }
0x1e: {  	s10 =	simm.s32 $0x80  }
0x1f: {  	[tilespmem:s16], [sflag:$0x2] =	stream.indirect.gather [hbm4b:s3+s14], $0x40, s10, s14, $0xb8;
	[tilespmem:$0xD000] =	vst v63  }
0x20: {  	s13 =	simm.s32 $0x100  }
0x21: {  	[tilespmem:s17], [sflag:$0x3] =	stream.indirect.gather [hbm4b:s3+s14], $0x40, s13, s14, $0xb8;
	[tilespmem:$0xD000] =	vst v63  }
0x22: {  	s5 =	simm.s32 $0x180  }
0x23: {  	[tilespmem:s18], [sflag:$0x4] =	stream.indirect.gather [hbm4b:s3+s14], $0x40, s5, s14, $0xb8;
	[tilespmem:$0xD000] =	vst v63  }
0x24: {  	_ =	swait.ge [sflag:s19], $0x2000  }
0x25: {  	[sflag:s19] =	ssyncset.done $0x0  }
0x26: {  	s6 =	simm.s32 $0x2800;
	[sflag:s19] =	ssyncadd.s32 $0xFFFFE000  }
0x27: {  	[tilespmem:s15], [sflag:$0x5] =	stream.indirect.gather.add.f32 [hbm:s4], $0x40, s6, s14, $0xb8;
	[tilespmem:$0xD000] =	vst v63  }
0x28: {  	_ =	swait.ge [sflag:s20], $0x2000  }
0x29: {  	[sflag:s20] =	ssyncset.done $0x0  }
0x2a: {  	s7 =	simm.s32 $0x2880;
	[sflag:s20] =	ssyncadd.s32 $0xFFFFE000  }
0x2b: {  	[tilespmem:s16], [sflag:$0x6] =	stream.indirect.gather.add.f32 [hbm:s4], $0x40, s7, s14, $0xb8;
	[tilespmem:$0xD000] =	vst v63  }
0x2c: {  	_ =	swait.ge [sflag:s21], $0x2000  }
0x2d: {  	[sflag:s21] =	ssyncset.done $0x0  }
0x2e: {  	s8 =	simm.s32 $0x2900;
	[sflag:s21] =	ssyncadd.s32 $0xFFFFE000  }
0x2f: {  	[tilespmem:s17], [sflag:$0x7] =	stream.indirect.gather.add.f32 [hbm:s4], $0x40, s8, s14, $0xb8;
	[tilespmem:$0xD000] =	vst v63  }
0x30: {  	_ =	swait.ge [sflag:s22], $0x2000  }
0x31: {  	[sflag:s22] =	ssyncset.done $0x0  }
0x32: {  	s9 =	simm.s32 $0x2980;
	[sflag:s22] =	ssyncadd.s32 $0xFFFFE000  }
0x33: {  	[tilespmem:s18], [sflag:$0x8] =	stream.indirect.gather.add.f32 [hbm:s4], $0x40, s9, s14, $0xb8;
	[tilespmem:$0xD000] =	vst v63  }
0x34: {  	_ =	swait.ge [sflag:s23], $0x2000  }
0x35: {  	[sflag:s23] =	ssyncset.done $0x0  }
0x36: {  	s10 =	rddreg [dreg:$0x5];
	[sflag:s23] =	ssyncadd.s32 $0xFFFFE000  }
0x37: {  	[hbm4b:s10+s2] =	stream.linear.scatter [tilespmem:s15], [sflag:$0x9], $0x2000, $0x38;
	[tilespmem:$0xD000] =	vst v63  }
0x38: {  	_ =	swait.ge [sflag:s24], $0x2000  }
0x39: {  	[sflag:s24] =	ssyncset.done $0x0  }
0x3a: {  	s13 =	rddreg [dreg:$0x7];
	[sflag:s24] =	ssyncadd.s32 $0xFFFFE000  }
0x3b: {  	[hbm4b:s13+s2] =	stream.linear.scatter [tilespmem:s16], [sflag:$0xA], $0x2000, $0x38;
	[tilespmem:$0xD000] =	vst v63  }
0x3c: {  	_ =	swait.ge [sflag:s25], $0x2000  }
0x3d: {  	[sflag:s25] =	ssyncset.done $0x0  }
0x3e: {  	s9 =	rddreg [dreg:$0x6];
	[sflag:s25] =	ssyncadd.s32 $0xFFFFE000  }
0x3f: {  	[hbm4b:s9+s2] =	stream.linear.scatter [tilespmem:s17], [sflag:$0xB], $0x2000, $0x38;
	[tilespmem:$0xD000] =	vst v63  }
0x40: {  	_ =	swait.ge [sflag:s26], $0x2000  }
0x41: {  	[sflag:s26] =	ssyncset.done $0x0  }
0x42: {  	[sflag:s26] =	ssyncadd.s32 $0xFFFFE000  }
0x43: {  	[hbm4b:s11+s2] =	stream.linear.scatter [tilespmem:s18], [sflag:$0xC], $0x2000, $0x38;
	[tilespmem:$0xD000] =	vst v63  }
0x44: {  	_ =	swait.ge [sflag:s28], $0x2000  }
0x45: {  	[sflag:s28] =	ssyncset.done $0x0  }
0x46: {  	[sflag:s28] =	ssyncadd.s32 $0xFFFFE000  }
0x47: {  	_ =	swait.ge [sflag:s29], $0x2000  }
0x48: {  	[sflag:s29] =	ssyncset.done $0x0  }
0x49: {  	[sflag:s29] =	ssyncadd.s32 $0xFFFFE000  }
0x4a: {  	_ =	swait.ge [sflag:s30], $0x2000  }
0x4b: {  	[sflag:s30] =	ssyncset.done $0x0  }
0x4c: {  	s1 =	sadd.s32 $0x1000, s11;
	s7 =	simm.s32 $0x800;
	[sflag:s30] =	ssyncadd.s32 $0xFFFFE000  }
0x4d: {  	s8 =	simm.s32 $0x1000;
	s6 =	sadd.s32 $0x1000, s10;
	_ =	swait.ge [sflag:s31], $0x2000  }
0x4e: {  	s13 =	sadd.s32 $0x1000, s13;
	s5 =	sadd.s32 $0x1000, s9;
	[sflag:s31] =	ssyncset.done $0x0  }
.LBB2_2:
0x4f: {  	s10 =	sshra.s32 s7, $0x2  }
0x50: {  	[sflag:s31] =	ssyncadd.s32 $0xFFFFE000;
	s7 =	smov.u32 s8;
	s9 =	sadd.s32 $0x800, s8  }
0x51: {  	[tilespmem:s15], [sflag:$0x1] =	stream.indirect.gather [hbm4b:s3+s14], $0x40, s10, s14, $0xb8;
	[tilespmem:$0xD000] =	vst v63  }
0x52: {  	p0 =	sne.s32 s8, $0x9800;
	s8 =	sadd.s32 $0x80, s10  }
0x53: {  	[tilespmem:s16], [sflag:$0x2] =	stream.indirect.gather [hbm4b:s3+s14], $0x40, s8, s14, $0xb8;
	[tilespmem:$0xD000] =	vst v63  }
0x54: {  	s8 =	sadd.s32 $0x100, s10  }
0x55: {  	[tilespmem:s17], [sflag:$0x3] =	stream.indirect.gather [hbm4b:s3+s14], $0x40, s8, s14, $0xb8;
	[tilespmem:$0xD000] =	vst v63  }
0x56: {  	s8 =	sadd.s32 $0x180, s10  }
0x57: {  	[tilespmem:s18], [sflag:$0x4] =	stream.indirect.gather [hbm4b:s3+s14], $0x40, s8, s14, $0xb8;
	[tilespmem:$0xD000] =	vst v63  }
0x58: {  	_ =	swait.ge [sflag:s19], $0x2000  }
0x59: {  	[sflag:s19] =	ssyncset.done $0x0  }
0x5a: {  	s8 =	sadd.s32 $0x2800, s10;
	[sflag:s19] =	ssyncadd.s32 $0xFFFFE000  }
0x5b: {  	[tilespmem:s15], [sflag:$0x5] =	stream.indirect.gather.add.f32 [hbm:s4], $0x40, s8, s14, $0xb8;
	[tilespmem:$0xD000] =	vst v63  }
0x5c: {  	_ =	swait.ge [sflag:s20], $0x2000  }
0x5d: {  	[sflag:s20] =	ssyncset.done $0x0  }
0x5e: {  	s8 =	sadd.s32 $0x2880, s10;
	[sflag:s20] =	ssyncadd.s32 $0xFFFFE000  }
0x5f: {  	[tilespmem:s16], [sflag:$0x6] =	stream.indirect.gather.add.f32 [hbm:s4], $0x40, s8, s14, $0xb8;
	[tilespmem:$0xD000] =	vst v63  }
0x60: {  	_ =	swait.ge [sflag:s21], $0x2000  }
0x61: {  	[sflag:s21] =	ssyncset.done $0x0  }
0x62: {  	s8 =	sadd.s32 $0x2900, s10;
	[sflag:s21] =	ssyncadd.s32 $0xFFFFE000  }
0x63: {  	[tilespmem:s17], [sflag:$0x7] =	stream.indirect.gather.add.f32 [hbm:s4], $0x40, s8, s14, $0xb8;
	[tilespmem:$0xD000] =	vst v63  }
0x64: {  	_ =	swait.ge [sflag:s22], $0x2000  }
0x65: {  	[sflag:s22] =	ssyncset.done $0x0  }
0x66: {  	s8 =	sadd.s32 $0x2980, s10;
	[sflag:s22] =	ssyncadd.s32 $0xFFFFE000  }
0x67: {  	[tilespmem:s18], [sflag:$0x8] =	stream.indirect.gather.add.f32 [hbm:s4], $0x40, s8, s14, $0xb8;
	[tilespmem:$0xD000] =	vst v63  }
0x68: {  	_ =	swait.ge [sflag:s23], $0x2000  }
0x69: {  	[sflag:s23] =	ssyncset.done $0x0  }
0x6a: {  	[sflag:s23] =	ssyncadd.s32 $0xFFFFE000  }
0x6b: {  	[hbm4b:s6+s2] =	stream.linear.scatter [tilespmem:s15], [sflag:$0x9], $0x2000, $0x38;
	[tilespmem:$0xD000] =	vst v63  }
0x6c: {  	_ =	swait.ge [sflag:s24], $0x2000  }
0x6d: {  	[sflag:s24] =	ssyncset.done $0x0  }
0x6e: {  	[sflag:s24] =	ssyncadd.s32 $0xFFFFE000  }
0x6f: {  	[hbm4b:s13+s2] =	stream.linear.scatter [tilespmem:s16], [sflag:$0xA], $0x2000, $0x38;
	[tilespmem:$0xD000] =	vst v63  }
0x70: {  	_ =	swait.ge [sflag:s25], $0x2000  }
0x71: {  	[sflag:s25] =	ssyncset.done $0x0  }
0x72: {  	[sflag:s25] =	ssyncadd.s32 $0xFFFFE000  }
0x73: {  	[hbm4b:s5+s2] =	stream.linear.scatter [tilespmem:s17], [sflag:$0xB], $0x2000, $0x38;
	[tilespmem:$0xD000] =	vst v63  }
0x74: {  	_ =	swait.ge [sflag:s26], $0x2000  }
0x75: {  	[sflag:s26] =	ssyncset.done $0x0  }
0x76: {  	[sflag:s26] =	ssyncadd.s32 $0xFFFFE000  }
0x77: {  	[hbm4b:s1+s2] =	stream.linear.scatter [tilespmem:s18], [sflag:$0xC], $0x2000, $0x38;
	[tilespmem:$0xD000] =	vst v63  }
0x78: {  	_ =	swait.ge [sflag:s28], $0x2000  }
0x79: {  	[sflag:s28] =	ssyncset.done $0x0  }
0x7a: {  	[sflag:s28] =	ssyncadd.s32 $0xFFFFE000  }
0x7b: {  	_ =	swait.ge [sflag:s29], $0x2000  }
0x7c: {  	[sflag:s29] =	ssyncset.done $0x0  }
0x7d: {  	[sflag:s29] =	ssyncadd.s32 $0xFFFFE000  }
.Ltmp0:
0x7e: {  	_ =	swait.ge [sflag:s30], $0x2000;
	(pc) =	sbr.rel @p0 .LBB2_2-.Ltmp0, $4  }
0x7f: {  	[sflag:s30] =	ssyncset.done $0x0  }
0x80: {  	s8 =	smov.u32 s9;
	[sflag:s30] =	ssyncadd.s32 $0xFFFFE000  }
0x81: {  	s13 =	sadd.s32 $0x1000, s13;
	s1 =	sadd.s32 $0x1000, s1;
	_ =	swait.ge [sflag:s31], $0x2000  }
0x82: {  	s6 =	sadd.s32 $0x1000, s6;
	s5 =	sadd.s32 $0x1000, s5;
	[sflag:s31] =	ssyncset.done $0x0  }
0x83: {  	s7 =	sshra.s32 s7, $0x2;
	[sflag:s31] =	ssyncadd.s32 $0xFFFFE000  }
0x84: {  	[tilespmem:s15], [sflag:$0x1] =	stream.indirect.gather [hbm4b:s3+s14], $0x40, s7, s14, $0xb8;
	[tilespmem:$0xD000] =	vst v63  }
0x85: {  	s8 =	sadd.s32 $0x80, s7  }
0x86: {  	[tilespmem:s16], [sflag:$0x2] =	stream.indirect.gather [hbm4b:s3+s14], $0x40, s8, s14, $0xb8;
	[tilespmem:$0xD000] =	vst v63  }
0x87: {  	s10 =	sadd.s32 $0x100, s7  }
0x88: {  	[tilespmem:s17], [sflag:$0x3] =	stream.indirect.gather [hbm4b:s3+s14], $0x40, s10, s14, $0xb8;
	[tilespmem:$0xD000] =	vst v63  }
0x89: {  	s9 =	sadd.s32 $0x180, s7  }
0x8a: {  	[tilespmem:s18], [sflag:$0x4] =	stream.indirect.gather [hbm4b:s3+s14], $0x40, s9, s14, $0xb8;
	[tilespmem:$0xD000] =	vst v63  }
0x8b: {  	_ =	swait.ge [sflag:s19], $0x2000  }
0x8c: {  	[sflag:s19] =	ssyncset.done $0x0  }
0x8d: {  	s10 =	sadd.s32 $0x2800, s7;
	[sflag:s19] =	ssyncadd.s32 $0xFFFFE000  }
0x8e: {  	[tilespmem:s15], [sflag:$0x5] =	stream.indirect.gather.add.f32 [hbm:s4], $0x40, s10, s14, $0xb8;
	[tilespmem:$0xD000] =	vst v63  }
0x8f: {  	_ =	swait.ge [sflag:s20], $0x2000  }
0x90: {  	[sflag:s20] =	ssyncset.done $0x0  }
0x91: {  	s9 =	sadd.s32 $0x2880, s7;
	[sflag:s20] =	ssyncadd.s32 $0xFFFFE000  }
0x92: {  	[tilespmem:s16], [sflag:$0x6] =	stream.indirect.gather.add.f32 [hbm:s4], $0x40, s9, s14, $0xb8;
	[tilespmem:$0xD000] =	vst v63  }
0x93: {  	_ =	swait.ge [sflag:s21], $0x2000  }
0x94: {  	[sflag:s21] =	ssyncset.done $0x0  }
0x95: {  	s10 =	sadd.s32 $0x2900, s7;
	[sflag:s21] =	ssyncadd.s32 $0xFFFFE000  }
0x96: {  	[tilespmem:s17], [sflag:$0x7] =	stream.indirect.gather.add.f32 [hbm:s4], $0x40, s10, s14, $0xb8;
	[tilespmem:$0xD000] =	vst v63  }
0x97: {  	_ =	swait.ge [sflag:s22], $0x2000  }
0x98: {  	[sflag:s22] =	ssyncset.done $0x0  }
0x99: {  	s7 =	sadd.s32 $0x2980, s7;
	[sflag:s22] =	ssyncadd.s32 $0xFFFFE000  }
0x9a: {  	[tilespmem:s18], [sflag:$0x8] =	stream.indirect.gather.add.f32 [hbm:s4], $0x40, s7, s14, $0xb8;
	[tilespmem:$0xD000] =	vst v63  }
0x9b: {  	_ =	swait.ge [sflag:s23], $0x2000  }
0x9c: {  	[sflag:s23] =	ssyncset.done $0x0  }
0x9d: {  	[sflag:s23] =	ssyncadd.s32 $0xFFFFE000  }
0x9e: {  	[hbm4b:s6+s2] =	stream.linear.scatter [tilespmem:s15], [sflag:$0x9], $0x2000, $0x38;
	[tilespmem:$0xD000] =	vst v63  }
0x9f: {  	_ =	swait.ge [sflag:s24], $0x2000  }
0xa0: {  	[sflag:s24] =	ssyncset.done $0x0  }
0xa1: {  	[sflag:s24] =	ssyncadd.s32 $0xFFFFE000  }
0xa2: {  	[hbm4b:s13+s2] =	stream.linear.scatter [tilespmem:s16], [sflag:$0xA], $0x2000, $0x38;
	[tilespmem:$0xD000] =	vst v63  }
0xa3: {  	_ =	swait.ge [sflag:s25], $0x2000  }
0xa4: {  	[sflag:s25] =	ssyncset.done $0x0  }
0xa5: {  	[sflag:s25] =	ssyncadd.s32 $0xFFFFE000  }
0xa6: {  	[hbm4b:s5+s2] =	stream.linear.scatter [tilespmem:s17], [sflag:$0xB], $0x2000, $0x38;
	[tilespmem:$0xD000] =	vst v63  }
0xa7: {  	_ =	swait.ge [sflag:s26], $0x2000  }
0xa8: {  	[sflag:s26] =	ssyncset.done $0x0  }
0xa9: {  	[sflag:s26] =	ssyncadd.s32 $0xFFFFE000  }
0xaa: {  	[hbm4b:s1+s2] =	stream.linear.scatter [tilespmem:s18], [sflag:$0xC], $0x2000, $0x38;
	[tilespmem:$0xD000] =	vst v63  }
0xab: {  	_ =	swait.ge [sflag:s28], $0x2000  }
0xac: {  	[sflag:s28] =	ssyncset.done $0x0  }
0xad: {  	[sflag:s28] =	ssyncadd.s32 $0xFFFFE000  }
0xae: {  	_ =	swait.ge [sflag:s29], $0x2000  }
0xaf: {  	[sflag:s29] =	ssyncset.done $0x0  }
0xb0: {  	[sflag:s29] =	ssyncadd.s32 $0xFFFFE000  }
0xb1: {  	_ =	swait.ge [sflag:s30], $0x2000  }
0xb2: {  	[sflag:s30] =	ssyncset.done $0x0  }
0xb3: {  	[sflag:s30] =	ssyncadd.s32 $0xFFFFE000  }
0xb4: {  	_ =	swait.ge [sflag:s31], $0x2000  }
0xb5: {  	s0 =	sadd.s32 $0x1, s0;
	s13 =	rddreg [dreg:$0x4]  }
0xb6: {  	p0 =	sne.s32 s0, s13  }
.Ltmp1:
0xb7: {  	_ = 	snop;
	(pc) =	sbr.rel @p0 .LBB2_1-.Ltmp1, $3  }
0xb8: {  	_ =	sdelay $0x1  }
0xb9: {  	[sflag:s31] =	ssyncset.done $0x0  }
0xba: {  	[sflag:s31] =	ssyncadd.s32 $0xFFFFE000  }
0xbb: {  	_ =	sfence.sel $0x180000  }
0xbc: {  	[bflag:$0x0] =	sbarrier.arrive $0xFFFF  }
0xbd: {  	_ =	strace $0x90000050  }
0xbe: {  	s0 =	stileid.u32;
	[bflag:$0x2] =	sbarrier.arrive $0xFFFF  }
0xbf: {  	p0 =	sne.s32 s0, $0x0;
	s0 =	rddreg [dreg:$0x1]  }
0xc0: {  	s0 =	sadd.s32 @!p0 $0x100000, s0  }
0xc1: {  	[sflag:s0] =	ssyncadd.tile.s32 @!p0 $0x1;
	_ =	shalt  }
.Lfunc_end2:
_tile_overlayer_lowered:
.L_overlay_start_2:
0xc2: {  	(tag) =	ssettag $0x2  }
0xc3: {  	s0 =	rddreg [dreg:$0x0];
	s2 =	stileid.u32  }
0xc4: {  	s1 =	rddreg [dreg:$0x1];
	p0 =	sne.s32 s2, $0x0  }
0xc5: {  	s3 =	rddreg [dreg:$0x2];
	[bflag:$0x3] =	sbarrier.arrive $0xFFFF;
	s2 =	simm.s32 @!p0 $0x1C0D  }
0xc6: {  	[timem:s3], [sflag:s2] =	dma.local @!p0 [hbm:s0], s1  }
0xc7: {  	s0 =	simm.s32 @!p0 $0xD  }
0xc8: {  	_ =	swait.ge @!p0 [sflag:s0], s1  }
0xc9: {  	s1 =	ssub.s32 @!p0 $0x0, s1;
	[sflag:s0] =	ssyncset.done @!p0 $0x0  }
0xca: {  	[sflag:s0] =	ssyncadd.s32 @!p0 s1  }
0xcb: {  	[bflag:$0x3] =	sbarrier.arrive $0xFFFF  }
0xcc: {  	_ =	shalt  }

</sc_bundles>
